<compile_context>
chip_gen: v7x
topology: tpu7x:2x2x1
jax: 0.10.2.dev20260603
libtpu: 0.0.44.dev20260713+nightly
codegen_flags: <defaults>
</compile_context>

<pallas_src>
import functools

import jax
import jax.numpy as jnp
from jax import lax
from jax.experimental import pallas as pl
from jax.experimental.pallas import tpu as pltpu
from jax.experimental.pallas import tpu_sc as plsc

B, L, V, D = 4096, 50, 100000, 64
CUM = [0, 2, 10, 21]
LABEL = 21

NC, NS = 2, 16
NW = NC * NS
LPAD = 52
CB = 2
PER_W = B // NW
CHUNKS = PER_W // CB
NBUF = 4
CHUNK_IDX = CB * LPAD


def _sc_pool(table, xpad):
    mesh = plsc.VectorSubcoreMesh(core_axis_name="c", subcore_axis_name="s")

    @functools.partial(
        pl.kernel,
        mesh=mesh,
        out_type=jax.ShapeDtypeStruct((B, D), jnp.float32),
        scratch_types=[
            pltpu.VMEM((CHUNKS, CHUNK_IDX), jnp.int32),
            pltpu.VMEM((CHUNK_IDX, D), jnp.float32),
            pltpu.VMEM((CHUNK_IDX, D), jnp.float32),
            pltpu.VMEM((CHUNK_IDX, D), jnp.float32),
            pltpu.VMEM((CHUNK_IDX, D), jnp.float32),
            pltpu.VMEM((PER_W, D), jnp.float32),
            pltpu.SemaphoreType.DMA,
            pltpu.SemaphoreType.DMA,
            pltpu.SemaphoreType.DMA,
            pltpu.SemaphoreType.DMA,
        ],
        compiler_params=pltpu.CompilerParams(use_tc_tiling_on_sc=False),
    )
    def pool(table_hbm, xpad_hbm, out_hbm,
             idx_v, buf0, buf1, buf2, buf3, acc,
             sem0, sem1, sem2, sem3):
        bufs = (buf0, buf1, buf2, buf3)
        sems = (sem0, sem1, sem2, sem3)
        wid = lax.axis_index("s") * NC + lax.axis_index("c")
        base = wid * PER_W

        pltpu.sync_copy(xpad_hbm.at[pl.ds(wid * CHUNKS, CHUNKS)], idx_v)

        def start(i, b):
            pltpu.async_copy(table_hbm.at[idx_v.at[i]], bufs[b], sems[b])

        def seg_sum(buf, r0):
            def body(r, carry):
                row = r0 + r
                return tuple(carry[q] + buf[row, pl.ds(16 * q, 16)]
                             for q in range(4))
            z = jnp.zeros((16,), jnp.float32)
            return lax.fori_loop(0, L, body, (z, z, z, z), unroll=10)

        for b in range(NBUF):
            start(b, b)

        def outer(j, carry):
            for b in range(NBUF):
                i = j * NBUF + b
                pltpu.make_async_copy(
                    table_hbm.at[idx_v.at[i]], bufs[b], sems[b]).wait()
                for s2 in range(CB):
                    a = seg_sum(bufs[b], s2 * LPAD)
                    row_l = CB * i + s2
                    for q in range(4):
                        acc[row_l, pl.ds(16 * q, 16)] = a[q]

                @pl.when(i + NBUF < CHUNKS)
                def _():
                    start(i + NBUF, b)
            return carry

        lax.fori_loop(0, CHUNKS // NBUF, outer, 0)
        pltpu.sync_copy(acc, out_hbm.at[pl.ds(base, PER_W)])

    return pool(table, xpad)


def _tc_heads(user_sum, mask, y, ob, wcat, bcat):
    def body(us_ref, mask_ref, y_ref, ob_ref, w_ref, b_ref,
             logit_ref, loss_ref):
        xlen = jnp.sum(mask_ref[...].astype(jnp.float32), axis=1,
                       keepdims=True)
        ur = us_ref[...] / xlen
        lg = jnp.dot(ur, w_ref[...], preferred_element_type=jnp.float32)
        wc = (lg + b_ref[...]) * ob_ref[...]
        logit_ref[...] = wc
        total = jnp.float32(0.0)
        for i in range(3):
            s, e = CUM[i], CUM[i + 1]
            sl = wc[:, s:e]
            m = jnp.max(sl, axis=1, keepdims=True)
            lse = jnp.log(jnp.sum(jnp.exp(sl - m), axis=1, keepdims=True)) + m
            logp = sl - lse
            total = total - jnp.sum(y_ref[:, s:e] * logp) / B
        loss_ref[...] = jnp.reshape(total, (1, 1))

    return pl.pallas_call(
        body,
        out_shape=[
            jax.ShapeDtypeStruct((B, LABEL), jnp.float32),
            jax.ShapeDtypeStruct((1, 1), jnp.float32),
        ],
    )(user_sum, mask, y, ob, wcat, bcat)


def kernel(x, x_mask, y, ob, table, W0, b0, W1, b1, W2, b2):
    xi = x.astype(jnp.int32)
    xpad = jnp.concatenate([xi, xi[:, :LPAD - L]], axis=1)
    xpad = xpad.reshape(B // CB, CHUNK_IDX)
    user_sum = _sc_pool(table, xpad)
    wcat = jnp.concatenate([W0, W1, W2], axis=1)
    bcat = jnp.concatenate([b0, b1, b2]).reshape(1, LABEL)
    logit, loss2d = _tc_heads(user_sum, x_mask, y, ob, wcat, bcat)
    return logit, loss2d[0, 0]

# --- scband reference (transcript-rebuilt; emitter-appended) ---
"""Pipeline reference for scband-avg-pooling-3650722201907 (READ-ONLY COPY).

The authoritative reference and input builder live on the scoring server;
editing this copy changes nothing except your own understanding.
"""

import jax, jax.numpy as jnp
import numpy as np

B, L, V, D = 4096, 50, 100000, 64
ATTR_LEN = [2, 8, 11]
CUM = [0, 2, 10, 21]
LABEL = 21


def setup_inputs(seed: int = 0) -> dict:
    key = jax.random.key(seed)
    ks = jax.random.split(key, 10)
    x = jax.random.randint(ks[0], (B, L), 0, V)
    x_mask = jnp.ones((B, L), dtype=bool)
    y = jax.random.uniform(ks[1], (B, LABEL), dtype=jnp.float32)
    ob = jnp.ones((B, LABEL), dtype=jnp.float32)
    table = jax.random.normal(ks[2], (V, D), dtype=jnp.float32) * 0.02
    table = table.at[0].set(0.0)  # padding_idx=0
    W0 = jax.random.normal(ks[3], (D, ATTR_LEN[0]), dtype=jnp.float32) * 0.02
    b0 = jnp.zeros((ATTR_LEN[0],), dtype=jnp.float32)
    W1 = jax.random.normal(ks[4], (D, ATTR_LEN[1]), dtype=jnp.float32) * 0.02
    b1 = jnp.zeros((ATTR_LEN[1],), dtype=jnp.float32)
    W2 = jax.random.normal(ks[5], (D, ATTR_LEN[2]), dtype=jnp.float32) * 0.02
    b2 = jnp.zeros((ATTR_LEN[2],), dtype=jnp.float32)
    return {"x": x, "x_mask": x_mask, "y": y, "ob": ob, "table": table,
            "W0": W0, "b0": b0, "W1": W1, "b1": b1, "W2": W2, "b2": b2}


def reference(x, x_mask, y, ob, table, W0, b0, W1, b1, W2, b2):
    # x_len = sum over mask
    x_len = jnp.sum(x_mask.astype(jnp.int32), axis=1).astype(jnp.float32)
    # embedding lookup (padding_idx=0 row is zero in table)
    embed = jnp.take(table, x, axis=0)  # [B, L, D]
    # average pooling over history (vectorized form of the per-sample loop)
    user_rep = jnp.sum(embed, axis=1) / x_len[:, None]  # [B, D]
    # per-task linear heads, concatenated (JNE / non-structured path)
    W_user = jnp.concatenate([user_rep @ W0 + b0,
                              user_rep @ W1 + b1,
                              user_rep @ W2 + b2], axis=1)  # [B, 21]
    W_compact = W_user * ob
    # compute_loss: per-attribute softmax cross-entropy over each slice
    loss = jnp.float32(0.0)
    logits = []
    for i in range(3):
        s, e = CUM[i], CUM[i + 1]
        lg = W_compact[:, s:e]
        logp = jax.nn.log_softmax(lg, axis=1)
        loss = loss - jnp.sum(y[:, s:e] * logp) / W_compact.shape[0]
        logits.append(lg)
    logit = jnp.concatenate(logits, axis=1)
    return logit, loss

if __name__ == "__main__":
    import jax
    _d = setup_inputs()
    print(jax.jit(kernel)(*tuple(_d.values())))

</pallas_src>

<mosaic_0001>
#map = affine_map<(d0, d1) -> (0, 0)>
module attributes {stable_mosaic.version = 14 : i64} {
  func.func @pool(%arg0: i32, %arg1: i32, %arg2: memref<100000x64xf32, #tpu.memory_space<hbm>>, %arg3: memref<2048x104xi32, #tpu.memory_space<hbm>>, %arg4: memref<4096x64xf32, #tpu.memory_space<hbm>>, %arg5: memref<64x104xi32, #tpu.memory_space<vmem>>, %arg6: memref<104x64xf32, #tpu.memory_space<vmem>>, %arg7: memref<104x64xf32, #tpu.memory_space<vmem>>, %arg8: memref<104x64xf32, #tpu.memory_space<vmem>>, %arg9: memref<104x64xf32, #tpu.memory_space<vmem>>, %arg10: memref<128x64xf32, #tpu.memory_space<vmem>>, %arg11: memref<!tpu.dma_semaphore, #tpu.memory_space<semaphore_mem>>, %arg12: memref<!tpu.dma_semaphore, #tpu.memory_space<semaphore_mem>>, %arg13: memref<!tpu.dma_semaphore, #tpu.memory_space<semaphore_mem>>, %arg14: memref<!tpu.dma_semaphore, #tpu.memory_space<semaphore_mem>>) attributes {dimension_semantics = [#tpu.dimension_semantics<core_parallel>, #tpu.dimension_semantics<subcore_parallel>], iteration_bounds = array<i64: 2, 16>, scalar_prefetch = 0 : i64, scratch_operands = 10 : i64, tpu.core_type = #tpu.core_type<sc_vector_subcore>, window_params = [{transform_indices = #map}, {transform_indices = #map}, {transform_indices = #map}]} {
    %mul3A = arith.constant 2 : i32
    %mul3A_0 = arith.muli %arg1, %mul3A : i32
    %add3A = arith.addi %mul3A_0, %arg0 : i32
    %mul3A_1 = arith.constant 128 : i32
    %mul3A_2 = arith.muli %add3A, %mul3A_1 : i32
    %mul3A_3 = arith.constant 64 : i32
    %mul3A_4 = arith.muli %add3A, %mul3A_3 : i32
    "tpu.region"() ({
      %run_scoped3A = tpu.sem_alloc : memref<!tpu.dma_semaphore, #tpu.memory_space<semaphore_mem>>
      %dma_start3A_37 = arith.constant 0 : i32
      %dma_start3A_38 = tpu.memref_slice %arg3[%mul3A_4, %dma_start3A_37] : memref<2048x104xi32, #tpu.memory_space<hbm>> -> memref<64x104xi32, #tpu.memory_space<hbm>>
      %dma_start3A_39 = arith.constant 0 : i32
      %dma_start3A_40 = tpu.memref_slice %arg3[%mul3A_4, %dma_start3A_39] : memref<2048x104xi32, #tpu.memory_space<hbm>> -> memref<64x104xi32, #tpu.memory_space<hbm>>
      tpu.enqueue_dma source(%dma_start3A_40 : memref<64x104xi32, #tpu.memory_space<hbm>>) target(%arg5 : memref<64x104xi32, #tpu.memory_space<vmem>>) target_semaphore(%run_scoped3A : memref<!tpu.dma_semaphore, #tpu.memory_space<semaphore_mem>>)
      %dma_wait3A = arith.constant 0 : i32
      %dma_wait3A_41 = tpu.memref_slice %arg3[%mul3A_4, %dma_wait3A] : memref<2048x104xi32, #tpu.memory_space<hbm>> -> memref<64x104xi32, #tpu.memory_space<hbm>>
      %dma_wait3A_42 = arith.constant 0 : i32
      %dma_wait3A_43 = tpu.memref_slice %arg3[%mul3A_4, %dma_wait3A_42] : memref<2048x104xi32, #tpu.memory_space<hbm>> -> memref<64x104xi32, #tpu.memory_space<hbm>>
      tpu.wait_dma2 semaphore(%run_scoped3A : memref<!tpu.dma_semaphore, #tpu.memory_space<semaphore_mem>>) src(%dma_wait3A_43 : memref<64x104xi32, #tpu.memory_space<hbm>>) dst(%arg5 : memref<64x104xi32, #tpu.memory_space<vmem>>)
      tpu.yield
    }) : () -> ()
    %dma_start3A = arith.constant 0 : i32
    %dma_start3A_5 = arith.constant 0 : i32
    %dma_start3A_6 = tpu.memref_slice %arg5[%dma_start3A, %dma_start3A_5] : memref<64x104xi32, #tpu.memory_space<vmem>> -> memref<1x104xi32, #tpu.memory_space<vmem>>
    %dma_start3A_7 = tpu.memref_squeeze %dma_start3A_6 : memref<1x104xi32, #tpu.memory_space<vmem>> -> memref<104xi32, #tpu.memory_space<vmem>>
    %dma_start3A_8 = arith.constant 0 : i32
    %dma_start3A_9 = arith.constant 0 : i32
    %dma_start3A_10 = tpu.memref_slice %arg2[%dma_start3A_8, %dma_start3A_9] : memref<100000x64xf32, #tpu.memory_space<hbm>> -> memref<100000x64xf32, #tpu.memory_space<hbm>>
    tpu.enqueue_indirect_dma source(%dma_start3A_10 : memref<100000x64xf32, #tpu.memory_space<hbm>>) target(%arg6 : memref<104x64xf32, #tpu.memory_space<vmem>>) offsets(%dma_start3A_7 : memref<104xi32, #tpu.memory_space<vmem>>) semaphore(%arg11 : memref<!tpu.dma_semaphore, #tpu.memory_space<semaphore_mem>>)
    %dma_start3A_11 = arith.constant 1 : i32
    %dma_start3A_12 = arith.constant 0 : i32
    %dma_start3A_13 = tpu.memref_slice %arg5[%dma_start3A_11, %dma_start3A_12] : memref<64x104xi32, #tpu.memory_space<vmem>> -> memref<1x104xi32, #tpu.memory_space<vmem>>
    %dma_start3A_14 = tpu.memref_squeeze %dma_start3A_13 : memref<1x104xi32, #tpu.memory_space<vmem>> -> memref<104xi32, #tpu.memory_space<vmem>>
    %dma_start3A_15 = arith.constant 0 : i32
    %dma_start3A_16 = arith.constant 0 : i32
    %dma_start3A_17 = tpu.memref_slice %arg2[%dma_start3A_15, %dma_start3A_16] : memref<100000x64xf32, #tpu.memory_space<hbm>> -> memref<100000x64xf32, #tpu.memory_space<hbm>>
    tpu.enqueue_indirect_dma source(%dma_start3A_17 : memref<100000x64xf32, #tpu.memory_space<hbm>>) target(%arg7 : memref<104x64xf32, #tpu.memory_space<vmem>>) offsets(%dma_start3A_14 : memref<104xi32, #tpu.memory_space<vmem>>) semaphore(%arg12 : memref<!tpu.dma_semaphore, #tpu.memory_space<semaphore_mem>>)
    %dma_start3A_18 = arith.constant 2 : i32
    %dma_start3A_19 = arith.constant 0 : i32
    %dma_start3A_20 = tpu.memref_slice %arg5[%dma_start3A_18, %dma_start3A_19] : memref<64x104xi32, #tpu.memory_space<vmem>> -> memref<1x104xi32, #tpu.memory_space<vmem>>
    %dma_start3A_21 = tpu.memref_squeeze %dma_start3A_20 : memref<1x104xi32, #tpu.memory_space<vmem>> -> memref<104xi32, #tpu.memory_space<vmem>>
    %dma_start3A_22 = arith.constant 0 : i32
    %dma_start3A_23 = arith.constant 0 : i32
    %dma_start3A_24 = tpu.memref_slice %arg2[%dma_start3A_22, %dma_start3A_23] : memref<100000x64xf32, #tpu.memory_space<hbm>> -> memref<100000x64xf32, #tpu.memory_space<hbm>>
    tpu.enqueue_indirect_dma source(%dma_start3A_24 : memref<100000x64xf32, #tpu.memory_space<hbm>>) target(%arg8 : memref<104x64xf32, #tpu.memory_space<vmem>>) offsets(%dma_start3A_21 : memref<104xi32, #tpu.memory_space<vmem>>) semaphore(%arg13 : memref<!tpu.dma_semaphore, #tpu.memory_space<semaphore_mem>>)
    %dma_start3A_25 = arith.constant 3 : i32
    %dma_start3A_26 = arith.constant 0 : i32
    %dma_start3A_27 = tpu.memref_slice %arg5[%dma_start3A_25, %dma_start3A_26] : memref<64x104xi32, #tpu.memory_space<vmem>> -> memref<1x104xi32, #tpu.memory_space<vmem>>
    %dma_start3A_28 = tpu.memref_squeeze %dma_start3A_27 : memref<1x104xi32, #tpu.memory_space<vmem>> -> memref<104xi32, #tpu.memory_space<vmem>>
    %dma_start3A_29 = arith.constant 0 : i32
    %dma_start3A_30 = arith.constant 0 : i32
    %dma_start3A_31 = tpu.memref_slice %arg2[%dma_start3A_29, %dma_start3A_30] : memref<100000x64xf32, #tpu.memory_space<hbm>> -> memref<100000x64xf32, #tpu.memory_space<hbm>>
    tpu.enqueue_indirect_dma source(%dma_start3A_31 : memref<100000x64xf32, #tpu.memory_space<hbm>>) target(%arg9 : memref<104x64xf32, #tpu.memory_space<vmem>>) offsets(%dma_start3A_28 : memref<104xi32, #tpu.memory_space<vmem>>) semaphore(%arg14 : memref<!tpu.dma_semaphore, #tpu.memory_space<semaphore_mem>>)
    %scan3A = arith.constant 0 : i32
    %scan3A_32 = arith.constant 0 : i32
    %scan3A_33 = arith.constant 16 : i32
    %scan3A_34 = arith.addi %scan3A_32, %scan3A_33 : i32
    %scan3A_35 = arith.constant 1 : i32
    scf.for %scan3A_37 = %scan3A_32 to %scan3A_34 step %scan3A_35  : i32 {
      %mul3A_38 = arith.constant 4 : i32
      %mul3A_39 = arith.muli %scan3A_37, %mul3A_38 : i32
      %add3A_40 = arith.constant 0 : i32
      %add3A_41 = arith.addi %mul3A_39, %add3A_40 : i32
      %dma_wait3A = arith.constant 0 : i32
      %dma_wait3A_42 = tpu.memref_slice %arg5[%add3A_41, %dma_wait3A] : memref<64x104xi32, #tpu.memory_space<vmem>> -> memref<1x104xi32, #tpu.memory_space<vmem>>
      %dma_wait3A_43 = tpu.memref_squeeze %dma_wait3A_42 : memref<1x104xi32, #tpu.memory_space<vmem>> -> memref<104xi32, #tpu.memory_space<vmem>>
      %dma_wait3A_44 = arith.constant 0 : i32
      %dma_wait3A_45 = arith.constant 0 : i32
      %dma_wait3A_46 = tpu.memref_slice %arg2[%dma_wait3A_44, %dma_wait3A_45] : memref<100000x64xf32, #tpu.memory_space<hbm>> -> memref<100000x64xf32, #tpu.memory_space<hbm>>
      tpu.wait_indirect_dma semaphore(%arg11 : memref<!tpu.dma_semaphore, #tpu.memory_space<semaphore_mem>>) src(%dma_wait3A_46 : memref<100000x64xf32, #tpu.memory_space<hbm>>) dst(%arg6 : memref<104x64xf32, #tpu.memory_space<vmem>>)
      %broadcast_in_dim3A = arith.constant 0.000000e+00 : f32
      %broadcast_in_dim3A_47 = vector.broadcast %broadcast_in_dim3A : f32 to vector<16xf32>
      %scan3A_48 = arith.constant 0 : i32
      %scan3A_49 = arith.constant 50 : i32
      %scan3A_50 = arith.addi %scan3A_48, %scan3A_49 : i32
      %scan3A_51 = arith.constant 10 : i32
      %scan3A_52:4 = scf.for %scan3A_356 = %scan3A_48 to %scan3A_50 step %scan3A_51 iter_args(%scan3A_357 = %broadcast_in_dim3A_47, %scan3A_358 = %broadcast_in_dim3A_47, %scan3A_359 = %broadcast_in_dim3A_47, %scan3A_360 = %broadcast_in_dim3A_47) -> (vector<16xf32>, vector<16xf32>, vector<16xf32>, vector<16xf32>)  : i32 {
        %add3A_361 = arith.constant 0 : i32
        %add3A_362 = arith.addi %add3A_361, %scan3A_356 : i32
        %get3A = arith.index_cast %add3A_362 : i32 to index
        %get3A_363 = arith.constant 0 : index
        %get3A_364 = tpu.vector_load %arg6[%get3A, %get3A_363] {strides = array<i32>} : memref<104x64xf32, #tpu.memory_space<vmem>>, vector<1x16xf32>,
        %get3A_365 = vector.shape_cast %get3A_364 : vector<1x16xf32> to vector<16xf32>
        %add3A_366 = arith.addf %scan3A_357, %get3A_365 : vector<16xf32>
        %get3A_367 = arith.index_cast %add3A_362 : i32 to index
        %get3A_368 = arith.constant 16 : index
        %get3A_369 = tpu.vector_load %arg6[%get3A_367, %get3A_368] {strides = array<i32>} : memref<104x64xf32, #tpu.memory_space<vmem>>, vector<1x16xf32>,
        %get3A_370 = vector.shape_cast %get3A_369 : vector<1x16xf32> to vector<16xf32>
        %add3A_371 = arith.addf %scan3A_358, %get3A_370 : vector<16xf32>
        %get3A_372 = arith.index_cast %add3A_362 : i32 to index
        %get3A_373 = arith.constant 32 : index
        %get3A_374 = tpu.vector_load %arg6[%get3A_372, %get3A_373] {strides = array<i32>} : memref<104x64xf32, #tpu.memory_space<vmem>>, vector<1x16xf32>,
        %get3A_375 = vector.shape_cast %get3A_374 : vector<1x16xf32> to vector<16xf32>
        %add3A_376 = arith.addf %scan3A_359, %get3A_375 : vector<16xf32>
        %get3A_377 = arith.index_cast %add3A_362 : i32 to index
        %get3A_378 = arith.constant 48 : index
        %get3A_379 = tpu.vector_load %arg6[%get3A_377, %get3A_378] {strides = array<i32>} : memref<104x64xf32, #tpu.memory_space<vmem>>, vector<1x16xf32>,
        %get3A_380 = vector.shape_cast %get3A_379 : vector<1x16xf32> to vector<16xf32>
        %add3A_381 = arith.addf %scan3A_360, %get3A_380 : vector<16xf32>
        %scan3A_382 = arith.constant 1 : i32
        %scan3A_383 = arith.addi %scan3A_356, %scan3A_382 : i32
        %add3A_384 = arith.constant 0 : i32
        %add3A_385 = arith.addi %add3A_384, %scan3A_383 : i32
        %get3A_386 = arith.index_cast %add3A_385 : i32 to index
        %get3A_387 = arith.constant 0 : index
        %get3A_388 = tpu.vector_load %arg6[%get3A_386, %get3A_387] {strides = array<i32>} : memref<104x64xf32, #tpu.memory_space<vmem>>, vector<1x16xf32>,
        %get3A_389 = vector.shape_cast %get3A_388 : vector<1x16xf32> to vector<16xf32>
        %add3A_390 = arith.addf %add3A_366, %get3A_389 : vector<16xf32>
        %get3A_391 = arith.index_cast %add3A_385 : i32 to index
        %get3A_392 = arith.constant 16 : index
        %get3A_393 = tpu.vector_load %arg6[%get3A_391, %get3A_392] {strides = array<i32>} : memref<104x64xf32, #tpu.memory_space<vmem>>, vector<1x16xf32>,
        %get3A_394 = vector.shape_cast %get3A_393 : vector<1x16xf32> to vector<16xf32>
        %add3A_395 = arith.addf %add3A_371, %get3A_394 : vector<16xf32>
        %get3A_396 = arith.index_cast %add3A_385 : i32 to index
        %get3A_397 = arith.constant 32 : index
        %get3A_398 = tpu.vector_load %arg6[%get3A_396, %get3A_397] {strides = array<i32>} : memref<104x64xf32, #tpu.memory_space<vmem>>, vector<1x16xf32>,
        %get3A_399 = vector.shape_cast %get3A_398 : vector<1x16xf32> to vector<16xf32>
        %add3A_400 = arith.addf %add3A_376, %get3A_399 : vector<16xf32>
        %get3A_401 = arith.index_cast %add3A_385 : i32 to index
        %get3A_402 = arith.constant 48 : index
        %get3A_403 = tpu.vector_load %arg6[%get3A_401, %get3A_402] {strides = array<i32>} : memref<104x64xf32, #tpu.memory_space<vmem>>, vector<1x16xf32>,
        %get3A_404 = vector.shape_cast %get3A_403 : vector<1x16xf32> to vector<16xf32>
        %add3A_405 = arith.addf %add3A_381, %get3A_404 : vector<16xf32>
        %scan3A_406 = arith.constant 2 : i32
        %scan3A_407 = arith.addi %scan3A_356, %scan3A_406 : i32
        %add3A_408 = arith.constant 0 : i32
        %add3A_409 = arith.addi %add3A_408, %scan3A_407 : i32
        %get3A_410 = arith.index_cast %add3A_409 : i32 to index
        %get3A_411 = arith.constant 0 : index
        %get3A_412 = tpu.vector_load %arg6[%get3A_410, %get3A_411] {strides = array<i32>} : memref<104x64xf32, #tpu.memory_space<vmem>>, vector<1x16xf32>,
        %get3A_413 = vector.shape_cast %get3A_412 : vector<1x16xf32> to vector<16xf32>
        %add3A_414 = arith.addf %add3A_390, %get3A_413 : vector<16xf32>
        %get3A_415 = arith.index_cast %add3A_409 : i32 to index
        %get3A_416 = arith.constant 16 : index
        %get3A_417 = tpu.vector_load %arg6[%get3A_415, %get3A_416] {strides = array<i32>} : memref<104x64xf32, #tpu.memory_space<vmem>>, vector<1x16xf32>,
        %get3A_418 = vector.shape_cast %get3A_417 : vector<1x16xf32> to vector<16xf32>
        %add3A_419 = arith.addf %add3A_395, %get3A_418 : vector<16xf32>
        %get3A_420 = arith.index_cast %add3A_409 : i32 to index
        %get3A_421 = arith.constant 32 : index
        %get3A_422 = tpu.vector_load %arg6[%get3A_420, %get3A_421] {strides = array<i32>} : memref<104x64xf32, #tpu.memory_space<vmem>>, vector<1x16xf32>,
        %get3A_423 = vector.shape_cast %get3A_422 : vector<1x16xf32> to vector<16xf32>
        %add3A_424 = arith.addf %add3A_400, %get3A_423 : vector<16xf32>
        %get3A_425 = arith.index_cast %add3A_409 : i32 to index
        %get3A_426 = arith.constant 48 : index
        %get3A_427 = tpu.vector_load %arg6[%get3A_425, %get3A_426] {strides = array<i32>} : memref<104x64xf32, #tpu.memory_space<vmem>>, vector<1x16xf32>,
        %get3A_428 = vector.shape_cast %get3A_427 : vector<1x16xf32> to vector<16xf32>
        %add3A_429 = arith.addf %add3A_405, %get3A_428 : vector<16xf32>
        %scan3A_430 = arith.constant 3 : i32
        %scan3A_431 = arith.addi %scan3A_356, %scan3A_430 : i32
        %add3A_432 = arith.constant 0 : i32
        %add3A_433 = arith.addi %add3A_432, %scan3A_431 : i32
        %get3A_434 = arith.index_cast %add3A_433 : i32 to index
        %get3A_435 = arith.constant 0 : index
        %get3A_436 = tpu.vector_load %arg6[%get3A_434, %get3A_435] {strides = array<i32>} : memref<104x64xf32, #tpu.memory_space<vmem>>, vector<1x16xf32>,
        %get3A_437 = vector.shape_cast %get3A_436 : vector<1x16xf32> to vector<16xf32>
        %add3A_438 = arith.addf %add3A_414, %get3A_437 : vector<16xf32>
        %get3A_439 = arith.index_cast %add3A_433 : i32 to index
        %get3A_440 = arith.constant 16 : index
        %get3A_441 = tpu.vector_load %arg6[%get3A_439, %get3A_440] {strides = array<i32>} : memref<104x64xf32, #tpu.memory_space<vmem>>, vector<1x16xf32>,
        %get3A_442 = vector.shape_cast %get3A_441 : vector<1x16xf32> to vector<16xf32>
        %add3A_443 = arith.addf %add3A_419, %get3A_442 : vector<16xf32>
        %get3A_444 = arith.index_cast %add3A_433 : i32 to index
        %get3A_445 = arith.constant 32 : index
        %get3A_446 = tpu.vector_load %arg6[%get3A_444, %get3A_445] {strides = array<i32>} : memref<104x64xf32, #tpu.memory_space<vmem>>, vector<1x16xf32>,
        %get3A_447 = vector.shape_cast %get3A_446 : vector<1x16xf32> to vector<16xf32>
        %add3A_448 = arith.addf %add3A_424, %get3A_447 : vector<16xf32>
        %get3A_449 = arith.index_cast %add3A_433 : i32 to index
        %get3A_450 = arith.constant 48 : index
        %get3A_451 = tpu.vector_load %arg6[%get3A_449, %get3A_450] {strides = array<i32>} : memref<104x64xf32, #tpu.memory_space<vmem>>, vector<1x16xf32>,
        %get3A_452 = vector.shape_cast %get3A_451 : vector<1x16xf32> to vector<16xf32>
        %add3A_453 = arith.addf %add3A_429, %get3A_452 : vector<16xf32>
        %scan3A_454 = arith.constant 4 : i32
        %scan3A_455 = arith.addi %scan3A_356, %scan3A_454 : i32
        %add3A_456 = arith.constant 0 : i32
        %add3A_457 = arith.addi %add3A_456, %scan3A_455 : i32
        %get3A_458 = arith.index_cast %add3A_457 : i32 to index
        %get3A_459 = arith.constant 0 : index
        %get3A_460 = tpu.vector_load %arg6[%get3A_458, %get3A_459] {strides = array<i32>} : memref<104x64xf32, #tpu.memory_space<vmem>>, vector<1x16xf32>,
        %get3A_461 = vector.shape_cast %get3A_460 : vector<1x16xf32> to vector<16xf32>
        %add3A_462 = arith.addf %add3A_438, %get3A_461 : vector<16xf32>
        %get3A_463 = arith.index_cast %add3A_457 : i32 to index
        %get3A_464 = arith.constant 16 : index
        %get3A_465 = tpu.vector_load %arg6[%get3A_463, %get3A_464] {strides = array<i32>} : memref<104x64xf32, #tpu.memory_space<vmem>>, vector<1x16xf32>,
        %get3A_466 = vector.shape_cast %get3A_465 : vector<1x16xf32> to vector<16xf32>
        %add3A_467 = arith.addf %add3A_443, %get3A_466 : vector<16xf32>
        %get3A_468 = arith.index_cast %add3A_457 : i32 to index
        %get3A_469 = arith.constant 32 : index
        %get3A_470 = tpu.vector_load %arg6[%get3A_468, %get3A_469] {strides = array<i32>} : memref<104x64xf32, #tpu.memory_space<vmem>>, vector<1x16xf32>,
        %get3A_471 = vector.shape_cast %get3A_470 : vector<1x16xf32> to vector<16xf32>
        %add3A_472 = arith.addf %add3A_448, %get3A_471 : vector<16xf32>
        %get3A_473 = arith.index_cast %add3A_457 : i32 to index
        %get3A_474 = arith.constant 48 : index
        %get3A_475 = tpu.vector_load %arg6[%get3A_473, %get3A_474] {strides = array<i32>} : memref<104x64xf32, #tpu.memory_space<vmem>>, vector<1x16xf32>,
        %get3A_476 = vector.shape_cast %get3A_475 : vector<1x16xf32> to vector<16xf32>
        %add3A_477 = arith.addf %add3A_453, %get3A_476 : vector<16xf32>
        %scan3A_478 = arith.constant 5 : i32
        %scan3A_479 = arith.addi %scan3A_356, %scan3A_478 : i32
        %add3A_480 = arith.constant 0 : i32
        %add3A_481 = arith.addi %add3A_480, %scan3A_479 : i32
        %get3A_482 = arith.index_cast %add3A_481 : i32 to index
        %get3A_483 = arith.constant 0 : index
        %get3A_484 = tpu.vector_load %arg6[%get3A_482, %get3A_483] {strides = array<i32>} : memref<104x64xf32, #tpu.memory_space<vmem>>, vector<1x16xf32>,
        %get3A_485 = vector.shape_cast %get3A_484 : vector<1x16xf32> to vector<16xf32>
        %add3A_486 = arith.addf %add3A_462, %get3A_485 : vector<16xf32>
        %get3A_487 = arith.index_cast %add3A_481 : i32 to index
        %get3A_488 = arith.constant 16 : index
        %get3A_489 = tpu.vector_load %arg6[%get3A_487, %get3A_488] {strides = array<i32>} : memref<104x64xf32, #tpu.memory_space<vmem>>, vector<1x16xf32>,
        %get3A_490 = vector.shape_cast %get3A_489 : vector<1x16xf32> to vector<16xf32>
        %add3A_491 = arith.addf %add3A_467, %get3A_490 : vector<16xf32>
        %get3A_492 = arith.index_cast %add3A_481 : i32 to index
        %get3A_493 = arith.constant 32 : index
        %get3A_494 = tpu.vector_load %arg6[%get3A_492, %get3A_493] {strides = array<i32>} : memref<104x64xf32, #tpu.memory_space<vmem>>, vector<1x16xf32>,
        %get3A_495 = vector.shape_cast %get3A_494 : vector<1x16xf32> to vector<16xf32>
        %add3A_496 = arith.addf %add3A_472, %get3A_495 : vector<16xf32>
        %get3A_497 = arith.index_cast %add3A_481 : i32 to index
        %get3A_498 = arith.constant 48 : index
        %get3A_499 = tpu.vector_load %arg6[%get3A_497, %get3A_498] {strides = array<i32>} : memref<104x64xf32, #tpu.memory_space<vmem>>, vector<1x16xf32>,
        %get3A_500 = vector.shape_cast %get3A_499 : vector<1x16xf32> to vector<16xf32>
        %add3A_501 = arith.addf %add3A_477, %get3A_500 : vector<16xf32>
        %scan3A_502 = arith.constant 6 : i32
        %scan3A_503 = arith.addi %scan3A_356, %scan3A_502 : i32
        %add3A_504 = arith.constant 0 : i32
        %add3A_505 = arith.addi %add3A_504, %scan3A_503 : i32
        %get3A_506 = arith.index_cast %add3A_505 : i32 to index
        %get3A_507 = arith.constant 0 : index
        %get3A_508 = tpu.vector_load %arg6[%get3A_506, %get3A_507] {strides = array<i32>} : memref<104x64xf32, #tpu.memory_space<vmem>>, vector<1x16xf32>,
        %get3A_509 = vector.shape_cast %get3A_508 : vector<1x16xf32> to vector<16xf32>
        %add3A_510 = arith.addf %add3A_486, %get3A_509 : vector<16xf32>
        %get3A_511 = arith.index_cast %add3A_505 : i32 to index
        %get3A_512 = arith.constant 16 : index
        %get3A_513 = tpu.vector_load %arg6[%get3A_511, %get3A_512] {strides = array<i32>} : memref<104x64xf32, #tpu.memory_space<vmem>>, vector<1x16xf32>,
        %get3A_514 = vector.shape_cast %get3A_513 : vector<1x16xf32> to vector<16xf32>
        %add3A_515 = arith.addf %add3A_491, %get3A_514 : vector<16xf32>
        %get3A_516 = arith.index_cast %add3A_505 : i32 to index
        %get3A_517 = arith.constant 32 : index
        %get3A_518 = tpu.vector_load %arg6[%get3A_516, %get3A_517] {strides = array<i32>} : memref<104x64xf32, #tpu.memory_space<vmem>>, vector<1x16xf32>,
        %get3A_519 = vector.shape_cast %get3A_518 : vector<1x16xf32> to vector<16xf32>
        %add3A_520 = arith.addf %add3A_496, %get3A_519 : vector<16xf32>
        %get3A_521 = arith.index_cast %add3A_505 : i32 to index
        %get3A_522 = arith.constant 48 : index
        %get3A_523 = tpu.vector_load %arg6[%get3A_521, %get3A_522] {strides = array<i32>} : memref<104x64xf32, #tpu.memory_space<vmem>>, vector<1x16xf32>,
        %get3A_524 = vector.shape_cast %get3A_523 : vector<1x16xf32> to vector<16xf32>
        %add3A_525 = arith.addf %add3A_501, %get3A_524 : vector<16xf32>
        %scan3A_526 = arith.constant 7 : i32
        %scan3A_527 = arith.addi %scan3A_356, %scan3A_526 : i32
        %add3A_528 = arith.constant 0 : i32
        %add3A_529 = arith.addi %add3A_528, %scan3A_527 : i32
        %get3A_530 = arith.index_cast %add3A_529 : i32 to index
        %get3A_531 = arith.constant 0 : index
        %get3A_532 = tpu.vector_load %arg6[%get3A_530, %get3A_531] {strides = array<i32>} : memref<104x64xf32, #tpu.memory_space<vmem>>, vector<1x16xf32>,
        %get3A_533 = vector.shape_cast %get3A_532 : vector<1x16xf32> to vector<16xf32>
        %add3A_534 = arith.addf %add3A_510, %get3A_533 : vector<16xf32>
        %get3A_535 = arith.index_cast %add3A_529 : i32 to index
        %get3A_536 = arith.constant 16 : index
        %get3A_537 = tpu.vector_load %arg6[%get3A_535, %get3A_536] {strides = array<i32>} : memref<104x64xf32, #tpu.memory_space<vmem>>, vector<1x16xf32>,
        %get3A_538 = vector.shape_cast %get3A_537 : vector<1x16xf32> to vector<16xf32>
        %add3A_539 = arith.addf %add3A_515, %get3A_538 : vector<16xf32>
        %get3A_540 = arith.index_cast %add3A_529 : i32 to index
        %get3A_541 = arith.constant 32 : index
        %get3A_542 = tpu.vector_load %arg6[%get3A_540, %get3A_541] {strides = array<i32>} : memref<104x64xf32, #tpu.memory_space<vmem>>, vector<1x16xf32>,
        %get3A_543 = vector.shape_cast %get3A_542 : vector<1x16xf32> to vector<16xf32>
        %add3A_544 = arith.addf %add3A_520, %get3A_543 : vector<16xf32>
        %get3A_545 = arith.index_cast %add3A_529 : i32 to index
        %get3A_546 = arith.constant 48 : index
        %get3A_547 = tpu.vector_load %arg6[%get3A_545, %get3A_546] {strides = array<i32>} : memref<104x64xf32, #tpu.memory_space<vmem>>, vector<1x16xf32>,
        %get3A_548 = vector.shape_cast %get3A_547 : vector<1x16xf32> to vector<16xf32>
        %add3A_549 = arith.addf %add3A_525, %get3A_548 : vector<16xf32>
        %scan3A_550 = arith.constant 8 : i32
        %scan3A_551 = arith.addi %scan3A_356, %scan3A_550 : i32
        %add3A_552 = arith.constant 0 : i32
        %add3A_553 = arith.addi %add3A_552, %scan3A_551 : i32
        %get3A_554 = arith.index_cast %add3A_553 : i32 to index
        %get3A_555 = arith.constant 0 : index
        %get3A_556 = tpu.vector_load %arg6[%get3A_554, %get3A_555] {strides = array<i32>} : memref<104x64xf32, #tpu.memory_space<vmem>>, vector<1x16xf32>,
        %get3A_557 = vector.shape_cast %get3A_556 : vector<1x16xf32> to vector<16xf32>
        %add3A_558 = arith.addf %add3A_534, %get3A_557 : vector<16xf32>
        %get3A_559 = arith.index_cast %add3A_553 : i32 to index
        %get3A_560 = arith.constant 16 : index
        %get3A_561 = tpu.vector_load %arg6[%get3A_559, %get3A_560] {strides = array<i32>} : memref<104x64xf32, #tpu.memory_space<vmem>>, vector<1x16xf32>,
        %get3A_562 = vector.shape_cast %get3A_561 : vector<1x16xf32> to vector<16xf32>
        %add3A_563 = arith.addf %add3A_539, %get3A_562 : vector<16xf32>
        %get3A_564 = arith.index_cast %add3A_553 : i32 to index
        %get3A_565 = arith.constant 32 : index
        %get3A_566 = tpu.vector_load %arg6[%get3A_564, %get3A_565] {strides = array<i32>} : memref<104x64xf32, #tpu.memory_space<vmem>>, vector<1x16xf32>,
        %get3A_567 = vector.shape_cast %get3A_566 : vector<1x16xf32> to vector<16xf32>
        %add3A_568 = arith.addf %add3A_544, %get3A_567 : vector<16xf32>
        %get3A_569 = arith.index_cast %add3A_553 : i32 to index
        %get3A_570 = arith.constant 48 : index
        %get3A_571 = tpu.vector_load %arg6[%get3A_569, %get3A_570] {strides = array<i32>} : memref<104x64xf32, #tpu.memory_space<vmem>>, vector<1x16xf32>,
        %get3A_572 = vector.shape_cast %get3A_571 : vector<1x16xf32> to vector<16xf32>
        %add3A_573 = arith.addf %add3A_549, %get3A_572 : vector<16xf32>
        %scan3A_574 = arith.constant 9 : i32
        %scan3A_575 = arith.addi %scan3A_356, %scan3A_574 : i32
        %add3A_576 = arith.constant 0 : i32
        %add3A_577 = arith.addi %add3A_576, %scan3A_575 : i32
        %get3A_578 = arith.index_cast %add3A_577 : i32 to index
        %get3A_579 = arith.constant 0 : index
        %get3A_580 = tpu.vector_load %arg6[%get3A_578, %get3A_579] {strides = array<i32>} : memref<104x64xf32, #tpu.memory_space<vmem>>, vector<1x16xf32>,
        %get3A_581 = vector.shape_cast %get3A_580 : vector<1x16xf32> to vector<16xf32>
        %add3A_582 = arith.addf %add3A_558, %get3A_581 : vector<16xf32>
        %get3A_583 = arith.index_cast %add3A_577 : i32 to index
        %get3A_584 = arith.constant 16 : index
        %get3A_585 = tpu.vector_load %arg6[%get3A_583, %get3A_584] {strides = array<i32>} : memref<104x64xf32, #tpu.memory_space<vmem>>, vector<1x16xf32>,
        %get3A_586 = vector.shape_cast %get3A_585 : vector<1x16xf32> to vector<16xf32>
        %add3A_587 = arith.addf %add3A_563, %get3A_586 : vector<16xf32>
        %get3A_588 = arith.index_cast %add3A_577 : i32 to index
        %get3A_589 = arith.constant 32 : index
        %get3A_590 = tpu.vector_load %arg6[%get3A_588, %get3A_589] {strides = array<i32>} : memref<104x64xf32, #tpu.memory_space<vmem>>, vector<1x16xf32>,
        %get3A_591 = vector.shape_cast %get3A_590 : vector<1x16xf32> to vector<16xf32>
        %add3A_592 = arith.addf %add3A_568, %get3A_591 : vector<16xf32>
        %get3A_593 = arith.index_cast %add3A_577 : i32 to index
        %get3A_594 = arith.constant 48 : index
        %get3A_595 = tpu.vector_load %arg6[%get3A_593, %get3A_594] {strides = array<i32>} : memref<104x64xf32, #tpu.memory_space<vmem>>, vector<1x16xf32>,
        %get3A_596 = vector.shape_cast %get3A_595 : vector<1x16xf32> to vector<16xf32>
        %add3A_597 = arith.addf %add3A_573, %get3A_596 : vector<16xf32>
        scf.yield %add3A_582, %add3A_587, %add3A_592, %add3A_597 : vector<16xf32>, vector<16xf32>, vector<16xf32>, vector<16xf32>
      }
      %scan3A_53 = arith.constant 50 : i32
      %mul3A_54 = arith.constant 2 : i32
      %mul3A_55 = arith.muli %mul3A_54, %add3A_41 : i32
      %add3A_56 = arith.constant 0 : i32
      %add3A_57 = arith.addi %mul3A_55, %add3A_56 : i32
      %swap3A = arith.index_cast %add3A_57 : i32 to index
      %swap3A_58 = arith.constant 0 : index
      %swap3A_59 = tpu.vector_load %arg10[%swap3A, %swap3A_58] {strides = array<i32>} : memref<128x64xf32, #tpu.memory_space<vmem>>, vector<1x16xf32>,
      %swap3A_60 = vector.shape_cast %swap3A_59 : vector<1x16xf32> to vector<16xf32>
      %swap3A_61 = vector.shape_cast %scan3A_52#0 : vector<16xf32> to vector<1x16xf32>
      tpu.vector_store %arg10[%swap3A, %swap3A_58], %swap3A_61 {strides = array<i32>} : memref<128x64xf32, #tpu.memory_space<vmem>>, vector<1x16xf32>,
      %swap3A_62 = arith.index_cast %add3A_57 : i32 to index
      %swap3A_63 = arith.constant 16 : index
      %swap3A_64 = tpu.vector_load %arg10[%swap3A_62, %swap3A_63] {strides = array<i32>} : memref<128x64xf32, #tpu.memory_space<vmem>>, vector<1x16xf32>,
      %swap3A_65 = vector.shape_cast %swap3A_64 : vector<1x16xf32> to vector<16xf32>
      %swap3A_66 = vector.shape_cast %scan3A_52#1 : vector<16xf32> to vector<1x16xf32>
      tpu.vector_store %arg10[%swap3A_62, %swap3A_63], %swap3A_66 {strides = array<i32>} : memref<128x64xf32, #tpu.memory_space<vmem>>, vector<1x16xf32>,
      %swap3A_67 = arith.index_cast %add3A_57 : i32 to index
      %swap3A_68 = arith.constant 32 : index
      %swap3A_69 = tpu.vector_load %arg10[%swap3A_67, %swap3A_68] {strides = array<i32>} : memref<128x64xf32, #tpu.memory_space<vmem>>, vector<1x16xf32>,
      %swap3A_70 = vector.shape_cast %swap3A_69 : vector<1x16xf32> to vector<16xf32>
      %swap3A_71 = vector.shape_cast %scan3A_52#2 : vector<16xf32> to vector<1x16xf32>
      tpu.vector_store %arg10[%swap3A_67, %swap3A_68], %swap3A_71 {strides = array<i32>} : memref<128x64xf32, #tpu.memory_space<vmem>>, vector<1x16xf32>,
      %swap3A_72 = arith.index_cast %add3A_57 : i32 to index
      %swap3A_73 = arith.constant 48 : index
      %swap3A_74 = tpu.vector_load %arg10[%swap3A_72, %swap3A_73] {strides = array<i32>} : memref<128x64xf32, #tpu.memory_space<vmem>>, vector<1x16xf32>,
      %swap3A_75 = vector.shape_cast %swap3A_74 : vector<1x16xf32> to vector<16xf32>
      %swap3A_76 = vector.shape_cast %scan3A_52#3 : vector<16xf32> to vector<1x16xf32>
      tpu.vector_store %arg10[%swap3A_72, %swap3A_73], %swap3A_76 {strides = array<i32>} : memref<128x64xf32, #tpu.memory_space<vmem>>, vector<1x16xf32>,
      %broadcast_in_dim3A_77 = arith.constant 0.000000e+00 : f32
      %broadcast_in_dim3A_78 = vector.broadcast %broadcast_in_dim3A_77 : f32 to vector<16xf32>
      %scan3A_79 = arith.constant 0 : i32
      %scan3A_80 = arith.constant 50 : i32
      %scan3A_81 = arith.addi %scan3A_79, %scan3A_80 : i32
      %scan3A_82 = arith.constant 10 : i32
      %scan3A_83:4 = scf.for %scan3A_356 = %scan3A_79 to %scan3A_81 step %scan3A_82 iter_args(%scan3A_357 = %broadcast_in_dim3A_78, %scan3A_358 = %broadcast_in_dim3A_78, %scan3A_359 = %broadcast_in_dim3A_78, %scan3A_360 = %broadcast_in_dim3A_78) -> (vector<16xf32>, vector<16xf32>, vector<16xf32>, vector<16xf32>)  : i32 {
        %add3A_361 = arith.constant 52 : i32
        %add3A_362 = arith.addi %add3A_361, %scan3A_356 : i32
        %get3A = arith.index_cast %add3A_362 : i32 to index
        %get3A_363 = arith.constant 0 : index
        %get3A_364 = tpu.vector_load %arg6[%get3A, %get3A_363] {strides = array<i32>} : memref<104x64xf32, #tpu.memory_space<vmem>>, vector<1x16xf32>,
        %get3A_365 = vector.shape_cast %get3A_364 : vector<1x16xf32> to vector<16xf32>
        %add3A_366 = arith.addf %scan3A_357, %get3A_365 : vector<16xf32>
        %get3A_367 = arith.index_cast %add3A_362 : i32 to index
        %get3A_368 = arith.constant 16 : index
        %get3A_369 = tpu.vector_load %arg6[%get3A_367, %get3A_368] {strides = array<i32>} : memref<104x64xf32, #tpu.memory_space<vmem>>, vector<1x16xf32>,
        %get3A_370 = vector.shape_cast %get3A_369 : vector<1x16xf32> to vector<16xf32>
        %add3A_371 = arith.addf %scan3A_358, %get3A_370 : vector<16xf32>
        %get3A_372 = arith.index_cast %add3A_362 : i32 to index
        %get3A_373 = arith.constant 32 : index
        %get3A_374 = tpu.vector_load %arg6[%get3A_372, %get3A_373] {strides = array<i32>} : memref<104x64xf32, #tpu.memory_space<vmem>>, vector<1x16xf32>,
        %get3A_375 = vector.shape_cast %get3A_374 : vector<1x16xf32> to vector<16xf32>
        %add3A_376 = arith.addf %scan3A_359, %get3A_375 : vector<16xf32>
        %get3A_377 = arith.index_cast %add3A_362 : i32 to index
        %get3A_378 = arith.constant 48 : index
        %get3A_379 = tpu.vector_load %arg6[%get3A_377, %get3A_378] {strides = array<i32>} : memref<104x64xf32, #tpu.memory_space<vmem>>, vector<1x16xf32>,
        %get3A_380 = vector.shape_cast %get3A_379 : vector<1x16xf32> to vector<16xf32>
        %add3A_381 = arith.addf %scan3A_360, %get3A_380 : vector<16xf32>
        %scan3A_382 = arith.constant 1 : i32
        %scan3A_383 = arith.addi %scan3A_356, %scan3A_382 : i32
        %add3A_384 = arith.constant 52 : i32
        %add3A_385 = arith.addi %add3A_384, %scan3A_383 : i32
        %get3A_386 = arith.index_cast %add3A_385 : i32 to index
        %get3A_387 = arith.constant 0 : index
        %get3A_388 = tpu.vector_load %arg6[%get3A_386, %get3A_387] {strides = array<i32>} : memref<104x64xf32, #tpu.memory_space<vmem>>, vector<1x16xf32>,
        %get3A_389 = vector.shape_cast %get3A_388 : vector<1x16xf32> to vector<16xf32>
        %add3A_390 = arith.addf %add3A_366, %get3A_389 : vector<16xf32>
        %get3A_391 = arith.index_cast %add3A_385 : i32 to index
        %get3A_392 = arith.constant 16 : index
        %get3A_393 = tpu.vector_load %arg6[%get3A_391, %get3A_392] {strides = array<i32>} : memref<104x64xf32, #tpu.memory_space<vmem>>, vector<1x16xf32>,
        %get3A_394 = vector.shape_cast %get3A_393 : vector<1x16xf32> to vector<16xf32>
        %add3A_395 = arith.addf %add3A_371, %get3A_394 : vector<16xf32>
        %get3A_396 = arith.index_cast %add3A_385 : i32 to index
        %get3A_397 = arith.constant 32 : index
        %get3A_398 = tpu.vector_load %arg6[%get3A_396, %get3A_397] {strides = array<i32>} : memref<104x64xf32, #tpu.memory_space<vmem>>, vector<1x16xf32>,
        %get3A_399 = vector.shape_cast %get3A_398 : vector<1x16xf32> to vector<16xf32>
        %add3A_400 = arith.addf %add3A_376, %get3A_399 : vector<16xf32>
        %get3A_401 = arith.index_cast %add3A_385 : i32 to index
        %get3A_402 = arith.constant 48 : index
        %get3A_403 = tpu.vector_load %arg6[%get3A_401, %get3A_402] {strides = array<i32>} : memref<104x64xf32, #tpu.memory_space<vmem>>, vector<1x16xf32>,
        %get3A_404 = vector.shape_cast %get3A_403 : vector<1x16xf32> to vector<16xf32>
        %add3A_405 = arith.addf %add3A_381, %get3A_404 : vector<16xf32>
        %scan3A_406 = arith.constant 2 : i32
        %scan3A_407 = arith.addi %scan3A_356, %scan3A_406 : i32
        %add3A_408 = arith.constant 52 : i32
        %add3A_409 = arith.addi %add3A_408, %scan3A_407 : i32
        %get3A_410 = arith.index_cast %add3A_409 : i32 to index
        %get3A_411 = arith.constant 0 : index
        %get3A_412 = tpu.vector_load %arg6[%get3A_410, %get3A_411] {strides = array<i32>} : memref<104x64xf32, #tpu.memory_space<vmem>>, vector<1x16xf32>,
        %get3A_413 = vector.shape_cast %get3A_412 : vector<1x16xf32> to vector<16xf32>
        %add3A_414 = arith.addf %add3A_390, %get3A_413 : vector<16xf32>
        %get3A_415 = arith.index_cast %add3A_409 : i32 to index
        %get3A_416 = arith.constant 16 : index
        %get3A_417 = tpu.vector_load %arg6[%get3A_415, %get3A_416] {strides = array<i32>} : memref<104x64xf32, #tpu.memory_space<vmem>>, vector<1x16xf32>,
        %get3A_418 = vector.shape_cast %get3A_417 : vector<1x16xf32> to vector<16xf32>
        %add3A_419 = arith.addf %add3A_395, %get3A_418 : vector<16xf32>
        %get3A_420 = arith.index_cast %add3A_409 : i32 to index
        %get3A_421 = arith.constant 32 : index
        %get3A_422 = tpu.vector_load %arg6[%get3A_420, %get3A_421] {strides = array<i32>} : memref<104x64xf32, #tpu.memory_space<vmem>>, vector<1x16xf32>,
        %get3A_423 = vector.shape_cast %get3A_422 : vector<1x16xf32> to vector<16xf32>
        %add3A_424 = arith.addf %add3A_400, %get3A_423 : vector<16xf32>
        %get3A_425 = arith.index_cast %add3A_409 : i32 to index
        %get3A_426 = arith.constant 48 : index
        %get3A_427 = tpu.vector_load %arg6[%get3A_425, %get3A_426] {strides = array<i32>} : memref<104x64xf32, #tpu.memory_space<vmem>>, vector<1x16xf32>,
        %get3A_428 = vector.shape_cast %get3A_427 : vector<1x16xf32> to vector<16xf32>
        %add3A_429 = arith.addf %add3A_405, %get3A_428 : vector<16xf32>
        %scan3A_430 = arith.constant 3 : i32
        %scan3A_431 = arith.addi %scan3A_356, %scan3A_430 : i32
        %add3A_432 = arith.constant 52 : i32
        %add3A_433 = arith.addi %add3A_432, %scan3A_431 : i32
        %get3A_434 = arith.index_cast %add3A_433 : i32 to index
        %get3A_435 = arith.constant 0 : index
        %get3A_436 = tpu.vector_load %arg6[%get3A_434, %get3A_435] {strides = array<i32>} : memref<104x64xf32, #tpu.memory_space<vmem>>, vector<1x16xf32>,
        %get3A_437 = vector.shape_cast %get3A_436 : vector<1x16xf32> to vector<16xf32>
        %add3A_438 = arith.addf %add3A_414, %get3A_437 : vector<16xf32>
        %get3A_439 = arith.index_cast %add3A_433 : i32 to index
        %get3A_440 = arith.constant 16 : index
        %get3A_441 = tpu.vector_load %arg6[%get3A_439, %get3A_440] {strides = array<i32>} : memref<104x64xf32, #tpu.memory_space<vmem>>, vector<1x16xf32>,
        %get3A_442 = vector.shape_cast %get3A_441 : vector<1x16xf32> to vector<16xf32>
        %add3A_443 = arith.addf %add3A_419, %get3A_442 : vector<16xf32>
        %get3A_444 = arith.index_cast %add3A_433 : i32 to index
        %get3A_445 = arith.constant 32 : index
        %get3A_446 = tpu.vector_load %arg6[%get3A_444, %get3A_445] {strides = array<i32>} : memref<104x64xf32, #tpu.memory_space<vmem>>, vector<1x16xf32>,
        %get3A_447 = vector.shape_cast %get3A_446 : vector<1x16xf32> to vector<16xf32>
        %add3A_448 = arith.addf %add3A_424, %get3A_447 : vector<16xf32>
        %get3A_449 = arith.index_cast %add3A_433 : i32 to index
        %get3A_450 = arith.constant 48 : index
        %get3A_451 = tpu.vector_load %arg6[%get3A_449, %get3A_450] {strides = array<i32>} : memref<104x64xf32, #tpu.memory_space<vmem>>, vector<1x16xf32>,
        %get3A_452 = vector.shape_cast %get3A_451 : vector<1x16xf32> to vector<16xf32>
        %add3A_453 = arith.addf %add3A_429, %get3A_452 : vector<16xf32>
        %scan3A_454 = arith.constant 4 : i32
        %scan3A_455 = arith.addi %scan3A_356, %scan3A_454 : i32
        %add3A_456 = arith.constant 52 : i32
        %add3A_457 = arith.addi %add3A_456, %scan3A_455 : i32
        %get3A_458 = arith.index_cast %add3A_457 : i32 to index
        %get3A_459 = arith.constant 0 : index
        %get3A_460 = tpu.vector_load %arg6[%get3A_458, %get3A_459] {strides = array<i32>} : memref<104x64xf32, #tpu.memory_space<vmem>>, vector<1x16xf32>,
        %get3A_461 = vector.shape_cast %get3A_460 : vector<1x16xf32> to vector<16xf32>
        %add3A_462 = arith.addf %add3A_438, %get3A_461 : vector<16xf32>
        %get3A_463 = arith.index_cast %add3A_457 : i32 to index
        %get3A_464 = arith.constant 16 : index
        %get3A_465 = tpu.vector_load %arg6[%get3A_463, %get3A_464] {strides = array<i32>} : memref<104x64xf32, #tpu.memory_space<vmem>>, vector<1x16xf32>,
        %get3A_466 = vector.shape_cast %get3A_465 : vector<1x16xf32> to vector<16xf32>
        %add3A_467 = arith.addf %add3A_443, %get3A_466 : vector<16xf32>
        %get3A_468 = arith.index_cast %add3A_457 : i32 to index
        %get3A_469 = arith.constant 32 : index
        %get3A_470 = tpu.vector_load %arg6[%get3A_468, %get3A_469] {strides = array<i32>} : memref<104x64xf32, #tpu.memory_space<vmem>>, vector<1x16xf32>,
        %get3A_471 = vector.shape_cast %get3A_470 : vector<1x16xf32> to vector<16xf32>
        %add3A_472 = arith.addf %add3A_448, %get3A_471 : vector<16xf32>
        %get3A_473 = arith.index_cast %add3A_457 : i32 to index
        %get3A_474 = arith.constant 48 : index
        %get3A_475 = tpu.vector_load %arg6[%get3A_473, %get3A_474] {strides = array<i32>} : memref<104x64xf32, #tpu.memory_space<vmem>>, vector<1x16xf32>,
        %get3A_476 = vector.shape_cast %get3A_475 : vector<1x16xf32> to vector<16xf32>
        %add3A_477 = arith.addf %add3A_453, %get3A_476 : vector<16xf32>
        %scan3A_478 = arith.constant 5 : i32
        %scan3A_479 = arith.addi %scan3A_356, %scan3A_478 : i32
        %add3A_480 = arith.constant 52 : i32
        %add3A_481 = arith.addi %add3A_480, %scan3A_479 : i32
        %get3A_482 = arith.index_cast %add3A_481 : i32 to index
        %get3A_483 = arith.constant 0 : index
        %get3A_484 = tpu.vector_load %arg6[%get3A_482, %get3A_483] {strides = array<i32>} : memref<104x64xf32, #tpu.memory_space<vmem>>, vector<1x16xf32>,
        %get3A_485 = vector.shape_cast %get3A_484 : vector<1x16xf32> to vector<16xf32>
        %add3A_486 = arith.addf %add3A_462, %get3A_485 : vector<16xf32>
        %get3A_487 = arith.index_cast %add3A_481 : i32 to index
        %get3A_488 = arith.constant 16 : index
        %get3A_489 = tpu.vector_load %arg6[%get3A_487, %get3A_488] {strides = array<i32>} : memref<104x64xf32, #tpu.memory_space<vmem>>, vector<1x16xf32>,
        %get3A_490 = vector.shape_cast %get3A_489 : vector<1x16xf32> to vector<16xf32>
        %add3A_491 = arith.addf %add3A_467, %get3A_490 : vector<16xf32>
        %get3A_492 = arith.index_cast %add3A_481 : i32 to index
        %get3A_493 = arith.constant 32 : index
        %get3A_494 = tpu.vector_load %arg6[%get3A_492, %get3A_493] {strides = array<i32>} : memref<104x64xf32, #tpu.memory_space<vmem>>, vector<1x16xf32>,
        %get3A_495 = vector.shape_cast %get3A_494 : vector<1x16xf32> to vector<16xf32>
        %add3A_496 = arith.addf %add3A_472, %get3A_495 : vector<16xf32>
        %get3A_497 = arith.index_cast %add3A_481 : i32 to index
        %get3A_498 = arith.constant 48 : index
        %get3A_499 = tpu.vector_load %arg6[%get3A_497, %get3A_498] {strides = array<i32>} : memref<104x64xf32, #tpu.memory_space<vmem>>, vector<1x16xf32>,
        %get3A_500 = vector.shape_cast %get3A_499 : vector<1x16xf32> to vector<16xf32>
        %add3A_501 = arith.addf %add3A_477, %get3A_500 : vector<16xf32>
        %scan3A_502 = arith.constant 6 : i32
        %scan3A_503 = arith.addi %scan3A_356, %scan3A_502 : i32
        %add3A_504 = arith.constant 52 : i32
        %add3A_505 = arith.addi %add3A_504, %scan3A_503 : i32
        %get3A_506 = arith.index_cast %add3A_505 : i32 to index
        %get3A_507 = arith.constant 0 : index
        %get3A_508 = tpu.vector_load %arg6[%get3A_506, %get3A_507] {strides = array<i32>} : memref<104x64xf32, #tpu.memory_space<vmem>>, vector<1x16xf32>,
        %get3A_509 = vector.shape_cast %get3A_508 : vector<1x16xf32> to vector<16xf32>
        %add3A_510 = arith.addf %add3A_486, %get3A_509 : vector<16xf32>
        %get3A_511 = arith.index_cast %add3A_505 : i32 to index
        %get3A_512 = arith.constant 16 : index
        %get3A_513 = tpu.vector_load %arg6[%get3A_511, %get3A_512] {strides = array<i32>} : memref<104x64xf32, #tpu.memory_space<vmem>>, vector<1x16xf32>,
        %get3A_514 = vector.shape_cast %get3A_513 : vector<1x16xf32> to vector<16xf32>
        %add3A_515 = arith.addf %add3A_491, %get3A_514 : vector<16xf32>
        %get3A_516 = arith.index_cast %add3A_505 : i32 to index
        %get3A_517 = arith.constant 32 : index
        %get3A_518 = tpu.vector_load %arg6[%get3A_516, %get3A_517] {strides = array<i32>} : memref<104x64xf32, #tpu.memory_space<vmem>>, vector<1x16xf32>,
        %get3A_519 = vector.shape_cast %get3A_518 : vector<1x16xf32> to vector<16xf32>
        %add3A_520 = arith.addf %add3A_496, %get3A_519 : vector<16xf32>
        %get3A_521 = arith.index_cast %add3A_505 : i32 to index
        %get3A_522 = arith.constant 48 : index
        %get3A_523 = tpu.vector_load %arg6[%get3A_521, %get3A_522] {strides = array<i32>} : memref<104x64xf32, #tpu.memory_space<vmem>>, vector<1x16xf32>,
        %get3A_524 = vector.shape_cast %get3A_523 : vector<1x16xf32> to vector<16xf32>
        %add3A_525 = arith.addf %add3A_501, %get3A_524 : vector<16xf32>
        %scan3A_526 = arith.constant 7 : i32
        %scan3A_527 = arith.addi %scan3A_356, %scan3A_526 : i32
        %add3A_528 = arith.constant 52 : i32
        %add3A_529 = arith.addi %add3A_528, %scan3A_527 : i32
        %get3A_530 = arith.index_cast %add3A_529 : i32 to index
        %get3A_531 = arith.constant 0 : index
        %get3A_532 = tpu.vector_load %arg6[%get3A_530, %get3A_531] {strides = array<i32>} : memref<104x64xf32, #tpu.memory_space<vmem>>, vector<1x16xf32>,
        %get3A_533 = vector.shape_cast %get3A_532 : vector<1x16xf32> to vector<16xf32>
        %add3A_534 = arith.addf %add3A_510, %get3A_533 : vector<16xf32>
        %get3A_535 = arith.index_cast %add3A_529 : i32 to index
        %get3A_536 = arith.constant 16 : index
        %get3A_537 = tpu.vector_load %arg6[%get3A_535, %get3A_536] {strides = array<i32>} : memref<104x64xf32, #tpu.memory_space<vmem>>, vector<1x16xf32>,
        %get3A_538 = vector.shape_cast %get3A_537 : vector<1x16xf32> to vector<16xf32>
        %add3A_539 = arith.addf %add3A_515, %get3A_538 : vector<16xf32>
        %get3A_540 = arith.index_cast %add3A_529 : i32 to index
        %get3A_541 = arith.constant 32 : index
        %get3A_542 = tpu.vector_load %arg6[%get3A_540, %get3A_541] {strides = array<i32>} : memref<104x64xf32, #tpu.memory_space<vmem>>, vector<1x16xf32>,
        %get3A_543 = vector.shape_cast %get3A_542 : vector<1x16xf32> to vector<16xf32>
        %add3A_544 = arith.addf %add3A_520, %get3A_543 : vector<16xf32>
        %get3A_545 = arith.index_cast %add3A_529 : i32 to index
        %get3A_546 = arith.constant 48 : index
        %get3A_547 = tpu.vector_load %arg6[%get3A_545, %get3A_546] {strides = array<i32>} : memref<104x64xf32, #tpu.memory_space<vmem>>, vector<1x16xf32>,
        %get3A_548 = vector.shape_cast %get3A_547 : vector<1x16xf32> to vector<16xf32>
        %add3A_549 = arith.addf %add3A_525, %get3A_548 : vector<16xf32>
        %scan3A_550 = arith.constant 8 : i32
        %scan3A_551 = arith.addi %scan3A_356, %scan3A_550 : i32
        %add3A_552 = arith.constant 52 : i32
        %add3A_553 = arith.addi %add3A_552, %scan3A_551 : i32
        %get3A_554 = arith.index_cast %add3A_553 : i32 to index
        %get3A_555 = arith.constant 0 : index
        %get3A_556 = tpu.vector_load %arg6[%get3A_554, %get3A_555] {strides = array<i32>} : memref<104x64xf32, #tpu.memory_space<vmem>>, vector<1x16xf32>,
        %get3A_557 = vector.shape_cast %get3A_556 : vector<1x16xf32> to vector<16xf32>
        %add3A_558 = arith.addf %add3A_534, %get3A_557 : vector<16xf32>
        %get3A_559 = arith.index_cast %add3A_553 : i32 to index
        %get3A_560 = arith.constant 16 : index
        %get3A_561 = tpu.vector_load %arg6[%get3A_559, %get3A_560] {strides = array<i32>} : memref<104x64xf32, #tpu.memory_space<vmem>>, vector<1x16xf32>,
        %get3A_562 = vector.shape_cast %get3A_561 : vector<1x16xf32> to vector<16xf32>
        %add3A_563 = arith.addf %add3A_539, %get3A_562 : vector<16xf32>
        %get3A_564 = arith.index_cast %add3A_553 : i32 to index
        %get3A_565 = arith.constant 32 : index
        %get3A_566 = tpu.vector_load %arg6[%get3A_564, %get3A_565] {strides = array<i32>} : memref<104x64xf32, #tpu.memory_space<vmem>>, vector<1x16xf32>,
        %get3A_567 = vector.shape_cast %get3A_566 : vector<1x16xf32> to vector<16xf32>
        %add3A_568 = arith.addf %add3A_544, %get3A_567 : vector<16xf32>
        %get3A_569 = arith.index_cast %add3A_553 : i32 to index
        %get3A_570 = arith.constant 48 : index
        %get3A_571 = tpu.vector_load %arg6[%get3A_569, %get3A_570] {strides = array<i32>} : memref<104x64xf32, #tpu.memory_space<vmem>>, vector<1x16xf32>,
        %get3A_572 = vector.shape_cast %get3A_571 : vector<1x16xf32> to vector<16xf32>
        %add3A_573 = arith.addf %add3A_549, %get3A_572 : vector<16xf32>
        %scan3A_574 = arith.constant 9 : i32
        %scan3A_575 = arith.addi %scan3A_356, %scan3A_574 : i32
        %add3A_576 = arith.constant 52 : i32
        %add3A_577 = arith.addi %add3A_576, %scan3A_575 : i32
        %get3A_578 = arith.index_cast %add3A_577 : i32 to index
        %get3A_579 = arith.constant 0 : index
        %get3A_580 = tpu.vector_load %arg6[%get3A_578, %get3A_579] {strides = array<i32>} : memref<104x64xf32, #tpu.memory_space<vmem>>, vector<1x16xf32>,
        %get3A_581 = vector.shape_cast %get3A_580 : vector<1x16xf32> to vector<16xf32>
        %add3A_582 = arith.addf %add3A_558, %get3A_581 : vector<16xf32>
        %get3A_583 = arith.index_cast %add3A_577 : i32 to index
        %get3A_584 = arith.constant 16 : index
        %get3A_585 = tpu.vector_load %arg6[%get3A_583, %get3A_584] {strides = array<i32>} : memref<104x64xf32, #tpu.memory_space<vmem>>, vector<1x16xf32>,
        %get3A_586 = vector.shape_cast %get3A_585 : vector<1x16xf32> to vector<16xf32>
        %add3A_587 = arith.addf %add3A_563, %get3A_586 : vector<16xf32>
        %get3A_588 = arith.index_cast %add3A_577 : i32 to index
        %get3A_589 = arith.constant 32 : index
        %get3A_590 = tpu.vector_load %arg6[%get3A_588, %get3A_589] {strides = array<i32>} : memref<104x64xf32, #tpu.memory_space<vmem>>, vector<1x16xf32>,
        %get3A_591 = vector.shape_cast %get3A_590 : vector<1x16xf32> to vector<16xf32>
        %add3A_592 = arith.addf %add3A_568, %get3A_591 : vector<16xf32>
        %get3A_593 = arith.index_cast %add3A_577 : i32 to index
        %get3A_594 = arith.constant 48 : index
        %get3A_595 = tpu.vector_load %arg6[%get3A_593, %get3A_594] {strides = array<i32>} : memref<104x64xf32, #tpu.memory_space<vmem>>, vector<1x16xf32>,
        %get3A_596 = vector.shape_cast %get3A_595 : vector<1x16xf32> to vector<16xf32>
        %add3A_597 = arith.addf %add3A_573, %get3A_596 : vector<16xf32>
        scf.yield %add3A_582, %add3A_587, %add3A_592, %add3A_597 : vector<16xf32>, vector<16xf32>, vector<16xf32>, vector<16xf32>
      }
      %scan3A_84 = arith.constant 50 : i32
      %mul3A_85 = arith.constant 2 : i32
      %mul3A_86 = arith.muli %mul3A_85, %add3A_41 : i32
      %add3A_87 = arith.constant 1 : i32
      %add3A_88 = arith.addi %mul3A_86, %add3A_87 : i32
      %swap3A_89 = arith.index_cast %add3A_88 : i32 to index
      %swap3A_90 = arith.constant 0 : index
      %swap3A_91 = tpu.vector_load %arg10[%swap3A_89, %swap3A_90] {strides = array<i32>} : memref<128x64xf32, #tpu.memory_space<vmem>>, vector<1x16xf32>,
      %swap3A_92 = vector.shape_cast %swap3A_91 : vector<1x16xf32> to vector<16xf32>
      %swap3A_93 = vector.shape_cast %scan3A_83#0 : vector<16xf32> to vector<1x16xf32>
      tpu.vector_store %arg10[%swap3A_89, %swap3A_90], %swap3A_93 {strides = array<i32>} : memref<128x64xf32, #tpu.memory_space<vmem>>, vector<1x16xf32>,
      %swap3A_94 = arith.index_cast %add3A_88 : i32 to index
      %swap3A_95 = arith.constant 16 : index
      %swap3A_96 = tpu.vector_load %arg10[%swap3A_94, %swap3A_95] {strides = array<i32>} : memref<128x64xf32, #tpu.memory_space<vmem>>, vector<1x16xf32>,
      %swap3A_97 = vector.shape_cast %swap3A_96 : vector<1x16xf32> to vector<16xf32>
      %swap3A_98 = vector.shape_cast %scan3A_83#1 : vector<16xf32> to vector<1x16xf32>
      tpu.vector_store %arg10[%swap3A_94, %swap3A_95], %swap3A_98 {strides = array<i32>} : memref<128x64xf32, #tpu.memory_space<vmem>>, vector<1x16xf32>,
      %swap3A_99 = arith.index_cast %add3A_88 : i32 to index
      %swap3A_100 = arith.constant 32 : index
      %swap3A_101 = tpu.vector_load %arg10[%swap3A_99, %swap3A_100] {strides = array<i32>} : memref<128x64xf32, #tpu.memory_space<vmem>>, vector<1x16xf32>,
      %swap3A_102 = vector.shape_cast %swap3A_101 : vector<1x16xf32> to vector<16xf32>
      %swap3A_103 = vector.shape_cast %scan3A_83#2 : vector<16xf32> to vector<1x16xf32>
      tpu.vector_store %arg10[%swap3A_99, %swap3A_100], %swap3A_103 {strides = array<i32>} : memref<128x64xf32, #tpu.memory_space<vmem>>, vector<1x16xf32>,
      %swap3A_104 = arith.index_cast %add3A_88 : i32 to index
      %swap3A_105 = arith.constant 48 : index
      %swap3A_106 = tpu.vector_load %arg10[%swap3A_104, %swap3A_105] {strides = array<i32>} : memref<128x64xf32, #tpu.memory_space<vmem>>, vector<1x16xf32>,
      %swap3A_107 = vector.shape_cast %swap3A_106 : vector<1x16xf32> to vector<16xf32>
      %swap3A_108 = vector.shape_cast %scan3A_83#3 : vector<16xf32> to vector<1x16xf32>
      tpu.vector_store %arg10[%swap3A_104, %swap3A_105], %swap3A_108 {strides = array<i32>} : memref<128x64xf32, #tpu.memory_space<vmem>>, vector<1x16xf32>,
      %add3A_109 = arith.constant 4 : i32
      %add3A_110 = arith.addi %add3A_41, %add3A_109 : i32
      %lt3A = arith.constant 64 : i32
      %lt3A_111 = arith.cmpi slt, %add3A_110, %lt3A : i32
      %convert_element_type3A = arith.extui %lt3A_111 : i1 to i32
      %cond3A = arith.constant 0 : i32
      %cond3A_112 = arith.cmpi ne, %convert_element_type3A, %cond3A : i32
      scf.if %cond3A_112 {
        %add3A_356 = arith.constant 4 : i32
        %add3A_357 = arith.addi %add3A_41, %add3A_356 : i32
        %dma_start3A_358 = arith.constant 0 : i32
        %dma_start3A_359 = tpu.memref_slice %arg5[%add3A_357, %dma_start3A_358] : memref<64x104xi32, #tpu.memory_space<vmem>> -> memref<1x104xi32, #tpu.memory_space<vmem>>
        %dma_start3A_360 = tpu.memref_squeeze %dma_start3A_359 : memref<1x104xi32, #tpu.memory_space<vmem>> -> memref<104xi32, #tpu.memory_space<vmem>>
        %dma_start3A_361 = arith.constant 0 : i32
        %dma_start3A_362 = arith.constant 0 : i32
        %dma_start3A_363 = tpu.memref_slice %arg2[%dma_start3A_361, %dma_start3A_362] : memref<100000x64xf32, #tpu.memory_space<hbm>> -> memref<100000x64xf32, #tpu.memory_space<hbm>>
        tpu.enqueue_indirect_dma source(%dma_start3A_363 : memref<100000x64xf32, #tpu.memory_space<hbm>>) target(%arg6 : memref<104x64xf32, #tpu.memory_space<vmem>>) offsets(%dma_start3A_360 : memref<104xi32, #tpu.memory_space<vmem>>) semaphore(%arg11 : memref<!tpu.dma_semaphore, #tpu.memory_space<semaphore_mem>>)
      } else {
      }
      %mul3A_113 = arith.constant 4 : i32
      %mul3A_114 = arith.muli %scan3A_37, %mul3A_113 : i32
      %add3A_115 = arith.constant 1 : i32
      %add3A_116 = arith.addi %mul3A_114, %add3A_115 : i32
      %dma_wait3A_117 = arith.constant 0 : i32
      %dma_wait3A_118 = tpu.memref_slice %arg5[%add3A_116, %dma_wait3A_117] : memref<64x104xi32, #tpu.memory_space<vmem>> -> memref<1x104xi32, #tpu.memory_space<vmem>>
      %dma_wait3A_119 = tpu.memref_squeeze %dma_wait3A_118 : memref<1x104xi32, #tpu.memory_space<vmem>> -> memref<104xi32, #tpu.memory_space<vmem>>
      %dma_wait3A_120 = arith.constant 0 : i32
      %dma_wait3A_121 = arith.constant 0 : i32
      %dma_wait3A_122 = tpu.memref_slice %arg2[%dma_wait3A_120, %dma_wait3A_121] : memref<100000x64xf32, #tpu.memory_space<hbm>> -> memref<100000x64xf32, #tpu.memory_space<hbm>>
      tpu.wait_indirect_dma semaphore(%arg12 : memref<!tpu.dma_semaphore, #tpu.memory_space<semaphore_mem>>) src(%dma_wait3A_122 : memref<100000x64xf32, #tpu.memory_space<hbm>>) dst(%arg7 : memref<104x64xf32, #tpu.memory_space<vmem>>)
      %broadcast_in_dim3A_123 = arith.constant 0.000000e+00 : f32
      %broadcast_in_dim3A_124 = vector.broadcast %broadcast_in_dim3A_123 : f32 to vector<16xf32>
      %scan3A_125 = arith.constant 0 : i32
      %scan3A_126 = arith.constant 50 : i32
      %scan3A_127 = arith.addi %scan3A_125, %scan3A_126 : i32
      %scan3A_128 = arith.constant 10 : i32
      %scan3A_129:4 = scf.for %scan3A_356 = %scan3A_125 to %scan3A_127 step %scan3A_128 iter_args(%scan3A_357 = %broadcast_in_dim3A_124, %scan3A_358 = %broadcast_in_dim3A_124, %scan3A_359 = %broadcast_in_dim3A_124, %scan3A_360 = %broadcast_in_dim3A_124) -> (vector<16xf32>, vector<16xf32>, vector<16xf32>, vector<16xf32>)  : i32 {
        %add3A_361 = arith.constant 0 : i32
        %add3A_362 = arith.addi %add3A_361, %scan3A_356 : i32
        %get3A = arith.index_cast %add3A_362 : i32 to index
        %get3A_363 = arith.constant 0 : index
        %get3A_364 = tpu.vector_load %arg7[%get3A, %get3A_363] {strides = array<i32>} : memref<104x64xf32, #tpu.memory_space<vmem>>, vector<1x16xf32>,
        %get3A_365 = vector.shape_cast %get3A_364 : vector<1x16xf32> to vector<16xf32>
        %add3A_366 = arith.addf %scan3A_357, %get3A_365 : vector<16xf32>
        %get3A_367 = arith.index_cast %add3A_362 : i32 to index
        %get3A_368 = arith.constant 16 : index
        %get3A_369 = tpu.vector_load %arg7[%get3A_367, %get3A_368] {strides = array<i32>} : memref<104x64xf32, #tpu.memory_space<vmem>>, vector<1x16xf32>,
        %get3A_370 = vector.shape_cast %get3A_369 : vector<1x16xf32> to vector<16xf32>
        %add3A_371 = arith.addf %scan3A_358, %get3A_370 : vector<16xf32>
        %get3A_372 = arith.index_cast %add3A_362 : i32 to index
        %get3A_373 = arith.constant 32 : index
        %get3A_374 = tpu.vector_load %arg7[%get3A_372, %get3A_373] {strides = array<i32>} : memref<104x64xf32, #tpu.memory_space<vmem>>, vector<1x16xf32>,
        %get3A_375 = vector.shape_cast %get3A_374 : vector<1x16xf32> to vector<16xf32>
        %add3A_376 = arith.addf %scan3A_359, %get3A_375 : vector<16xf32>
        %get3A_377 = arith.index_cast %add3A_362 : i32 to index
        %get3A_378 = arith.constant 48 : index
        %get3A_379 = tpu.vector_load %arg7[%get3A_377, %get3A_378] {strides = array<i32>} : memref<104x64xf32, #tpu.memory_space<vmem>>, vector<1x16xf32>,
        %get3A_380 = vector.shape_cast %get3A_379 : vector<1x16xf32> to vector<16xf32>
        %add3A_381 = arith.addf %scan3A_360, %get3A_380 : vector<16xf32>
        %scan3A_382 = arith.constant 1 : i32
        %scan3A_383 = arith.addi %scan3A_356, %scan3A_382 : i32
        %add3A_384 = arith.constant 0 : i32
        %add3A_385 = arith.addi %add3A_384, %scan3A_383 : i32
        %get3A_386 = arith.index_cast %add3A_385 : i32 to index
        %get3A_387 = arith.constant 0 : index
        %get3A_388 = tpu.vector_load %arg7[%get3A_386, %get3A_387] {strides = array<i32>} : memref<104x64xf32, #tpu.memory_space<vmem>>, vector<1x16xf32>,
        %get3A_389 = vector.shape_cast %get3A_388 : vector<1x16xf32> to vector<16xf32>
        %add3A_390 = arith.addf %add3A_366, %get3A_389 : vector<16xf32>
        %get3A_391 = arith.index_cast %add3A_385 : i32 to index
        %get3A_392 = arith.constant 16 : index
        %get3A_393 = tpu.vector_load %arg7[%get3A_391, %get3A_392] {strides = array<i32>} : memref<104x64xf32, #tpu.memory_space<vmem>>, vector<1x16xf32>,
        %get3A_394 = vector.shape_cast %get3A_393 : vector<1x16xf32> to vector<16xf32>
        %add3A_395 = arith.addf %add3A_371, %get3A_394 : vector<16xf32>
        %get3A_396 = arith.index_cast %add3A_385 : i32 to index
        %get3A_397 = arith.constant 32 : index
        %get3A_398 = tpu.vector_load %arg7[%get3A_396, %get3A_397] {strides = array<i32>} : memref<104x64xf32, #tpu.memory_space<vmem>>, vector<1x16xf32>,
        %get3A_399 = vector.shape_cast %get3A_398 : vector<1x16xf32> to vector<16xf32>
        %add3A_400 = arith.addf %add3A_376, %get3A_399 : vector<16xf32>
        %get3A_401 = arith.index_cast %add3A_385 : i32 to index
        %get3A_402 = arith.constant 48 : index
        %get3A_403 = tpu.vector_load %arg7[%get3A_401, %get3A_402] {strides = array<i32>} : memref<104x64xf32, #tpu.memory_space<vmem>>, vector<1x16xf32>,
        %get3A_404 = vector.shape_cast %get3A_403 : vector<1x16xf32> to vector<16xf32>
        %add3A_405 = arith.addf %add3A_381, %get3A_404 : vector<16xf32>
        %scan3A_406 = arith.constant 2 : i32
        %scan3A_407 = arith.addi %scan3A_356, %scan3A_406 : i32
        %add3A_408 = arith.constant 0 : i32
        %add3A_409 = arith.addi %add3A_408, %scan3A_407 : i32
        %get3A_410 = arith.index_cast %add3A_409 : i32 to index
        %get3A_411 = arith.constant 0 : index
        %get3A_412 = tpu.vector_load %arg7[%get3A_410, %get3A_411] {strides = array<i32>} : memref<104x64xf32, #tpu.memory_space<vmem>>, vector<1x16xf32>,
        %get3A_413 = vector.shape_cast %get3A_412 : vector<1x16xf32> to vector<16xf32>
        %add3A_414 = arith.addf %add3A_390, %get3A_413 : vector<16xf32>
        %get3A_415 = arith.index_cast %add3A_409 : i32 to index
        %get3A_416 = arith.constant 16 : index
        %get3A_417 = tpu.vector_load %arg7[%get3A_415, %get3A_416] {strides = array<i32>} : memref<104x64xf32, #tpu.memory_space<vmem>>, vector<1x16xf32>,
        %get3A_418 = vector.shape_cast %get3A_417 : vector<1x16xf32> to vector<16xf32>
        %add3A_419 = arith.addf %add3A_395, %get3A_418 : vector<16xf32>
        %get3A_420 = arith.index_cast %add3A_409 : i32 to index
        %get3A_421 = arith.constant 32 : index
        %get3A_422 = tpu.vector_load %arg7[%get3A_420, %get3A_421] {strides = array<i32>} : memref<104x64xf32, #tpu.memory_space<vmem>>, vector<1x16xf32>,
        %get3A_423 = vector.shape_cast %get3A_422 : vector<1x16xf32> to vector<16xf32>
        %add3A_424 = arith.addf %add3A_400, %get3A_423 : vector<16xf32>
        %get3A_425 = arith.index_cast %add3A_409 : i32 to index
        %get3A_426 = arith.constant 48 : index
        %get3A_427 = tpu.vector_load %arg7[%get3A_425, %get3A_426] {strides = array<i32>} : memref<104x64xf32, #tpu.memory_space<vmem>>, vector<1x16xf32>,
        %get3A_428 = vector.shape_cast %get3A_427 : vector<1x16xf32> to vector<16xf32>
        %add3A_429 = arith.addf %add3A_405, %get3A_428 : vector<16xf32>
        %scan3A_430 = arith.constant 3 : i32
        %scan3A_431 = arith.addi %scan3A_356, %scan3A_430 : i32
        %add3A_432 = arith.constant 0 : i32
        %add3A_433 = arith.addi %add3A_432, %scan3A_431 : i32
        %get3A_434 = arith.index_cast %add3A_433 : i32 to index
        %get3A_435 = arith.constant 0 : index
        %get3A_436 = tpu.vector_load %arg7[%get3A_434, %get3A_435] {strides = array<i32>} : memref<104x64xf32, #tpu.memory_space<vmem>>, vector<1x16xf32>,
        %get3A_437 = vector.shape_cast %get3A_436 : vector<1x16xf32> to vector<16xf32>
        %add3A_438 = arith.addf %add3A_414, %get3A_437 : vector<16xf32>
        %get3A_439 = arith.index_cast %add3A_433 : i32 to index
        %get3A_440 = arith.constant 16 : index
        %get3A_441 = tpu.vector_load %arg7[%get3A_439, %get3A_440] {strides = array<i32>} : memref<104x64xf32, #tpu.memory_space<vmem>>, vector<1x16xf32>,
        %get3A_442 = vector.shape_cast %get3A_441 : vector<1x16xf32> to vector<16xf32>
        %add3A_443 = arith.addf %add3A_419, %get3A_442 : vector<16xf32>
        %get3A_444 = arith.index_cast %add3A_433 : i32 to index
        %get3A_445 = arith.constant 32 : index
        %get3A_446 = tpu.vector_load %arg7[%get3A_444, %get3A_445] {strides = array<i32>} : memref<104x64xf32, #tpu.memory_space<vmem>>, vector<1x16xf32>,
        %get3A_447 = vector.shape_cast %get3A_446 : vector<1x16xf32> to vector<16xf32>
        %add3A_448 = arith.addf %add3A_424, %get3A_447 : vector<16xf32>
        %get3A_449 = arith.index_cast %add3A_433 : i32 to index
        %get3A_450 = arith.constant 48 : index
        %get3A_451 = tpu.vector_load %arg7[%get3A_449, %get3A_450] {strides = array<i32>} : memref<104x64xf32, #tpu.memory_space<vmem>>, vector<1x16xf32>,
        %get3A_452 = vector.shape_cast %get3A_451 : vector<1x16xf32> to vector<16xf32>
        %add3A_453 = arith.addf %add3A_429, %get3A_452 : vector<16xf32>
        %scan3A_454 = arith.constant 4 : i32
        %scan3A_455 = arith.addi %scan3A_356, %scan3A_454 : i32
        %add3A_456 = arith.constant 0 : i32
        %add3A_457 = arith.addi %add3A_456, %scan3A_455 : i32
        %get3A_458 = arith.index_cast %add3A_457 : i32 to index
        %get3A_459 = arith.constant 0 : index
        %get3A_460 = tpu.vector_load %arg7[%get3A_458, %get3A_459] {strides = array<i32>} : memref<104x64xf32, #tpu.memory_space<vmem>>, vector<1x16xf32>,
        %get3A_461 = vector.shape_cast %get3A_460 : vector<1x16xf32> to vector<16xf32>
        %add3A_462 = arith.addf %add3A_438, %get3A_461 : vector<16xf32>
        %get3A_463 = arith.index_cast %add3A_457 : i32 to index
        %get3A_464 = arith.constant 16 : index
        %get3A_465 = tpu.vector_load %arg7[%get3A_463, %get3A_464] {strides = array<i32>} : memref<104x64xf32, #tpu.memory_space<vmem>>, vector<1x16xf32>,
        %get3A_466 = vector.shape_cast %get3A_465 : vector<1x16xf32> to vector<16xf32>
        %add3A_467 = arith.addf %add3A_443, %get3A_466 : vector<16xf32>
        %get3A_468 = arith.index_cast %add3A_457 : i32 to index
        %get3A_469 = arith.constant 32 : index
        %get3A_470 = tpu.vector_load %arg7[%get3A_468, %get3A_469] {strides = array<i32>} : memref<104x64xf32, #tpu.memory_space<vmem>>, vector<1x16xf32>,
        %get3A_471 = vector.shape_cast %get3A_470 : vector<1x16xf32> to vector<16xf32>
        %add3A_472 = arith.addf %add3A_448, %get3A_471 : vector<16xf32>
        %get3A_473 = arith.index_cast %add3A_457 : i32 to index
        %get3A_474 = arith.constant 48 : index
        %get3A_475 = tpu.vector_load %arg7[%get3A_473, %get3A_474] {strides = array<i32>} : memref<104x64xf32, #tpu.memory_space<vmem>>, vector<1x16xf32>,
        %get3A_476 = vector.shape_cast %get3A_475 : vector<1x16xf32> to vector<16xf32>
        %add3A_477 = arith.addf %add3A_453, %get3A_476 : vector<16xf32>
        %scan3A_478 = arith.constant 5 : i32
        %scan3A_479 = arith.addi %scan3A_356, %scan3A_478 : i32
        %add3A_480 = arith.constant 0 : i32
        %add3A_481 = arith.addi %add3A_480, %scan3A_479 : i32
        %get3A_482 = arith.index_cast %add3A_481 : i32 to index
        %get3A_483 = arith.constant 0 : index
        %get3A_484 = tpu.vector_load %arg7[%get3A_482, %get3A_483] {strides = array<i32>} : memref<104x64xf32, #tpu.memory_space<vmem>>, vector<1x16xf32>,
        %get3A_485 = vector.shape_cast %get3A_484 : vector<1x16xf32> to vector<16xf32>
        %add3A_486 = arith.addf %add3A_462, %get3A_485 : vector<16xf32>
        %get3A_487 = arith.index_cast %add3A_481 : i32 to index
        %get3A_488 = arith.constant 16 : index
        %get3A_489 = tpu.vector_load %arg7[%get3A_487, %get3A_488] {strides = array<i32>} : memref<104x64xf32, #tpu.memory_space<vmem>>, vector<1x16xf32>,
        %get3A_490 = vector.shape_cast %get3A_489 : vector<1x16xf32> to vector<16xf32>
        %add3A_491 = arith.addf %add3A_467, %get3A_490 : vector<16xf32>
        %get3A_492 = arith.index_cast %add3A_481 : i32 to index
        %get3A_493 = arith.constant 32 : index
        %get3A_494 = tpu.vector_load %arg7[%get3A_492, %get3A_493] {strides = array<i32>} : memref<104x64xf32, #tpu.memory_space<vmem>>, vector<1x16xf32>,
        %get3A_495 = vector.shape_cast %get3A_494 : vector<1x16xf32> to vector<16xf32>
        %add3A_496 = arith.addf %add3A_472, %get3A_495 : vector<16xf32>
        %get3A_497 = arith.index_cast %add3A_481 : i32 to index
        %get3A_498 = arith.constant 48 : index
        %get3A_499 = tpu.vector_load %arg7[%get3A_497, %get3A_498] {strides = array<i32>} : memref<104x64xf32, #tpu.memory_space<vmem>>, vector<1x16xf32>,
        %get3A_500 = vector.shape_cast %get3A_499 : vector<1x16xf32> to vector<16xf32>
        %add3A_501 = arith.addf %add3A_477, %get3A_500 : vector<16xf32>
        %scan3A_502 = arith.constant 6 : i32
        %scan3A_503 = arith.addi %scan3A_356, %scan3A_502 : i32
        %add3A_504 = arith.constant 0 : i32
        %add3A_505 = arith.addi %add3A_504, %scan3A_503 : i32
        %get3A_506 = arith.index_cast %add3A_505 : i32 to index
        %get3A_507 = arith.constant 0 : index
        %get3A_508 = tpu.vector_load %arg7[%get3A_506, %get3A_507] {strides = array<i32>} : memref<104x64xf32, #tpu.memory_space<vmem>>, vector<1x16xf32>,
        %get3A_509 = vector.shape_cast %get3A_508 : vector<1x16xf32> to vector<16xf32>
        %add3A_510 = arith.addf %add3A_486, %get3A_509 : vector<16xf32>
        %get3A_511 = arith.index_cast %add3A_505 : i32 to index
        %get3A_512 = arith.constant 16 : index
        %get3A_513 = tpu.vector_load %arg7[%get3A_511, %get3A_512] {strides = array<i32>} : memref<104x64xf32, #tpu.memory_space<vmem>>, vector<1x16xf32>,
        %get3A_514 = vector.shape_cast %get3A_513 : vector<1x16xf32> to vector<16xf32>
        %add3A_515 = arith.addf %add3A_491, %get3A_514 : vector<16xf32>
        %get3A_516 = arith.index_cast %add3A_505 : i32 to index
        %get3A_517 = arith.constant 32 : index
        %get3A_518 = tpu.vector_load %arg7[%get3A_516, %get3A_517] {strides = array<i32>} : memref<104x64xf32, #tpu.memory_space<vmem>>, vector<1x16xf32>,
        %get3A_519 = vector.shape_cast %get3A_518 : vector<1x16xf32> to vector<16xf32>
        %add3A_520 = arith.addf %add3A_496, %get3A_519 : vector<16xf32>
        %get3A_521 = arith.index_cast %add3A_505 : i32 to index
        %get3A_522 = arith.constant 48 : index
        %get3A_523 = tpu.vector_load %arg7[%get3A_521, %get3A_522] {strides = array<i32>} : memref<104x64xf32, #tpu.memory_space<vmem>>, vector<1x16xf32>,
        %get3A_524 = vector.shape_cast %get3A_523 : vector<1x16xf32> to vector<16xf32>
        %add3A_525 = arith.addf %add3A_501, %get3A_524 : vector<16xf32>
        %scan3A_526 = arith.constant 7 : i32
        %scan3A_527 = arith.addi %scan3A_356, %scan3A_526 : i32
        %add3A_528 = arith.constant 0 : i32
        %add3A_529 = arith.addi %add3A_528, %scan3A_527 : i32
        %get3A_530 = arith.index_cast %add3A_529 : i32 to index
        %get3A_531 = arith.constant 0 : index
        %get3A_532 = tpu.vector_load %arg7[%get3A_530, %get3A_531] {strides = array<i32>} : memref<104x64xf32, #tpu.memory_space<vmem>>, vector<1x16xf32>,
        %get3A_533 = vector.shape_cast %get3A_532 : vector<1x16xf32> to vector<16xf32>
        %add3A_534 = arith.addf %add3A_510, %get3A_533 : vector<16xf32>
        %get3A_535 = arith.index_cast %add3A_529 : i32 to index
        %get3A_536 = arith.constant 16 : index
        %get3A_537 = tpu.vector_load %arg7[%get3A_535, %get3A_536] {strides = array<i32>} : memref<104x64xf32, #tpu.memory_space<vmem>>, vector<1x16xf32>,
        %get3A_538 = vector.shape_cast %get3A_537 : vector<1x16xf32> to vector<16xf32>
        %add3A_539 = arith.addf %add3A_515, %get3A_538 : vector<16xf32>
        %get3A_540 = arith.index_cast %add3A_529 : i32 to index
        %get3A_541 = arith.constant 32 : index
        %get3A_542 = tpu.vector_load %arg7[%get3A_540, %get3A_541] {strides = array<i32>} : memref<104x64xf32, #tpu.memory_space<vmem>>, vector<1x16xf32>,
        %get3A_543 = vector.shape_cast %get3A_542 : vector<1x16xf32> to vector<16xf32>
        %add3A_544 = arith.addf %add3A_520, %get3A_543 : vector<16xf32>
        %get3A_545 = arith.index_cast %add3A_529 : i32 to index
        %get3A_546 = arith.constant 48 : index
        %get3A_547 = tpu.vector_load %arg7[%get3A_545, %get3A_546] {strides = array<i32>} : memref<104x64xf32, #tpu.memory_space<vmem>>, vector<1x16xf32>,
        %get3A_548 = vector.shape_cast %get3A_547 : vector<1x16xf32> to vector<16xf32>
        %add3A_549 = arith.addf %add3A_525, %get3A_548 : vector<16xf32>
        %scan3A_550 = arith.constant 8 : i32
        %scan3A_551 = arith.addi %scan3A_356, %scan3A_550 : i32
        %add3A_552 = arith.constant 0 : i32
        %add3A_553 = arith.addi %add3A_552, %scan3A_551 : i32
        %get3A_554 = arith.index_cast %add3A_553 : i32 to index
        %get3A_555 = arith.constant 0 : index
        %get3A_556 = tpu.vector_load %arg7[%get3A_554, %get3A_555] {strides = array<i32>} : memref<104x64xf32, #tpu.memory_space<vmem>>, vector<1x16xf32>,
        %get3A_557 = vector.shape_cast %get3A_556 : vector<1x16xf32> to vector<16xf32>
        %add3A_558 = arith.addf %add3A_534, %get3A_557 : vector<16xf32>
        %get3A_559 = arith.index_cast %add3A_553 : i32 to index
        %get3A_560 = arith.constant 16 : index
        %get3A_561 = tpu.vector_load %arg7[%get3A_559, %get3A_560] {strides = array<i32>} : memref<104x64xf32, #tpu.memory_space<vmem>>, vector<1x16xf32>,
        %get3A_562 = vector.shape_cast %get3A_561 : vector<1x16xf32> to vector<16xf32>
        %add3A_563 = arith.addf %add3A_539, %get3A_562 : vector<16xf32>
        %get3A_564 = arith.index_cast %add3A_553 : i32 to index
        %get3A_565 = arith.constant 32 : index
        %get3A_566 = tpu.vector_load %arg7[%get3A_564, %get3A_565] {strides = array<i32>} : memref<104x64xf32, #tpu.memory_space<vmem>>, vector<1x16xf32>,
        %get3A_567 = vector.shape_cast %get3A_566 : vector<1x16xf32> to vector<16xf32>
        %add3A_568 = arith.addf %add3A_544, %get3A_567 : vector<16xf32>
        %get3A_569 = arith.index_cast %add3A_553 : i32 to index
        %get3A_570 = arith.constant 48 : index
        %get3A_571 = tpu.vector_load %arg7[%get3A_569, %get3A_570] {strides = array<i32>} : memref<104x64xf32, #tpu.memory_space<vmem>>, vector<1x16xf32>,
        %get3A_572 = vector.shape_cast %get3A_571 : vector<1x16xf32> to vector<16xf32>
        %add3A_573 = arith.addf %add3A_549, %get3A_572 : vector<16xf32>
        %scan3A_574 = arith.constant 9 : i32
        %scan3A_575 = arith.addi %scan3A_356, %scan3A_574 : i32
        %add3A_576 = arith.constant 0 : i32
        %add3A_577 = arith.addi %add3A_576, %scan3A_575 : i32
        %get3A_578 = arith.index_cast %add3A_577 : i32 to index
        %get3A_579 = arith.constant 0 : index
        %get3A_580 = tpu.vector_load %arg7[%get3A_578, %get3A_579] {strides = array<i32>} : memref<104x64xf32, #tpu.memory_space<vmem>>, vector<1x16xf32>,
        %get3A_581 = vector.shape_cast %get3A_580 : vector<1x16xf32> to vector<16xf32>
        %add3A_582 = arith.addf %add3A_558, %get3A_581 : vector<16xf32>
        %get3A_583 = arith.index_cast %add3A_577 : i32 to index
        %get3A_584 = arith.constant 16 : index
        %get3A_585 = tpu.vector_load %arg7[%get3A_583, %get3A_584] {strides = array<i32>} : memref<104x64xf32, #tpu.memory_space<vmem>>, vector<1x16xf32>,
        %get3A_586 = vector.shape_cast %get3A_585 : vector<1x16xf32> to vector<16xf32>
        %add3A_587 = arith.addf %add3A_563, %get3A_586 : vector<16xf32>
        %get3A_588 = arith.index_cast %add3A_577 : i32 to index
        %get3A_589 = arith.constant 32 : index
        %get3A_590 = tpu.vector_load %arg7[%get3A_588, %get3A_589] {strides = array<i32>} : memref<104x64xf32, #tpu.memory_space<vmem>>, vector<1x16xf32>,
        %get3A_591 = vector.shape_cast %get3A_590 : vector<1x16xf32> to vector<16xf32>
        %add3A_592 = arith.addf %add3A_568, %get3A_591 : vector<16xf32>
        %get3A_593 = arith.index_cast %add3A_577 : i32 to index
        %get3A_594 = arith.constant 48 : index
        %get3A_595 = tpu.vector_load %arg7[%get3A_593, %get3A_594] {strides = array<i32>} : memref<104x64xf32, #tpu.memory_space<vmem>>, vector<1x16xf32>,
        %get3A_596 = vector.shape_cast %get3A_595 : vector<1x16xf32> to vector<16xf32>
        %add3A_597 = arith.addf %add3A_573, %get3A_596 : vector<16xf32>
        scf.yield %add3A_582, %add3A_587, %add3A_592, %add3A_597 : vector<16xf32>, vector<16xf32>, vector<16xf32>, vector<16xf32>
      }
      %scan3A_130 = arith.constant 50 : i32
      %mul3A_131 = arith.constant 2 : i32
      %mul3A_132 = arith.muli %mul3A_131, %add3A_116 : i32
      %add3A_133 = arith.constant 0 : i32
      %add3A_134 = arith.addi %mul3A_132, %add3A_133 : i32
      %swap3A_135 = arith.index_cast %add3A_134 : i32 to index
      %swap3A_136 = arith.constant 0 : index
      %swap3A_137 = tpu.vector_load %arg10[%swap3A_135, %swap3A_136] {strides = array<i32>} : memref<128x64xf32, #tpu.memory_space<vmem>>, vector<1x16xf32>,
      %swap3A_138 = vector.shape_cast %swap3A_137 : vector<1x16xf32> to vector<16xf32>
      %swap3A_139 = vector.shape_cast %scan3A_129#0 : vector<16xf32> to vector<1x16xf32>
      tpu.vector_store %arg10[%swap3A_135, %swap3A_136], %swap3A_139 {strides = array<i32>} : memref<128x64xf32, #tpu.memory_space<vmem>>, vector<1x16xf32>,
      %swap3A_140 = arith.index_cast %add3A_134 : i32 to index
      %swap3A_141 = arith.constant 16 : index
      %swap3A_142 = tpu.vector_load %arg10[%swap3A_140, %swap3A_141] {strides = array<i32>} : memref<128x64xf32, #tpu.memory_space<vmem>>, vector<1x16xf32>,
      %swap3A_143 = vector.shape_cast %swap3A_142 : vector<1x16xf32> to vector<16xf32>
      %swap3A_144 = vector.shape_cast %scan3A_129#1 : vector<16xf32> to vector<1x16xf32>
      tpu.vector_store %arg10[%swap3A_140, %swap3A_141], %swap3A_144 {strides = array<i32>} : memref<128x64xf32, #tpu.memory_space<vmem>>, vector<1x16xf32>,
      %swap3A_145 = arith.index_cast %add3A_134 : i32 to index
      %swap3A_146 = arith.constant 32 : index
      %swap3A_147 = tpu.vector_load %arg10[%swap3A_145, %swap3A_146] {strides = array<i32>} : memref<128x64xf32, #tpu.memory_space<vmem>>, vector<1x16xf32>,
      %swap3A_148 = vector.shape_cast %swap3A_147 : vector<1x16xf32> to vector<16xf32>
      %swap3A_149 = vector.shape_cast %scan3A_129#2 : vector<16xf32> to vector<1x16xf32>
      tpu.vector_store %arg10[%swap3A_145, %swap3A_146], %swap3A_149 {strides = array<i32>} : memref<128x64xf32, #tpu.memory_space<vmem>>, vector<1x16xf32>,
      %swap3A_150 = arith.index_cast %add3A_134 : i32 to index
      %swap3A_151 = arith.constant 48 : index
      %swap3A_152 = tpu.vector_load %arg10[%swap3A_150, %swap3A_151] {strides = array<i32>} : memref<128x64xf32, #tpu.memory_space<vmem>>, vector<1x16xf32>,
      %swap3A_153 = vector.shape_cast %swap3A_152 : vector<1x16xf32> to vector<16xf32>
      %swap3A_154 = vector.shape_cast %scan3A_129#3 : vector<16xf32> to vector<1x16xf32>
      tpu.vector_store %arg10[%swap3A_150, %swap3A_151], %swap3A_154 {strides = array<i32>} : memref<128x64xf32, #tpu.memory_space<vmem>>, vector<1x16xf32>,
      %broadcast_in_dim3A_155 = arith.constant 0.000000e+00 : f32
      %broadcast_in_dim3A_156 = vector.broadcast %broadcast_in_dim3A_155 : f32 to vector<16xf32>
      %scan3A_157 = arith.constant 0 : i32
      %scan3A_158 = arith.constant 50 : i32
      %scan3A_159 = arith.addi %scan3A_157, %scan3A_158 : i32
      %scan3A_160 = arith.constant 10 : i32
      %scan3A_161:4 = scf.for %scan3A_356 = %scan3A_157 to %scan3A_159 step %scan3A_160 iter_args(%scan3A_357 = %broadcast_in_dim3A_156, %scan3A_358 = %broadcast_in_dim3A_156, %scan3A_359 = %broadcast_in_dim3A_156, %scan3A_360 = %broadcast_in_dim3A_156) -> (vector<16xf32>, vector<16xf32>, vector<16xf32>, vector<16xf32>)  : i32 {
        %add3A_361 = arith.constant 52 : i32
        %add3A_362 = arith.addi %add3A_361, %scan3A_356 : i32
        %get3A = arith.index_cast %add3A_362 : i32 to index
        %get3A_363 = arith.constant 0 : index
        %get3A_364 = tpu.vector_load %arg7[%get3A, %get3A_363] {strides = array<i32>} : memref<104x64xf32, #tpu.memory_space<vmem>>, vector<1x16xf32>,
        %get3A_365 = vector.shape_cast %get3A_364 : vector<1x16xf32> to vector<16xf32>
        %add3A_366 = arith.addf %scan3A_357, %get3A_365 : vector<16xf32>
        %get3A_367 = arith.index_cast %add3A_362 : i32 to index
        %get3A_368 = arith.constant 16 : index
        %get3A_369 = tpu.vector_load %arg7[%get3A_367, %get3A_368] {strides = array<i32>} : memref<104x64xf32, #tpu.memory_space<vmem>>, vector<1x16xf32>,
        %get3A_370 = vector.shape_cast %get3A_369 : vector<1x16xf32> to vector<16xf32>
        %add3A_371 = arith.addf %scan3A_358, %get3A_370 : vector<16xf32>
        %get3A_372 = arith.index_cast %add3A_362 : i32 to index
        %get3A_373 = arith.constant 32 : index
        %get3A_374 = tpu.vector_load %arg7[%get3A_372, %get3A_373] {strides = array<i32>} : memref<104x64xf32, #tpu.memory_space<vmem>>, vector<1x16xf32>,
        %get3A_375 = vector.shape_cast %get3A_374 : vector<1x16xf32> to vector<16xf32>
        %add3A_376 = arith.addf %scan3A_359, %get3A_375 : vector<16xf32>
        %get3A_377 = arith.index_cast %add3A_362 : i32 to index
        %get3A_378 = arith.constant 48 : index
        %get3A_379 = tpu.vector_load %arg7[%get3A_377, %get3A_378] {strides = array<i32>} : memref<104x64xf32, #tpu.memory_space<vmem>>, vector<1x16xf32>,
        %get3A_380 = vector.shape_cast %get3A_379 : vector<1x16xf32> to vector<16xf32>
        %add3A_381 = arith.addf %scan3A_360, %get3A_380 : vector<16xf32>
        %scan3A_382 = arith.constant 1 : i32
        %scan3A_383 = arith.addi %scan3A_356, %scan3A_382 : i32
        %add3A_384 = arith.constant 52 : i32
        %add3A_385 = arith.addi %add3A_384, %scan3A_383 : i32
        %get3A_386 = arith.index_cast %add3A_385 : i32 to index
        %get3A_387 = arith.constant 0 : index
        %get3A_388 = tpu.vector_load %arg7[%get3A_386, %get3A_387] {strides = array<i32>} : memref<104x64xf32, #tpu.memory_space<vmem>>, vector<1x16xf32>,
        %get3A_389 = vector.shape_cast %get3A_388 : vector<1x16xf32> to vector<16xf32>
        %add3A_390 = arith.addf %add3A_366, %get3A_389 : vector<16xf32>
        %get3A_391 = arith.index_cast %add3A_385 : i32 to index
        %get3A_392 = arith.constant 16 : index
        %get3A_393 = tpu.vector_load %arg7[%get3A_391, %get3A_392] {strides = array<i32>} : memref<104x64xf32, #tpu.memory_space<vmem>>, vector<1x16xf32>,
        %get3A_394 = vector.shape_cast %get3A_393 : vector<1x16xf32> to vector<16xf32>
        %add3A_395 = arith.addf %add3A_371, %get3A_394 : vector<16xf32>
        %get3A_396 = arith.index_cast %add3A_385 : i32 to index
        %get3A_397 = arith.constant 32 : index
        %get3A_398 = tpu.vector_load %arg7[%get3A_396, %get3A_397] {strides = array<i32>} : memref<104x64xf32, #tpu.memory_space<vmem>>, vector<1x16xf32>,
        %get3A_399 = vector.shape_cast %get3A_398 : vector<1x16xf32> to vector<16xf32>
        %add3A_400 = arith.addf %add3A_376, %get3A_399 : vector<16xf32>
        %get3A_401 = arith.index_cast %add3A_385 : i32 to index
        %get3A_402 = arith.constant 48 : index
        %get3A_403 = tpu.vector_load %arg7[%get3A_401, %get3A_402] {strides = array<i32>} : memref<104x64xf32, #tpu.memory_space<vmem>>, vector<1x16xf32>,
        %get3A_404 = vector.shape_cast %get3A_403 : vector<1x16xf32> to vector<16xf32>
        %add3A_405 = arith.addf %add3A_381, %get3A_404 : vector<16xf32>
        %scan3A_406 = arith.constant 2 : i32
        %scan3A_407 = arith.addi %scan3A_356, %scan3A_406 : i32
        %add3A_408 = arith.constant 52 : i32
        %add3A_409 = arith.addi %add3A_408, %scan3A_407 : i32
        %get3A_410 = arith.index_cast %add3A_409 : i32 to index
        %get3A_411 = arith.constant 0 : index
        %get3A_412 = tpu.vector_load %arg7[%get3A_410, %get3A_411] {strides = array<i32>} : memref<104x64xf32, #tpu.memory_space<vmem>>, vector<1x16xf32>,
        %get3A_413 = vector.shape_cast %get3A_412 : vector<1x16xf32> to vector<16xf32>
        %add3A_414 = arith.addf %add3A_390, %get3A_413 : vector<16xf32>
        %get3A_415 = arith.index_cast %add3A_409 : i32 to index
        %get3A_416 = arith.constant 16 : index
        %get3A_417 = tpu.vector_load %arg7[%get3A_415, %get3A_416] {strides = array<i32>} : memref<104x64xf32, #tpu.memory_space<vmem>>, vector<1x16xf32>,
        %get3A_418 = vector.shape_cast %get3A_417 : vector<1x16xf32> to vector<16xf32>
        %add3A_419 = arith.addf %add3A_395, %get3A_418 : vector<16xf32>
        %get3A_420 = arith.index_cast %add3A_409 : i32 to index
        %get3A_421 = arith.constant 32 : index
        %get3A_422 = tpu.vector_load %arg7[%get3A_420, %get3A_421] {strides = array<i32>} : memref<104x64xf32, #tpu.memory_space<vmem>>, vector<1x16xf32>,
        %get3A_423 = vector.shape_cast %get3A_422 : vector<1x16xf32> to vector<16xf32>
        %add3A_424 = arith.addf %add3A_400, %get3A_423 : vector<16xf32>
        %get3A_425 = arith.index_cast %add3A_409 : i32 to index
        %get3A_426 = arith.constant 48 : index
        %get3A_427 = tpu.vector_load %arg7[%get3A_425, %get3A_426] {strides = array<i32>} : memref<104x64xf32, #tpu.memory_space<vmem>>, vector<1x16xf32>,
        %get3A_428 = vector.shape_cast %get3A_427 : vector<1x16xf32> to vector<16xf32>
        %add3A_429 = arith.addf %add3A_405, %get3A_428 : vector<16xf32>
        %scan3A_430 = arith.constant 3 : i32
        %scan3A_431 = arith.addi %scan3A_356, %scan3A_430 : i32
        %add3A_432 = arith.constant 52 : i32
        %add3A_433 = arith.addi %add3A_432, %scan3A_431 : i32
        %get3A_434 = arith.index_cast %add3A_433 : i32 to index
        %get3A_435 = arith.constant 0 : index
        %get3A_436 = tpu.vector_load %arg7[%get3A_434, %get3A_435] {strides = array<i32>} : memref<104x64xf32, #tpu.memory_space<vmem>>, vector<1x16xf32>,
        %get3A_437 = vector.shape_cast %get3A_436 : vector<1x16xf32> to vector<16xf32>
        %add3A_438 = arith.addf %add3A_414, %get3A_437 : vector<16xf32>
        %get3A_439 = arith.index_cast %add3A_433 : i32 to index
        %get3A_440 = arith.constant 16 : index
        %get3A_441 = tpu.vector_load %arg7[%get3A_439, %get3A_440] {strides = array<i32>} : memref<104x64xf32, #tpu.memory_space<vmem>>, vector<1x16xf32>,
        %get3A_442 = vector.shape_cast %get3A_441 : vector<1x16xf32> to vector<16xf32>
        %add3A_443 = arith.addf %add3A_419, %get3A_442 : vector<16xf32>
        %get3A_444 = arith.index_cast %add3A_433 : i32 to index
        %get3A_445 = arith.constant 32 : index
        %get3A_446 = tpu.vector_load %arg7[%get3A_444, %get3A_445] {strides = array<i32>} : memref<104x64xf32, #tpu.memory_space<vmem>>, vector<1x16xf32>,
        %get3A_447 = vector.shape_cast %get3A_446 : vector<1x16xf32> to vector<16xf32>
        %add3A_448 = arith.addf %add3A_424, %get3A_447 : vector<16xf32>
        %get3A_449 = arith.index_cast %add3A_433 : i32 to index
        %get3A_450 = arith.constant 48 : index
        %get3A_451 = tpu.vector_load %arg7[%get3A_449, %get3A_450] {strides = array<i32>} : memref<104x64xf32, #tpu.memory_space<vmem>>, vector<1x16xf32>,
        %get3A_452 = vector.shape_cast %get3A_451 : vector<1x16xf32> to vector<16xf32>
        %add3A_453 = arith.addf %add3A_429, %get3A_452 : vector<16xf32>
        %scan3A_454 = arith.constant 4 : i32
        %scan3A_455 = arith.addi %scan3A_356, %scan3A_454 : i32
        %add3A_456 = arith.constant 52 : i32
        %add3A_457 = arith.addi %add3A_456, %scan3A_455 : i32
        %get3A_458 = arith.index_cast %add3A_457 : i32 to index
        %get3A_459 = arith.constant 0 : index
        %get3A_460 = tpu.vector_load %arg7[%get3A_458, %get3A_459] {strides = array<i32>} : memref<104x64xf32, #tpu.memory_space<vmem>>, vector<1x16xf32>,
        %get3A_461 = vector.shape_cast %get3A_460 : vector<1x16xf32> to vector<16xf32>
        %add3A_462 = arith.addf %add3A_438, %get3A_461 : vector<16xf32>
        %get3A_463 = arith.index_cast %add3A_457 : i32 to index
        %get3A_464 = arith.constant 16 : index
        %get3A_465 = tpu.vector_load %arg7[%get3A_463, %get3A_464] {strides = array<i32>} : memref<104x64xf32, #tpu.memory_space<vmem>>, vector<1x16xf32>,
        %get3A_466 = vector.shape_cast %get3A_465 : vector<1x16xf32> to vector<16xf32>
        %add3A_467 = arith.addf %add3A_443, %get3A_466 : vector<16xf32>
        %get3A_468 = arith.index_cast %add3A_457 : i32 to index
        %get3A_469 = arith.constant 32 : index
        %get3A_470 = tpu.vector_load %arg7[%get3A_468, %get3A_469] {strides = array<i32>} : memref<104x64xf32, #tpu.memory_space<vmem>>, vector<1x16xf32>,
        %get3A_471 = vector.shape_cast %get3A_470 : vector<1x16xf32> to vector<16xf32>
        %add3A_472 = arith.addf %add3A_448, %get3A_471 : vector<16xf32>
        %get3A_473 = arith.index_cast %add3A_457 : i32 to index
        %get3A_474 = arith.constant 48 : index
        %get3A_475 = tpu.vector_load %arg7[%get3A_473, %get3A_474] {strides = array<i32>} : memref<104x64xf32, #tpu.memory_space<vmem>>, vector<1x16xf32>,
        %get3A_476 = vector.shape_cast %get3A_475 : vector<1x16xf32> to vector<16xf32>
        %add3A_477 = arith.addf %add3A_453, %get3A_476 : vector<16xf32>
        %scan3A_478 = arith.constant 5 : i32
        %scan3A_479 = arith.addi %scan3A_356, %scan3A_478 : i32
        %add3A_480 = arith.constant 52 : i32
        %add3A_481 = arith.addi %add3A_480, %scan3A_479 : i32
        %get3A_482 = arith.index_cast %add3A_481 : i32 to index
        %get3A_483 = arith.constant 0 : index
        %get3A_484 = tpu.vector_load %arg7[%get3A_482, %get3A_483] {strides = array<i32>} : memref<104x64xf32, #tpu.memory_space<vmem>>, vector<1x16xf32>,
        %get3A_485 = vector.shape_cast %get3A_484 : vector<1x16xf32> to vector<16xf32>
        %add3A_486 = arith.addf %add3A_462, %get3A_485 : vector<16xf32>
        %get3A_487 = arith.index_cast %add3A_481 : i32 to index
        %get3A_488 = arith.constant 16 : index
        %get3A_489 = tpu.vector_load %arg7[%get3A_487, %get3A_488] {strides = array<i32>} : memref<104x64xf32, #tpu.memory_space<vmem>>, vector<1x16xf32>,
        %get3A_490 = vector.shape_cast %get3A_489 : vector<1x16xf32> to vector<16xf32>
        %add3A_491 = arith.addf %add3A_467, %get3A_490 : vector<16xf32>
        %get3A_492 = arith.index_cast %add3A_481 : i32 to index
        %get3A_493 = arith.constant 32 : index
        %get3A_494 = tpu.vector_load %arg7[%get3A_492, %get3A_493] {strides = array<i32>} : memref<104x64xf32, #tpu.memory_space<vmem>>, vector<1x16xf32>,
        %get3A_495 = vector.shape_cast %get3A_494 : vector<1x16xf32> to vector<16xf32>
        %add3A_496 = arith.addf %add3A_472, %get3A_495 : vector<16xf32>
        %get3A_497 = arith.index_cast %add3A_481 : i32 to index
        %get3A_498 = arith.constant 48 : index
        %get3A_499 = tpu.vector_load %arg7[%get3A_497, %get3A_498] {strides = array<i32>} : memref<104x64xf32, #tpu.memory_space<vmem>>, vector<1x16xf32>,
        %get3A_500 = vector.shape_cast %get3A_499 : vector<1x16xf32> to vector<16xf32>
        %add3A_501 = arith.addf %add3A_477, %get3A_500 : vector<16xf32>
        %scan3A_502 = arith.constant 6 : i32
        %scan3A_503 = arith.addi %scan3A_356, %scan3A_502 : i32
        %add3A_504 = arith.constant 52 : i32
        %add3A_505 = arith.addi %add3A_504, %scan3A_503 : i32
        %get3A_506 = arith.index_cast %add3A_505 : i32 to index
        %get3A_507 = arith.constant 0 : index
        %get3A_508 = tpu.vector_load %arg7[%get3A_506, %get3A_507] {strides = array<i32>} : memref<104x64xf32, #tpu.memory_space<vmem>>, vector<1x16xf32>,
        %get3A_509 = vector.shape_cast %get3A_508 : vector<1x16xf32> to vector<16xf32>
        %add3A_510 = arith.addf %add3A_486, %get3A_509 : vector<16xf32>
        %get3A_511 = arith.index_cast %add3A_505 : i32 to index
        %get3A_512 = arith.constant 16 : index
        %get3A_513 = tpu.vector_load %arg7[%get3A_511, %get3A_512] {strides = array<i32>} : memref<104x64xf32, #tpu.memory_space<vmem>>, vector<1x16xf32>,
        %get3A_514 = vector.shape_cast %get3A_513 : vector<1x16xf32> to vector<16xf32>
        %add3A_515 = arith.addf %add3A_491, %get3A_514 : vector<16xf32>
        %get3A_516 = arith.index_cast %add3A_505 : i32 to index
        %get3A_517 = arith.constant 32 : index
        %get3A_518 = tpu.vector_load %arg7[%get3A_516, %get3A_517] {strides = array<i32>} : memref<104x64xf32, #tpu.memory_space<vmem>>, vector<1x16xf32>,
        %get3A_519 = vector.shape_cast %get3A_518 : vector<1x16xf32> to vector<16xf32>
        %add3A_520 = arith.addf %add3A_496, %get3A_519 : vector<16xf32>
        %get3A_521 = arith.index_cast %add3A_505 : i32 to index
        %get3A_522 = arith.constant 48 : index
        %get3A_523 = tpu.vector_load %arg7[%get3A_521, %get3A_522] {strides = array<i32>} : memref<104x64xf32, #tpu.memory_space<vmem>>, vector<1x16xf32>,
        %get3A_524 = vector.shape_cast %get3A_523 : vector<1x16xf32> to vector<16xf32>
        %add3A_525 = arith.addf %add3A_501, %get3A_524 : vector<16xf32>
        %scan3A_526 = arith.constant 7 : i32
        %scan3A_527 = arith.addi %scan3A_356, %scan3A_526 : i32
        %add3A_528 = arith.constant 52 : i32
        %add3A_529 = arith.addi %add3A_528, %scan3A_527 : i32
        %get3A_530 = arith.index_cast %add3A_529 : i32 to index
        %get3A_531 = arith.constant 0 : index
        %get3A_532 = tpu.vector_load %arg7[%get3A_530, %get3A_531] {strides = array<i32>} : memref<104x64xf32, #tpu.memory_space<vmem>>, vector<1x16xf32>,
        %get3A_533 = vector.shape_cast %get3A_532 : vector<1x16xf32> to vector<16xf32>
        %add3A_534 = arith.addf %add3A_510, %get3A_533 : vector<16xf32>
        %get3A_535 = arith.index_cast %add3A_529 : i32 to index
        %get3A_536 = arith.constant 16 : index
        %get3A_537 = tpu.vector_load %arg7[%get3A_535, %get3A_536] {strides = array<i32>} : memref<104x64xf32, #tpu.memory_space<vmem>>, vector<1x16xf32>,
        %get3A_538 = vector.shape_cast %get3A_537 : vector<1x16xf32> to vector<16xf32>
        %add3A_539 = arith.addf %add3A_515, %get3A_538 : vector<16xf32>
        %get3A_540 = arith.index_cast %add3A_529 : i32 to index
        %get3A_541 = arith.constant 32 : index
        %get3A_542 = tpu.vector_load %arg7[%get3A_540, %get3A_541] {strides = array<i32>} : memref<104x64xf32, #tpu.memory_space<vmem>>, vector<1x16xf32>,
        %get3A_543 = vector.shape_cast %get3A_542 : vector<1x16xf32> to vector<16xf32>
        %add3A_544 = arith.addf %add3A_520, %get3A_543 : vector<16xf32>
        %get3A_545 = arith.index_cast %add3A_529 : i32 to index
        %get3A_546 = arith.constant 48 : index
        %get3A_547 = tpu.vector_load %arg7[%get3A_545, %get3A_546] {strides = array<i32>} : memref<104x64xf32, #tpu.memory_space<vmem>>, vector<1x16xf32>,
        %get3A_548 = vector.shape_cast %get3A_547 : vector<1x16xf32> to vector<16xf32>
        %add3A_549 = arith.addf %add3A_525, %get3A_548 : vector<16xf32>
        %scan3A_550 = arith.constant 8 : i32
        %scan3A_551 = arith.addi %scan3A_356, %scan3A_550 : i32
        %add3A_552 = arith.constant 52 : i32
        %add3A_553 = arith.addi %add3A_552, %scan3A_551 : i32
        %get3A_554 = arith.index_cast %add3A_553 : i32 to index
        %get3A_555 = arith.constant 0 : index
        %get3A_556 = tpu.vector_load %arg7[%get3A_554, %get3A_555] {strides = array<i32>} : memref<104x64xf32, #tpu.memory_space<vmem>>, vector<1x16xf32>,
        %get3A_557 = vector.shape_cast %get3A_556 : vector<1x16xf32> to vector<16xf32>
        %add3A_558 = arith.addf %add3A_534, %get3A_557 : vector<16xf32>
        %get3A_559 = arith.index_cast %add3A_553 : i32 to index
        %get3A_560 = arith.constant 16 : index
        %get3A_561 = tpu.vector_load %arg7[%get3A_559, %get3A_560] {strides = array<i32>} : memref<104x64xf32, #tpu.memory_space<vmem>>, vector<1x16xf32>,
        %get3A_562 = vector.shape_cast %get3A_561 : vector<1x16xf32> to vector<16xf32>
        %add3A_563 = arith.addf %add3A_539, %get3A_562 : vector<16xf32>
        %get3A_564 = arith.index_cast %add3A_553 : i32 to index
        %get3A_565 = arith.constant 32 : index
        %get3A_566 = tpu.vector_load %arg7[%get3A_564, %get3A_565] {strides = array<i32>} : memref<104x64xf32, #tpu.memory_space<vmem>>, vector<1x16xf32>,
        %get3A_567 = vector.shape_cast %get3A_566 : vector<1x16xf32> to vector<16xf32>
        %add3A_568 = arith.addf %add3A_544, %get3A_567 : vector<16xf32>
        %get3A_569 = arith.index_cast %add3A_553 : i32 to index
        %get3A_570 = arith.constant 48 : index
        %get3A_571 = tpu.vector_load %arg7[%get3A_569, %get3A_570] {strides = array<i32>} : memref<104x64xf32, #tpu.memory_space<vmem>>, vector<1x16xf32>,
        %get3A_572 = vector.shape_cast %get3A_571 : vector<1x16xf32> to vector<16xf32>
        %add3A_573 = arith.addf %add3A_549, %get3A_572 : vector<16xf32>
        %scan3A_574 = arith.constant 9 : i32
        %scan3A_575 = arith.addi %scan3A_356, %scan3A_574 : i32
        %add3A_576 = arith.constant 52 : i32
        %add3A_577 = arith.addi %add3A_576, %scan3A_575 : i32
        %get3A_578 = arith.index_cast %add3A_577 : i32 to index
        %get3A_579 = arith.constant 0 : index
        %get3A_580 = tpu.vector_load %arg7[%get3A_578, %get3A_579] {strides = array<i32>} : memref<104x64xf32, #tpu.memory_space<vmem>>, vector<1x16xf32>,
        %get3A_581 = vector.shape_cast %get3A_580 : vector<1x16xf32> to vector<16xf32>
        %add3A_582 = arith.addf %add3A_558, %get3A_581 : vector<16xf32>
        %get3A_583 = arith.index_cast %add3A_577 : i32 to index
        %get3A_584 = arith.constant 16 : index
        %get3A_585 = tpu.vector_load %arg7[%get3A_583, %get3A_584] {strides = array<i32>} : memref<104x64xf32, #tpu.memory_space<vmem>>, vector<1x16xf32>,
        %get3A_586 = vector.shape_cast %get3A_585 : vector<1x16xf32> to vector<16xf32>
        %add3A_587 = arith.addf %add3A_563, %get3A_586 : vector<16xf32>
        %get3A_588 = arith.index_cast %add3A_577 : i32 to index
        %get3A_589 = arith.constant 32 : index
        %get3A_590 = tpu.vector_load %arg7[%get3A_588, %get3A_589] {strides = array<i32>} : memref<104x64xf32, #tpu.memory_space<vmem>>, vector<1x16xf32>,
        %get3A_591 = vector.shape_cast %get3A_590 : vector<1x16xf32> to vector<16xf32>
        %add3A_592 = arith.addf %add3A_568, %get3A_591 : vector<16xf32>
        %get3A_593 = arith.index_cast %add3A_577 : i32 to index
        %get3A_594 = arith.constant 48 : index
        %get3A_595 = tpu.vector_load %arg7[%get3A_593, %get3A_594] {strides = array<i32>} : memref<104x64xf32, #tpu.memory_space<vmem>>, vector<1x16xf32>,
        %get3A_596 = vector.shape_cast %get3A_595 : vector<1x16xf32> to vector<16xf32>
        %add3A_597 = arith.addf %add3A_573, %get3A_596 : vector<16xf32>
        scf.yield %add3A_582, %add3A_587, %add3A_592, %add3A_597 : vector<16xf32>, vector<16xf32>, vector<16xf32>, vector<16xf32>
      }
      %scan3A_162 = arith.constant 50 : i32
      %mul3A_163 = arith.constant 2 : i32
      %mul3A_164 = arith.muli %mul3A_163, %add3A_116 : i32
      %add3A_165 = arith.constant 1 : i32
      %add3A_166 = arith.addi %mul3A_164, %add3A_165 : i32
      %swap3A_167 = arith.index_cast %add3A_166 : i32 to index
      %swap3A_168 = arith.constant 0 : index
      %swap3A_169 = tpu.vector_load %arg10[%swap3A_167, %swap3A_168] {strides = array<i32>} : memref<128x64xf32, #tpu.memory_space<vmem>>, vector<1x16xf32>,
      %swap3A_170 = vector.shape_cast %swap3A_169 : vector<1x16xf32> to vector<16xf32>
      %swap3A_171 = vector.shape_cast %scan3A_161#0 : vector<16xf32> to vector<1x16xf32>
      tpu.vector_store %arg10[%swap3A_167, %swap3A_168], %swap3A_171 {strides = array<i32>} : memref<128x64xf32, #tpu.memory_space<vmem>>, vector<1x16xf32>,
      %swap3A_172 = arith.index_cast %add3A_166 : i32 to index
      %swap3A_173 = arith.constant 16 : index
      %swap3A_174 = tpu.vector_load %arg10[%swap3A_172, %swap3A_173] {strides = array<i32>} : memref<128x64xf32, #tpu.memory_space<vmem>>, vector<1x16xf32>,
      %swap3A_175 = vector.shape_cast %swap3A_174 : vector<1x16xf32> to vector<16xf32>
      %swap3A_176 = vector.shape_cast %scan3A_161#1 : vector<16xf32> to vector<1x16xf32>
      tpu.vector_store %arg10[%swap3A_172, %swap3A_173], %swap3A_176 {strides = array<i32>} : memref<128x64xf32, #tpu.memory_space<vmem>>, vector<1x16xf32>,
      %swap3A_177 = arith.index_cast %add3A_166 : i32 to index
      %swap3A_178 = arith.constant 32 : index
      %swap3A_179 = tpu.vector_load %arg10[%swap3A_177, %swap3A_178] {strides = array<i32>} : memref<128x64xf32, #tpu.memory_space<vmem>>, vector<1x16xf32>,
      %swap3A_180 = vector.shape_cast %swap3A_179 : vector<1x16xf32> to vector<16xf32>
      %swap3A_181 = vector.shape_cast %scan3A_161#2 : vector<16xf32> to vector<1x16xf32>
      tpu.vector_store %arg10[%swap3A_177, %swap3A_178], %swap3A_181 {strides = array<i32>} : memref<128x64xf32, #tpu.memory_space<vmem>>, vector<1x16xf32>,
      %swap3A_182 = arith.index_cast %add3A_166 : i32 to index
      %swap3A_183 = arith.constant 48 : index
      %swap3A_184 = tpu.vector_load %arg10[%swap3A_182, %swap3A_183] {strides = array<i32>} : memref<128x64xf32, #tpu.memory_space<vmem>>, vector<1x16xf32>,
      %swap3A_185 = vector.shape_cast %swap3A_184 : vector<1x16xf32> to vector<16xf32>
      %swap3A_186 = vector.shape_cast %scan3A_161#3 : vector<16xf32> to vector<1x16xf32>
      tpu.vector_store %arg10[%swap3A_182, %swap3A_183], %swap3A_186 {strides = array<i32>} : memref<128x64xf32, #tpu.memory_space<vmem>>, vector<1x16xf32>,
      %add3A_187 = arith.constant 4 : i32
      %add3A_188 = arith.addi %add3A_116, %add3A_187 : i32
      %lt3A_189 = arith.constant 64 : i32
      %lt3A_190 = arith.cmpi slt, %add3A_188, %lt3A_189 : i32
      %convert_element_type3A_191 = arith.extui %lt3A_190 : i1 to i32
      %cond3A_192 = arith.constant 0 : i32
      %cond3A_193 = arith.cmpi ne, %convert_element_type3A_191, %cond3A_192 : i32
      scf.if %cond3A_193 {
        %add3A_356 = arith.constant 4 : i32
        %add3A_357 = arith.addi %add3A_116, %add3A_356 : i32
        %dma_start3A_358 = arith.constant 0 : i32
        %dma_start3A_359 = tpu.memref_slice %arg5[%add3A_357, %dma_start3A_358] : memref<64x104xi32, #tpu.memory_space<vmem>> -> memref<1x104xi32, #tpu.memory_space<vmem>>
        %dma_start3A_360 = tpu.memref_squeeze %dma_start3A_359 : memref<1x104xi32, #tpu.memory_space<vmem>> -> memref<104xi32, #tpu.memory_space<vmem>>
        %dma_start3A_361 = arith.constant 0 : i32
        %dma_start3A_362 = arith.constant 0 : i32
        %dma_start3A_363 = tpu.memref_slice %arg2[%dma_start3A_361, %dma_start3A_362] : memref<100000x64xf32, #tpu.memory_space<hbm>> -> memref<100000x64xf32, #tpu.memory_space<hbm>>
        tpu.enqueue_indirect_dma source(%dma_start3A_363 : memref<100000x64xf32, #tpu.memory_space<hbm>>) target(%arg7 : memref<104x64xf32, #tpu.memory_space<vmem>>) offsets(%dma_start3A_360 : memref<104xi32, #tpu.memory_space<vmem>>) semaphore(%arg12 : memref<!tpu.dma_semaphore, #tpu.memory_space<semaphore_mem>>)
      } else {
      }
      %mul3A_194 = arith.constant 4 : i32
      %mul3A_195 = arith.muli %scan3A_37, %mul3A_194 : i32
      %add3A_196 = arith.constant 2 : i32
      %add3A_197 = arith.addi %mul3A_195, %add3A_196 : i32
      %dma_wait3A_198 = arith.constant 0 : i32
      %dma_wait3A_199 = tpu.memref_slice %arg5[%add3A_197, %dma_wait3A_198] : memref<64x104xi32, #tpu.memory_space<vmem>> -> memref<1x104xi32, #tpu.memory_space<vmem>>
      %dma_wait3A_200 = tpu.memref_squeeze %dma_wait3A_199 : memref<1x104xi32, #tpu.memory_space<vmem>> -> memref<104xi32, #tpu.memory_space<vmem>>
      %dma_wait3A_201 = arith.constant 0 : i32
      %dma_wait3A_202 = arith.constant 0 : i32
      %dma_wait3A_203 = tpu.memref_slice %arg2[%dma_wait3A_201, %dma_wait3A_202] : memref<100000x64xf32, #tpu.memory_space<hbm>> -> memref<100000x64xf32, #tpu.memory_space<hbm>>
      tpu.wait_indirect_dma semaphore(%arg13 : memref<!tpu.dma_semaphore, #tpu.memory_space<semaphore_mem>>) src(%dma_wait3A_203 : memref<100000x64xf32, #tpu.memory_space<hbm>>) dst(%arg8 : memref<104x64xf32, #tpu.memory_space<vmem>>)
      %broadcast_in_dim3A_204 = arith.constant 0.000000e+00 : f32
      %broadcast_in_dim3A_205 = vector.broadcast %broadcast_in_dim3A_204 : f32 to vector<16xf32>
      %scan3A_206 = arith.constant 0 : i32
      %scan3A_207 = arith.constant 50 : i32
      %scan3A_208 = arith.addi %scan3A_206, %scan3A_207 : i32
      %scan3A_209 = arith.constant 10 : i32
      %scan3A_210:4 = scf.for %scan3A_356 = %scan3A_206 to %scan3A_208 step %scan3A_209 iter_args(%scan3A_357 = %broadcast_in_dim3A_205, %scan3A_358 = %broadcast_in_dim3A_205, %scan3A_359 = %broadcast_in_dim3A_205, %scan3A_360 = %broadcast_in_dim3A_205) -> (vector<16xf32>, vector<16xf32>, vector<16xf32>, vector<16xf32>)  : i32 {
        %add3A_361 = arith.constant 0 : i32
        %add3A_362 = arith.addi %add3A_361, %scan3A_356 : i32
        %get3A = arith.index_cast %add3A_362 : i32 to index
        %get3A_363 = arith.constant 0 : index
        %get3A_364 = tpu.vector_load %arg8[%get3A, %get3A_363] {strides = array<i32>} : memref<104x64xf32, #tpu.memory_space<vmem>>, vector<1x16xf32>,
        %get3A_365 = vector.shape_cast %get3A_364 : vector<1x16xf32> to vector<16xf32>
        %add3A_366 = arith.addf %scan3A_357, %get3A_365 : vector<16xf32>
        %get3A_367 = arith.index_cast %add3A_362 : i32 to index
        %get3A_368 = arith.constant 16 : index
        %get3A_369 = tpu.vector_load %arg8[%get3A_367, %get3A_368] {strides = array<i32>} : memref<104x64xf32, #tpu.memory_space<vmem>>, vector<1x16xf32>,
        %get3A_370 = vector.shape_cast %get3A_369 : vector<1x16xf32> to vector<16xf32>
        %add3A_371 = arith.addf %scan3A_358, %get3A_370 : vector<16xf32>
        %get3A_372 = arith.index_cast %add3A_362 : i32 to index
        %get3A_373 = arith.constant 32 : index
        %get3A_374 = tpu.vector_load %arg8[%get3A_372, %get3A_373] {strides = array<i32>} : memref<104x64xf32, #tpu.memory_space<vmem>>, vector<1x16xf32>,
        %get3A_375 = vector.shape_cast %get3A_374 : vector<1x16xf32> to vector<16xf32>
        %add3A_376 = arith.addf %scan3A_359, %get3A_375 : vector<16xf32>
        %get3A_377 = arith.index_cast %add3A_362 : i32 to index
        %get3A_378 = arith.constant 48 : index
        %get3A_379 = tpu.vector_load %arg8[%get3A_377, %get3A_378] {strides = array<i32>} : memref<104x64xf32, #tpu.memory_space<vmem>>, vector<1x16xf32>,
        %get3A_380 = vector.shape_cast %get3A_379 : vector<1x16xf32> to vector<16xf32>
        %add3A_381 = arith.addf %scan3A_360, %get3A_380 : vector<16xf32>
        %scan3A_382 = arith.constant 1 : i32
        %scan3A_383 = arith.addi %scan3A_356, %scan3A_382 : i32
        %add3A_384 = arith.constant 0 : i32
        %add3A_385 = arith.addi %add3A_384, %scan3A_383 : i32
        %get3A_386 = arith.index_cast %add3A_385 : i32 to index
        %get3A_387 = arith.constant 0 : index
        %get3A_388 = tpu.vector_load %arg8[%get3A_386, %get3A_387] {strides = array<i32>} : memref<104x64xf32, #tpu.memory_space<vmem>>, vector<1x16xf32>,
        %get3A_389 = vector.shape_cast %get3A_388 : vector<1x16xf32> to vector<16xf32>
        %add3A_390 = arith.addf %add3A_366, %get3A_389 : vector<16xf32>
        %get3A_391 = arith.index_cast %add3A_385 : i32 to index
        %get3A_392 = arith.constant 16 : index
        %get3A_393 = tpu.vector_load %arg8[%get3A_391, %get3A_392] {strides = array<i32>} : memref<104x64xf32, #tpu.memory_space<vmem>>, vector<1x16xf32>,
        %get3A_394 = vector.shape_cast %get3A_393 : vector<1x16xf32> to vector<16xf32>
        %add3A_395 = arith.addf %add3A_371, %get3A_394 : vector<16xf32>
        %get3A_396 = arith.index_cast %add3A_385 : i32 to index
        %get3A_397 = arith.constant 32 : index
        %get3A_398 = tpu.vector_load %arg8[%get3A_396, %get3A_397] {strides = array<i32>} : memref<104x64xf32, #tpu.memory_space<vmem>>, vector<1x16xf32>,
        %get3A_399 = vector.shape_cast %get3A_398 : vector<1x16xf32> to vector<16xf32>
        %add3A_400 = arith.addf %add3A_376, %get3A_399 : vector<16xf32>
        %get3A_401 = arith.index_cast %add3A_385 : i32 to index
        %get3A_402 = arith.constant 48 : index
        %get3A_403 = tpu.vector_load %arg8[%get3A_401, %get3A_402] {strides = array<i32>} : memref<104x64xf32, #tpu.memory_space<vmem>>, vector<1x16xf32>,
        %get3A_404 = vector.shape_cast %get3A_403 : vector<1x16xf32> to vector<16xf32>
        %add3A_405 = arith.addf %add3A_381, %get3A_404 : vector<16xf32>
        %scan3A_406 = arith.constant 2 : i32
        %scan3A_407 = arith.addi %scan3A_356, %scan3A_406 : i32
        %add3A_408 = arith.constant 0 : i32
        %add3A_409 = arith.addi %add3A_408, %scan3A_407 : i32
        %get3A_410 = arith.index_cast %add3A_409 : i32 to index
        %get3A_411 = arith.constant 0 : index
        %get3A_412 = tpu.vector_load %arg8[%get3A_410, %get3A_411] {strides = array<i32>} : memref<104x64xf32, #tpu.memory_space<vmem>>, vector<1x16xf32>,
        %get3A_413 = vector.shape_cast %get3A_412 : vector<1x16xf32> to vector<16xf32>
        %add3A_414 = arith.addf %add3A_390, %get3A_413 : vector<16xf32>
        %get3A_415 = arith.index_cast %add3A_409 : i32 to index
        %get3A_416 = arith.constant 16 : index
        %get3A_417 = tpu.vector_load %arg8[%get3A_415, %get3A_416] {strides = array<i32>} : memref<104x64xf32, #tpu.memory_space<vmem>>, vector<1x16xf32>,
        %get3A_418 = vector.shape_cast %get3A_417 : vector<1x16xf32> to vector<16xf32>
        %add3A_419 = arith.addf %add3A_395, %get3A_418 : vector<16xf32>
        %get3A_420 = arith.index_cast %add3A_409 : i32 to index
        %get3A_421 = arith.constant 32 : index
        %get3A_422 = tpu.vector_load %arg8[%get3A_420, %get3A_421] {strides = array<i32>} : memref<104x64xf32, #tpu.memory_space<vmem>>, vector<1x16xf32>,
        %get3A_423 = vector.shape_cast %get3A_422 : vector<1x16xf32> to vector<16xf32>
        %add3A_424 = arith.addf %add3A_400, %get3A_423 : vector<16xf32>
        %get3A_425 = arith.index_cast %add3A_409 : i32 to index
        %get3A_426 = arith.constant 48 : index
        %get3A_427 = tpu.vector_load %arg8[%get3A_425, %get3A_426] {strides = array<i32>} : memref<104x64xf32, #tpu.memory_space<vmem>>, vector<1x16xf32>,
        %get3A_428 = vector.shape_cast %get3A_427 : vector<1x16xf32> to vector<16xf32>
        %add3A_429 = arith.addf %add3A_405, %get3A_428 : vector<16xf32>
        %scan3A_430 = arith.constant 3 : i32
        %scan3A_431 = arith.addi %scan3A_356, %scan3A_430 : i32
        %add3A_432 = arith.constant 0 : i32
        %add3A_433 = arith.addi %add3A_432, %scan3A_431 : i32
        %get3A_434 = arith.index_cast %add3A_433 : i32 to index
        %get3A_435 = arith.constant 0 : index
        %get3A_436 = tpu.vector_load %arg8[%get3A_434, %get3A_435] {strides = array<i32>} : memref<104x64xf32, #tpu.memory_space<vmem>>, vector<1x16xf32>,
        %get3A_437 = vector.shape_cast %get3A_436 : vector<1x16xf32> to vector<16xf32>
        %add3A_438 = arith.addf %add3A_414, %get3A_437 : vector<16xf32>
        %get3A_439 = arith.index_cast %add3A_433 : i32 to index
        %get3A_440 = arith.constant 16 : index
        %get3A_441 = tpu.vector_load %arg8[%get3A_439, %get3A_440] {strides = array<i32>} : memref<104x64xf32, #tpu.memory_space<vmem>>, vector<1x16xf32>,
        %get3A_442 = vector.shape_cast %get3A_441 : vector<1x16xf32> to vector<16xf32>
        %add3A_443 = arith.addf %add3A_419, %get3A_442 : vector<16xf32>
        %get3A_444 = arith.index_cast %add3A_433 : i32 to index
        %get3A_445 = arith.constant 32 : index
        %get3A_446 = tpu.vector_load %arg8[%get3A_444, %get3A_445] {strides = array<i32>} : memref<104x64xf32, #tpu.memory_space<vmem>>, vector<1x16xf32>,
        %get3A_447 = vector.shape_cast %get3A_446 : vector<1x16xf32> to vector<16xf32>
        %add3A_448 = arith.addf %add3A_424, %get3A_447 : vector<16xf32>
        %get3A_449 = arith.index_cast %add3A_433 : i32 to index
        %get3A_450 = arith.constant 48 : index
        %get3A_451 = tpu.vector_load %arg8[%get3A_449, %get3A_450] {strides = array<i32>} : memref<104x64xf32, #tpu.memory_space<vmem>>, vector<1x16xf32>,
        %get3A_452 = vector.shape_cast %get3A_451 : vector<1x16xf32> to vector<16xf32>
        %add3A_453 = arith.addf %add3A_429, %get3A_452 : vector<16xf32>
        %scan3A_454 = arith.constant 4 : i32
        %scan3A_455 = arith.addi %scan3A_356, %scan3A_454 : i32
        %add3A_456 = arith.constant 0 : i32
        %add3A_457 = arith.addi %add3A_456, %scan3A_455 : i32
        %get3A_458 = arith.index_cast %add3A_457 : i32 to index
        %get3A_459 = arith.constant 0 : index
        %get3A_460 = tpu.vector_load %arg8[%get3A_458, %get3A_459] {strides = array<i32>} : memref<104x64xf32, #tpu.memory_space<vmem>>, vector<1x16xf32>,
        %get3A_461 = vector.shape_cast %get3A_460 : vector<1x16xf32> to vector<16xf32>
        %add3A_462 = arith.addf %add3A_438, %get3A_461 : vector<16xf32>
        %get3A_463 = arith.index_cast %add3A_457 : i32 to index
        %get3A_464 = arith.constant 16 : index
        %get3A_465 = tpu.vector_load %arg8[%get3A_463, %get3A_464] {strides = array<i32>} : memref<104x64xf32, #tpu.memory_space<vmem>>, vector<1x16xf32>,
        %get3A_466 = vector.shape_cast %get3A_465 : vector<1x16xf32> to vector<16xf32>
        %add3A_467 = arith.addf %add3A_443, %get3A_466 : vector<16xf32>
        %get3A_468 = arith.index_cast %add3A_457 : i32 to index
        %get3A_469 = arith.constant 32 : index
        %get3A_470 = tpu.vector_load %arg8[%get3A_468, %get3A_469] {strides = array<i32>} : memref<104x64xf32, #tpu.memory_space<vmem>>, vector<1x16xf32>,
        %get3A_471 = vector.shape_cast %get3A_470 : vector<1x16xf32> to vector<16xf32>
        %add3A_472 = arith.addf %add3A_448, %get3A_471 : vector<16xf32>
        %get3A_473 = arith.index_cast %add3A_457 : i32 to index
        %get3A_474 = arith.constant 48 : index
        %get3A_475 = tpu.vector_load %arg8[%get3A_473, %get3A_474] {strides = array<i32>} : memref<104x64xf32, #tpu.memory_space<vmem>>, vector<1x16xf32>,
        %get3A_476 = vector.shape_cast %get3A_475 : vector<1x16xf32> to vector<16xf32>
        %add3A_477 = arith.addf %add3A_453, %get3A_476 : vector<16xf32>
        %scan3A_478 = arith.constant 5 : i32
        %scan3A_479 = arith.addi %scan3A_356, %scan3A_478 : i32
        %add3A_480 = arith.constant 0 : i32
        %add3A_481 = arith.addi %add3A_480, %scan3A_479 : i32
        %get3A_482 = arith.index_cast %add3A_481 : i32 to index
        %get3A_483 = arith.constant 0 : index
        %get3A_484 = tpu.vector_load %arg8[%get3A_482, %get3A_483] {strides = array<i32>} : memref<104x64xf32, #tpu.memory_space<vmem>>, vector<1x16xf32>,
        %get3A_485 = vector.shape_cast %get3A_484 : vector<1x16xf32> to vector<16xf32>
        %add3A_486 = arith.addf %add3A_462, %get3A_485 : vector<16xf32>
        %get3A_487 = arith.index_cast %add3A_481 : i32 to index
        %get3A_488 = arith.constant 16 : index
        %get3A_489 = tpu.vector_load %arg8[%get3A_487, %get3A_488] {strides = array<i32>} : memref<104x64xf32, #tpu.memory_space<vmem>>, vector<1x16xf32>,
        %get3A_490 = vector.shape_cast %get3A_489 : vector<1x16xf32> to vector<16xf32>
        %add3A_491 = arith.addf %add3A_467, %get3A_490 : vector<16xf32>
        %get3A_492 = arith.index_cast %add3A_481 : i32 to index
        %get3A_493 = arith.constant 32 : index
        %get3A_494 = tpu.vector_load %arg8[%get3A_492, %get3A_493] {strides = array<i32>} : memref<104x64xf32, #tpu.memory_space<vmem>>, vector<1x16xf32>,
        %get3A_495 = vector.shape_cast %get3A_494 : vector<1x16xf32> to vector<16xf32>
        %add3A_496 = arith.addf %add3A_472, %get3A_495 : vector<16xf32>
        %get3A_497 = arith.index_cast %add3A_481 : i32 to index
        %get3A_498 = arith.constant 48 : index
        %get3A_499 = tpu.vector_load %arg8[%get3A_497, %get3A_498] {strides = array<i32>} : memref<104x64xf32, #tpu.memory_space<vmem>>, vector<1x16xf32>,
        %get3A_500 = vector.shape_cast %get3A_499 : vector<1x16xf32> to vector<16xf32>
        %add3A_501 = arith.addf %add3A_477, %get3A_500 : vector<16xf32>
        %scan3A_502 = arith.constant 6 : i32
        %scan3A_503 = arith.addi %scan3A_356, %scan3A_502 : i32
        %add3A_504 = arith.constant 0 : i32
        %add3A_505 = arith.addi %add3A_504, %scan3A_503 : i32
        %get3A_506 = arith.index_cast %add3A_505 : i32 to index
        %get3A_507 = arith.constant 0 : index
        %get3A_508 = tpu.vector_load %arg8[%get3A_506, %get3A_507] {strides = array<i32>} : memref<104x64xf32, #tpu.memory_space<vmem>>, vector<1x16xf32>,
        %get3A_509 = vector.shape_cast %get3A_508 : vector<1x16xf32> to vector<16xf32>
        %add3A_510 = arith.addf %add3A_486, %get3A_509 : vector<16xf32>
        %get3A_511 = arith.index_cast %add3A_505 : i32 to index
        %get3A_512 = arith.constant 16 : index
        %get3A_513 = tpu.vector_load %arg8[%get3A_511, %get3A_512] {strides = array<i32>} : memref<104x64xf32, #tpu.memory_space<vmem>>, vector<1x16xf32>,
        %get3A_514 = vector.shape_cast %get3A_513 : vector<1x16xf32> to vector<16xf32>
        %add3A_515 = arith.addf %add3A_491, %get3A_514 : vector<16xf32>
        %get3A_516 = arith.index_cast %add3A_505 : i32 to index
        %get3A_517 = arith.constant 32 : index
        %get3A_518 = tpu.vector_load %arg8[%get3A_516, %get3A_517] {strides = array<i32>} : memref<104x64xf32, #tpu.memory_space<vmem>>, vector<1x16xf32>,
        %get3A_519 = vector.shape_cast %get3A_518 : vector<1x16xf32> to vector<16xf32>
        %add3A_520 = arith.addf %add3A_496, %get3A_519 : vector<16xf32>
        %get3A_521 = arith.index_cast %add3A_505 : i32 to index
        %get3A_522 = arith.constant 48 : index
        %get3A_523 = tpu.vector_load %arg8[%get3A_521, %get3A_522] {strides = array<i32>} : memref<104x64xf32, #tpu.memory_space<vmem>>, vector<1x16xf32>,
        %get3A_524 = vector.shape_cast %get3A_523 : vector<1x16xf32> to vector<16xf32>
        %add3A_525 = arith.addf %add3A_501, %get3A_524 : vector<16xf32>
        %scan3A_526 = arith.constant 7 : i32
        %scan3A_527 = arith.addi %scan3A_356, %scan3A_526 : i32
        %add3A_528 = arith.constant 0 : i32
        %add3A_529 = arith.addi %add3A_528, %scan3A_527 : i32
        %get3A_530 = arith.index_cast %add3A_529 : i32 to index
        %get3A_531 = arith.constant 0 : index
        %get3A_532 = tpu.vector_load %arg8[%get3A_530, %get3A_531] {strides = array<i32>} : memref<104x64xf32, #tpu.memory_space<vmem>>, vector<1x16xf32>,
        %get3A_533 = vector.shape_cast %get3A_532 : vector<1x16xf32> to vector<16xf32>
        %add3A_534 = arith.addf %add3A_510, %get3A_533 : vector<16xf32>
        %get3A_535 = arith.index_cast %add3A_529 : i32 to index
        %get3A_536 = arith.constant 16 : index
        %get3A_537 = tpu.vector_load %arg8[%get3A_535, %get3A_536] {strides = array<i32>} : memref<104x64xf32, #tpu.memory_space<vmem>>, vector<1x16xf32>,
        %get3A_538 = vector.shape_cast %get3A_537 : vector<1x16xf32> to vector<16xf32>
        %add3A_539 = arith.addf %add3A_515, %get3A_538 : vector<16xf32>
        %get3A_540 = arith.index_cast %add3A_529 : i32 to index
        %get3A_541 = arith.constant 32 : index
        %get3A_542 = tpu.vector_load %arg8[%get3A_540, %get3A_541] {strides = array<i32>} : memref<104x64xf32, #tpu.memory_space<vmem>>, vector<1x16xf32>,
        %get3A_543 = vector.shape_cast %get3A_542 : vector<1x16xf32> to vector<16xf32>
        %add3A_544 = arith.addf %add3A_520, %get3A_543 : vector<16xf32>
        %get3A_545 = arith.index_cast %add3A_529 : i32 to index
        %get3A_546 = arith.constant 48 : index
        %get3A_547 = tpu.vector_load %arg8[%get3A_545, %get3A_546] {strides = array<i32>} : memref<104x64xf32, #tpu.memory_space<vmem>>, vector<1x16xf32>,
        %get3A_548 = vector.shape_cast %get3A_547 : vector<1x16xf32> to vector<16xf32>
        %add3A_549 = arith.addf %add3A_525, %get3A_548 : vector<16xf32>
        %scan3A_550 = arith.constant 8 : i32
        %scan3A_551 = arith.addi %scan3A_356, %scan3A_550 : i32
        %add3A_552 = arith.constant 0 : i32
        %add3A_553 = arith.addi %add3A_552, %scan3A_551 : i32
        %get3A_554 = arith.index_cast %add3A_553 : i32 to index
        %get3A_555 = arith.constant 0 : index
        %get3A_556 = tpu.vector_load %arg8[%get3A_554, %get3A_555] {strides = array<i32>} : memref<104x64xf32, #tpu.memory_space<vmem>>, vector<1x16xf32>,
        %get3A_557 = vector.shape_cast %get3A_556 : vector<1x16xf32> to vector<16xf32>
        %add3A_558 = arith.addf %add3A_534, %get3A_557 : vector<16xf32>
        %get3A_559 = arith.index_cast %add3A_553 : i32 to index
        %get3A_560 = arith.constant 16 : index
        %get3A_561 = tpu.vector_load %arg8[%get3A_559, %get3A_560] {strides = array<i32>} : memref<104x64xf32, #tpu.memory_space<vmem>>, vector<1x16xf32>,
        %get3A_562 = vector.shape_cast %get3A_561 : vector<1x16xf32> to vector<16xf32>
        %add3A_563 = arith.addf %add3A_539, %get3A_562 : vector<16xf32>
        %get3A_564 = arith.index_cast %add3A_553 : i32 to index
        %get3A_565 = arith.constant 32 : index
        %get3A_566 = tpu.vector_load %arg8[%get3A_564, %get3A_565] {strides = array<i32>} : memref<104x64xf32, #tpu.memory_space<vmem>>, vector<1x16xf32>,
        %get3A_567 = vector.shape_cast %get3A_566 : vector<1x16xf32> to vector<16xf32>
        %add3A_568 = arith.addf %add3A_544, %get3A_567 : vector<16xf32>
        %get3A_569 = arith.index_cast %add3A_553 : i32 to index
        %get3A_570 = arith.constant 48 : index
        %get3A_571 = tpu.vector_load %arg8[%get3A_569, %get3A_570] {strides = array<i32>} : memref<104x64xf32, #tpu.memory_space<vmem>>, vector<1x16xf32>,
        %get3A_572 = vector.shape_cast %get3A_571 : vector<1x16xf32> to vector<16xf32>
        %add3A_573 = arith.addf %add3A_549, %get3A_572 : vector<16xf32>
        %scan3A_574 = arith.constant 9 : i32
        %scan3A_575 = arith.addi %scan3A_356, %scan3A_574 : i32
        %add3A_576 = arith.constant 0 : i32
        %add3A_577 = arith.addi %add3A_576, %scan3A_575 : i32
        %get3A_578 = arith.index_cast %add3A_577 : i32 to index
        %get3A_579 = arith.constant 0 : index
        %get3A_580 = tpu.vector_load %arg8[%get3A_578, %get3A_579] {strides = array<i32>} : memref<104x64xf32, #tpu.memory_space<vmem>>, vector<1x16xf32>,
        %get3A_581 = vector.shape_cast %get3A_580 : vector<1x16xf32> to vector<16xf32>
        %add3A_582 = arith.addf %add3A_558, %get3A_581 : vector<16xf32>
        %get3A_583 = arith.index_cast %add3A_577 : i32 to index
        %get3A_584 = arith.constant 16 : index
        %get3A_585 = tpu.vector_load %arg8[%get3A_583, %get3A_584] {strides = array<i32>} : memref<104x64xf32, #tpu.memory_space<vmem>>, vector<1x16xf32>,
        %get3A_586 = vector.shape_cast %get3A_585 : vector<1x16xf32> to vector<16xf32>
        %add3A_587 = arith.addf %add3A_563, %get3A_586 : vector<16xf32>
        %get3A_588 = arith.index_cast %add3A_577 : i32 to index
        %get3A_589 = arith.constant 32 : index
        %get3A_590 = tpu.vector_load %arg8[%get3A_588, %get3A_589] {strides = array<i32>} : memref<104x64xf32, #tpu.memory_space<vmem>>, vector<1x16xf32>,
        %get3A_591 = vector.shape_cast %get3A_590 : vector<1x16xf32> to vector<16xf32>
        %add3A_592 = arith.addf %add3A_568, %get3A_591 : vector<16xf32>
        %get3A_593 = arith.index_cast %add3A_577 : i32 to index
        %get3A_594 = arith.constant 48 : index
        %get3A_595 = tpu.vector_load %arg8[%get3A_593, %get3A_594] {strides = array<i32>} : memref<104x64xf32, #tpu.memory_space<vmem>>, vector<1x16xf32>,
        %get3A_596 = vector.shape_cast %get3A_595 : vector<1x16xf32> to vector<16xf32>
        %add3A_597 = arith.addf %add3A_573, %get3A_596 : vector<16xf32>
        scf.yield %add3A_582, %add3A_587, %add3A_592, %add3A_597 : vector<16xf32>, vector<16xf32>, vector<16xf32>, vector<16xf32>
      }
      %scan3A_211 = arith.constant 50 : i32
      %mul3A_212 = arith.constant 2 : i32
      %mul3A_213 = arith.muli %mul3A_212, %add3A_197 : i32
      %add3A_214 = arith.constant 0 : i32
      %add3A_215 = arith.addi %mul3A_213, %add3A_214 : i32
      %swap3A_216 = arith.index_cast %add3A_215 : i32 to index
      %swap3A_217 = arith.constant 0 : index
      %swap3A_218 = tpu.vector_load %arg10[%swap3A_216, %swap3A_217] {strides = array<i32>} : memref<128x64xf32, #tpu.memory_space<vmem>>, vector<1x16xf32>,
      %swap3A_219 = vector.shape_cast %swap3A_218 : vector<1x16xf32> to vector<16xf32>
      %swap3A_220 = vector.shape_cast %scan3A_210#0 : vector<16xf32> to vector<1x16xf32>
      tpu.vector_store %arg10[%swap3A_216, %swap3A_217], %swap3A_220 {strides = array<i32>} : memref<128x64xf32, #tpu.memory_space<vmem>>, vector<1x16xf32>,
      %swap3A_221 = arith.index_cast %add3A_215 : i32 to index
      %swap3A_222 = arith.constant 16 : index
      %swap3A_223 = tpu.vector_load %arg10[%swap3A_221, %swap3A_222] {strides = array<i32>} : memref<128x64xf32, #tpu.memory_space<vmem>>, vector<1x16xf32>,
      %swap3A_224 = vector.shape_cast %swap3A_223 : vector<1x16xf32> to vector<16xf32>
      %swap3A_225 = vector.shape_cast %scan3A_210#1 : vector<16xf32> to vector<1x16xf32>
      tpu.vector_store %arg10[%swap3A_221, %swap3A_222], %swap3A_225 {strides = array<i32>} : memref<128x64xf32, #tpu.memory_space<vmem>>, vector<1x16xf32>,
      %swap3A_226 = arith.index_cast %add3A_215 : i32 to index
      %swap3A_227 = arith.constant 32 : index
      %swap3A_228 = tpu.vector_load %arg10[%swap3A_226, %swap3A_227] {strides = array<i32>} : memref<128x64xf32, #tpu.memory_space<vmem>>, vector<1x16xf32>,
      %swap3A_229 = vector.shape_cast %swap3A_228 : vector<1x16xf32> to vector<16xf32>
      %swap3A_230 = vector.shape_cast %scan3A_210#2 : vector<16xf32> to vector<1x16xf32>
      tpu.vector_store %arg10[%swap3A_226, %swap3A_227], %swap3A_230 {strides = array<i32>} : memref<128x64xf32, #tpu.memory_space<vmem>>, vector<1x16xf32>,
      %swap3A_231 = arith.index_cast %add3A_215 : i32 to index
      %swap3A_232 = arith.constant 48 : index
      %swap3A_233 = tpu.vector_load %arg10[%swap3A_231, %swap3A_232] {strides = array<i32>} : memref<128x64xf32, #tpu.memory_space<vmem>>, vector<1x16xf32>,
      %swap3A_234 = vector.shape_cast %swap3A_233 : vector<1x16xf32> to vector<16xf32>
      %swap3A_235 = vector.shape_cast %scan3A_210#3 : vector<16xf32> to vector<1x16xf32>
      tpu.vector_store %arg10[%swap3A_231, %swap3A_232], %swap3A_235 {strides = array<i32>} : memref<128x64xf32, #tpu.memory_space<vmem>>, vector<1x16xf32>,
      %broadcast_in_dim3A_236 = arith.constant 0.000000e+00 : f32
      %broadcast_in_dim3A_237 = vector.broadcast %broadcast_in_dim3A_236 : f32 to vector<16xf32>
      %scan3A_238 = arith.constant 0 : i32
      %scan3A_239 = arith.constant 50 : i32
      %scan3A_240 = arith.addi %scan3A_238, %scan3A_239 : i32
      %scan3A_241 = arith.constant 10 : i32
      %scan3A_242:4 = scf.for %scan3A_356 = %scan3A_238 to %scan3A_240 step %scan3A_241 iter_args(%scan3A_357 = %broadcast_in_dim3A_237, %scan3A_358 = %broadcast_in_dim3A_237, %scan3A_359 = %broadcast_in_dim3A_237, %scan3A_360 = %broadcast_in_dim3A_237) -> (vector<16xf32>, vector<16xf32>, vector<16xf32>, vector<16xf32>)  : i32 {
        %add3A_361 = arith.constant 52 : i32
        %add3A_362 = arith.addi %add3A_361, %scan3A_356 : i32
        %get3A = arith.index_cast %add3A_362 : i32 to index
        %get3A_363 = arith.constant 0 : index
        %get3A_364 = tpu.vector_load %arg8[%get3A, %get3A_363] {strides = array<i32>} : memref<104x64xf32, #tpu.memory_space<vmem>>, vector<1x16xf32>,
        %get3A_365 = vector.shape_cast %get3A_364 : vector<1x16xf32> to vector<16xf32>
        %add3A_366 = arith.addf %scan3A_357, %get3A_365 : vector<16xf32>
        %get3A_367 = arith.index_cast %add3A_362 : i32 to index
        %get3A_368 = arith.constant 16 : index
        %get3A_369 = tpu.vector_load %arg8[%get3A_367, %get3A_368] {strides = array<i32>} : memref<104x64xf32, #tpu.memory_space<vmem>>, vector<1x16xf32>,
        %get3A_370 = vector.shape_cast %get3A_369 : vector<1x16xf32> to vector<16xf32>
        %add3A_371 = arith.addf %scan3A_358, %get3A_370 : vector<16xf32>
        %get3A_372 = arith.index_cast %add3A_362 : i32 to index
        %get3A_373 = arith.constant 32 : index
        %get3A_374 = tpu.vector_load %arg8[%get3A_372, %get3A_373] {strides = array<i32>} : memref<104x64xf32, #tpu.memory_space<vmem>>, vector<1x16xf32>,
        %get3A_375 = vector.shape_cast %get3A_374 : vector<1x16xf32> to vector<16xf32>
        %add3A_376 = arith.addf %scan3A_359, %get3A_375 : vector<16xf32>
        %get3A_377 = arith.index_cast %add3A_362 : i32 to index
        %get3A_378 = arith.constant 48 : index
        %get3A_379 = tpu.vector_load %arg8[%get3A_377, %get3A_378] {strides = array<i32>} : memref<104x64xf32, #tpu.memory_space<vmem>>, vector<1x16xf32>,
        %get3A_380 = vector.shape_cast %get3A_379 : vector<1x16xf32> to vector<16xf32>
        %add3A_381 = arith.addf %scan3A_360, %get3A_380 : vector<16xf32>
        %scan3A_382 = arith.constant 1 : i32
        %scan3A_383 = arith.addi %scan3A_356, %scan3A_382 : i32
        %add3A_384 = arith.constant 52 : i32
        %add3A_385 = arith.addi %add3A_384, %scan3A_383 : i32
        %get3A_386 = arith.index_cast %add3A_385 : i32 to index
        %get3A_387 = arith.constant 0 : index
        %get3A_388 = tpu.vector_load %arg8[%get3A_386, %get3A_387] {strides = array<i32>} : memref<104x64xf32, #tpu.memory_space<vmem>>, vector<1x16xf32>,
        %get3A_389 = vector.shape_cast %get3A_388 : vector<1x16xf32> to vector<16xf32>
        %add3A_390 = arith.addf %add3A_366, %get3A_389 : vector<16xf32>
        %get3A_391 = arith.index_cast %add3A_385 : i32 to index
        %get3A_392 = arith.constant 16 : index
        %get3A_393 = tpu.vector_load %arg8[%get3A_391, %get3A_392] {strides = array<i32>} : memref<104x64xf32, #tpu.memory_space<vmem>>, vector<1x16xf32>,
        %get3A_394 = vector.shape_cast %get3A_393 : vector<1x16xf32> to vector<16xf32>
        %add3A_395 = arith.addf %add3A_371, %get3A_394 : vector<16xf32>
        %get3A_396 = arith.index_cast %add3A_385 : i32 to index
        %get3A_397 = arith.constant 32 : index
        %get3A_398 = tpu.vector_load %arg8[%get3A_396, %get3A_397] {strides = array<i32>} : memref<104x64xf32, #tpu.memory_space<vmem>>, vector<1x16xf32>,
        %get3A_399 = vector.shape_cast %get3A_398 : vector<1x16xf32> to vector<16xf32>
        %add3A_400 = arith.addf %add3A_376, %get3A_399 : vector<16xf32>
        %get3A_401 = arith.index_cast %add3A_385 : i32 to index
        %get3A_402 = arith.constant 48 : index
        %get3A_403 = tpu.vector_load %arg8[%get3A_401, %get3A_402] {strides = array<i32>} : memref<104x64xf32, #tpu.memory_space<vmem>>, vector<1x16xf32>,
        %get3A_404 = vector.shape_cast %get3A_403 : vector<1x16xf32> to vector<16xf32>
        %add3A_405 = arith.addf %add3A_381, %get3A_404 : vector<16xf32>
        %scan3A_406 = arith.constant 2 : i32
        %scan3A_407 = arith.addi %scan3A_356, %scan3A_406 : i32
        %add3A_408 = arith.constant 52 : i32
        %add3A_409 = arith.addi %add3A_408, %scan3A_407 : i32
        %get3A_410 = arith.index_cast %add3A_409 : i32 to index
        %get3A_411 = arith.constant 0 : index
        %get3A_412 = tpu.vector_load %arg8[%get3A_410, %get3A_411] {strides = array<i32>} : memref<104x64xf32, #tpu.memory_space<vmem>>, vector<1x16xf32>,
        %get3A_413 = vector.shape_cast %get3A_412 : vector<1x16xf32> to vector<16xf32>
        %add3A_414 = arith.addf %add3A_390, %get3A_413 : vector<16xf32>
        %get3A_415 = arith.index_cast %add3A_409 : i32 to index
        %get3A_416 = arith.constant 16 : index
        %get3A_417 = tpu.vector_load %arg8[%get3A_415, %get3A_416] {strides = array<i32>} : memref<104x64xf32, #tpu.memory_space<vmem>>, vector<1x16xf32>,
        %get3A_418 = vector.shape_cast %get3A_417 : vector<1x16xf32> to vector<16xf32>
        %add3A_419 = arith.addf %add3A_395, %get3A_418 : vector<16xf32>
        %get3A_420 = arith.index_cast %add3A_409 : i32 to index
        %get3A_421 = arith.constant 32 : index
        %get3A_422 = tpu.vector_load %arg8[%get3A_420, %get3A_421] {strides = array<i32>} : memref<104x64xf32, #tpu.memory_space<vmem>>, vector<1x16xf32>,
        %get3A_423 = vector.shape_cast %get3A_422 : vector<1x16xf32> to vector<16xf32>
        %add3A_424 = arith.addf %add3A_400, %get3A_423 : vector<16xf32>
        %get3A_425 = arith.index_cast %add3A_409 : i32 to index
        %get3A_426 = arith.constant 48 : index
        %get3A_427 = tpu.vector_load %arg8[%get3A_425, %get3A_426] {strides = array<i32>} : memref<104x64xf32, #tpu.memory_space<vmem>>, vector<1x16xf32>,
        %get3A_428 = vector.shape_cast %get3A_427 : vector<1x16xf32> to vector<16xf32>
        %add3A_429 = arith.addf %add3A_405, %get3A_428 : vector<16xf32>
        %scan3A_430 = arith.constant 3 : i32
        %scan3A_431 = arith.addi %scan3A_356, %scan3A_430 : i32
        %add3A_432 = arith.constant 52 : i32
        %add3A_433 = arith.addi %add3A_432, %scan3A_431 : i32
        %get3A_434 = arith.index_cast %add3A_433 : i32 to index
        %get3A_435 = arith.constant 0 : index
        %get3A_436 = tpu.vector_load %arg8[%get3A_434, %get3A_435] {strides = array<i32>} : memref<104x64xf32, #tpu.memory_space<vmem>>, vector<1x16xf32>,
        %get3A_437 = vector.shape_cast %get3A_436 : vector<1x16xf32> to vector<16xf32>
        %add3A_438 = arith.addf %add3A_414, %get3A_437 : vector<16xf32>
        %get3A_439 = arith.index_cast %add3A_433 : i32 to index
        %get3A_440 = arith.constant 16 : index
        %get3A_441 = tpu.vector_load %arg8[%get3A_439, %get3A_440] {strides = array<i32>} : memref<104x64xf32, #tpu.memory_space<vmem>>, vector<1x16xf32>,
        %get3A_442 = vector.shape_cast %get3A_441 : vector<1x16xf32> to vector<16xf32>
        %add3A_443 = arith.addf %add3A_419, %get3A_442 : vector<16xf32>
        %get3A_444 = arith.index_cast %add3A_433 : i32 to index
        %get3A_445 = arith.constant 32 : index
        %get3A_446 = tpu.vector_load %arg8[%get3A_444, %get3A_445] {strides = array<i32>} : memref<104x64xf32, #tpu.memory_space<vmem>>, vector<1x16xf32>,
        %get3A_447 = vector.shape_cast %get3A_446 : vector<1x16xf32> to vector<16xf32>
        %add3A_448 = arith.addf %add3A_424, %get3A_447 : vector<16xf32>
        %get3A_449 = arith.index_cast %add3A_433 : i32 to index
        %get3A_450 = arith.constant 48 : index
        %get3A_451 = tpu.vector_load %arg8[%get3A_449, %get3A_450] {strides = array<i32>} : memref<104x64xf32, #tpu.memory_space<vmem>>, vector<1x16xf32>,
        %get3A_452 = vector.shape_cast %get3A_451 : vector<1x16xf32> to vector<16xf32>
        %add3A_453 = arith.addf %add3A_429, %get3A_452 : vector<16xf32>
        %scan3A_454 = arith.constant 4 : i32
        %scan3A_455 = arith.addi %scan3A_356, %scan3A_454 : i32
        %add3A_456 = arith.constant 52 : i32
        %add3A_457 = arith.addi %add3A_456, %scan3A_455 : i32
        %get3A_458 = arith.index_cast %add3A_457 : i32 to index
        %get3A_459 = arith.constant 0 : index
        %get3A_460 = tpu.vector_load %arg8[%get3A_458, %get3A_459] {strides = array<i32>} : memref<104x64xf32, #tpu.memory_space<vmem>>, vector<1x16xf32>,
        %get3A_461 = vector.shape_cast %get3A_460 : vector<1x16xf32> to vector<16xf32>
        %add3A_462 = arith.addf %add3A_438, %get3A_461 : vector<16xf32>
        %get3A_463 = arith.index_cast %add3A_457 : i32 to index
        %get3A_464 = arith.constant 16 : index
        %get3A_465 = tpu.vector_load %arg8[%get3A_463, %get3A_464] {strides = array<i32>} : memref<104x64xf32, #tpu.memory_space<vmem>>, vector<1x16xf32>,
        %get3A_466 = vector.shape_cast %get3A_465 : vector<1x16xf32> to vector<16xf32>
        %add3A_467 = arith.addf %add3A_443, %get3A_466 : vector<16xf32>
        %get3A_468 = arith.index_cast %add3A_457 : i32 to index
        %get3A_469 = arith.constant 32 : index
        %get3A_470 = tpu.vector_load %arg8[%get3A_468, %get3A_469] {strides = array<i32>} : memref<104x64xf32, #tpu.memory_space<vmem>>, vector<1x16xf32>,
        %get3A_471 = vector.shape_cast %get3A_470 : vector<1x16xf32> to vector<16xf32>
        %add3A_472 = arith.addf %add3A_448, %get3A_471 : vector<16xf32>
        %get3A_473 = arith.index_cast %add3A_457 : i32 to index
        %get3A_474 = arith.constant 48 : index
        %get3A_475 = tpu.vector_load %arg8[%get3A_473, %get3A_474] {strides = array<i32>} : memref<104x64xf32, #tpu.memory_space<vmem>>, vector<1x16xf32>,
        %get3A_476 = vector.shape_cast %get3A_475 : vector<1x16xf32> to vector<16xf32>
        %add3A_477 = arith.addf %add3A_453, %get3A_476 : vector<16xf32>
        %scan3A_478 = arith.constant 5 : i32
        %scan3A_479 = arith.addi %scan3A_356, %scan3A_478 : i32
        %add3A_480 = arith.constant 52 : i32
        %add3A_481 = arith.addi %add3A_480, %scan3A_479 : i32
        %get3A_482 = arith.index_cast %add3A_481 : i32 to index
        %get3A_483 = arith.constant 0 : index
        %get3A_484 = tpu.vector_load %arg8[%get3A_482, %get3A_483] {strides = array<i32>} : memref<104x64xf32, #tpu.memory_space<vmem>>, vector<1x16xf32>,
        %get3A_485 = vector.shape_cast %get3A_484 : vector<1x16xf32> to vector<16xf32>
        %add3A_486 = arith.addf %add3A_462, %get3A_485 : vector<16xf32>
        %get3A_487 = arith.index_cast %add3A_481 : i32 to index
        %get3A_488 = arith.constant 16 : index
        %get3A_489 = tpu.vector_load %arg8[%get3A_487, %get3A_488] {strides = array<i32>} : memref<104x64xf32, #tpu.memory_space<vmem>>, vector<1x16xf32>,
        %get3A_490 = vector.shape_cast %get3A_489 : vector<1x16xf32> to vector<16xf32>
        %add3A_491 = arith.addf %add3A_467, %get3A_490 : vector<16xf32>
        %get3A_492 = arith.index_cast %add3A_481 : i32 to index
        %get3A_493 = arith.constant 32 : index
        %get3A_494 = tpu.vector_load %arg8[%get3A_492, %get3A_493] {strides = array<i32>} : memref<104x64xf32, #tpu.memory_space<vmem>>, vector<1x16xf32>,
        %get3A_495 = vector.shape_cast %get3A_494 : vector<1x16xf32> to vector<16xf32>
        %add3A_496 = arith.addf %add3A_472, %get3A_495 : vector<16xf32>
        %get3A_497 = arith.index_cast %add3A_481 : i32 to index
        %get3A_498 = arith.constant 48 : index
        %get3A_499 = tpu.vector_load %arg8[%get3A_497, %get3A_498] {strides = array<i32>} : memref<104x64xf32, #tpu.memory_space<vmem>>, vector<1x16xf32>,
        %get3A_500 = vector.shape_cast %get3A_499 : vector<1x16xf32> to vector<16xf32>
        %add3A_501 = arith.addf %add3A_477, %get3A_500 : vector<16xf32>
        %scan3A_502 = arith.constant 6 : i32
        %scan3A_503 = arith.addi %scan3A_356, %scan3A_502 : i32
        %add3A_504 = arith.constant 52 : i32
        %add3A_505 = arith.addi %add3A_504, %scan3A_503 : i32
        %get3A_506 = arith.index_cast %add3A_505 : i32 to index
        %get3A_507 = arith.constant 0 : index
        %get3A_508 = tpu.vector_load %arg8[%get3A_506, %get3A_507] {strides = array<i32>} : memref<104x64xf32, #tpu.memory_space<vmem>>, vector<1x16xf32>,
        %get3A_509 = vector.shape_cast %get3A_508 : vector<1x16xf32> to vector<16xf32>
        %add3A_510 = arith.addf %add3A_486, %get3A_509 : vector<16xf32>
        %get3A_511 = arith.index_cast %add3A_505 : i32 to index
        %get3A_512 = arith.constant 16 : index
        %get3A_513 = tpu.vector_load %arg8[%get3A_511, %get3A_512] {strides = array<i32>} : memref<104x64xf32, #tpu.memory_space<vmem>>, vector<1x16xf32>,
        %get3A_514 = vector.shape_cast %get3A_513 : vector<1x16xf32> to vector<16xf32>
        %add3A_515 = arith.addf %add3A_491, %get3A_514 : vector<16xf32>
        %get3A_516 = arith.index_cast %add3A_505 : i32 to index
        %get3A_517 = arith.constant 32 : index
        %get3A_518 = tpu.vector_load %arg8[%get3A_516, %get3A_517] {strides = array<i32>} : memref<104x64xf32, #tpu.memory_space<vmem>>, vector<1x16xf32>,
        %get3A_519 = vector.shape_cast %get3A_518 : vector<1x16xf32> to vector<16xf32>
        %add3A_520 = arith.addf %add3A_496, %get3A_519 : vector<16xf32>
        %get3A_521 = arith.index_cast %add3A_505 : i32 to index
        %get3A_522 = arith.constant 48 : index
        %get3A_523 = tpu.vector_load %arg8[%get3A_521, %get3A_522] {strides = array<i32>} : memref<104x64xf32, #tpu.memory_space<vmem>>, vector<1x16xf32>,
        %get3A_524 = vector.shape_cast %get3A_523 : vector<1x16xf32> to vector<16xf32>
        %add3A_525 = arith.addf %add3A_501, %get3A_524 : vector<16xf32>
        %scan3A_526 = arith.constant 7 : i32
        %scan3A_527 = arith.addi %scan3A_356, %scan3A_526 : i32
        %add3A_528 = arith.constant 52 : i32
        %add3A_529 = arith.addi %add3A_528, %scan3A_527 : i32
        %get3A_530 = arith.index_cast %add3A_529 : i32 to index
        %get3A_531 = arith.constant 0 : index
        %get3A_532 = tpu.vector_load %arg8[%get3A_530, %get3A_531] {strides = array<i32>} : memref<104x64xf32, #tpu.memory_space<vmem>>, vector<1x16xf32>,
        %get3A_533 = vector.shape_cast %get3A_532 : vector<1x16xf32> to vector<16xf32>
        %add3A_534 = arith.addf %add3A_510, %get3A_533 : vector<16xf32>
        %get3A_535 = arith.index_cast %add3A_529 : i32 to index
        %get3A_536 = arith.constant 16 : index
        %get3A_537 = tpu.vector_load %arg8[%get3A_535, %get3A_536] {strides = array<i32>} : memref<104x64xf32, #tpu.memory_space<vmem>>, vector<1x16xf32>,
        %get3A_538 = vector.shape_cast %get3A_537 : vector<1x16xf32> to vector<16xf32>
        %add3A_539 = arith.addf %add3A_515, %get3A_538 : vector<16xf32>
        %get3A_540 = arith.index_cast %add3A_529 : i32 to index
        %get3A_541 = arith.constant 32 : index
        %get3A_542 = tpu.vector_load %arg8[%get3A_540, %get3A_541] {strides = array<i32>} : memref<104x64xf32, #tpu.memory_space<vmem>>, vector<1x16xf32>,
        %get3A_543 = vector.shape_cast %get3A_542 : vector<1x16xf32> to vector<16xf32>
        %add3A_544 = arith.addf %add3A_520, %get3A_543 : vector<16xf32>
        %get3A_545 = arith.index_cast %add3A_529 : i32 to index
        %get3A_546 = arith.constant 48 : index
        %get3A_547 = tpu.vector_load %arg8[%get3A_545, %get3A_546] {strides = array<i32>} : memref<104x64xf32, #tpu.memory_space<vmem>>, vector<1x16xf32>,
        %get3A_548 = vector.shape_cast %get3A_547 : vector<1x16xf32> to vector<16xf32>
        %add3A_549 = arith.addf %add3A_525, %get3A_548 : vector<16xf32>
        %scan3A_550 = arith.constant 8 : i32
        %scan3A_551 = arith.addi %scan3A_356, %scan3A_550 : i32
        %add3A_552 = arith.constant 52 : i32
        %add3A_553 = arith.addi %add3A_552, %scan3A_551 : i32
        %get3A_554 = arith.index_cast %add3A_553 : i32 to index
        %get3A_555 = arith.constant 0 : index
        %get3A_556 = tpu.vector_load %arg8[%get3A_554, %get3A_555] {strides = array<i32>} : memref<104x64xf32, #tpu.memory_space<vmem>>, vector<1x16xf32>,
        %get3A_557 = vector.shape_cast %get3A_556 : vector<1x16xf32> to vector<16xf32>
        %add3A_558 = arith.addf %add3A_534, %get3A_557 : vector<16xf32>
        %get3A_559 = arith.index_cast %add3A_553 : i32 to index
        %get3A_560 = arith.constant 16 : index
        %get3A_561 = tpu.vector_load %arg8[%get3A_559, %get3A_560] {strides = array<i32>} : memref<104x64xf32, #tpu.memory_space<vmem>>, vector<1x16xf32>,
        %get3A_562 = vector.shape_cast %get3A_561 : vector<1x16xf32> to vector<16xf32>
        %add3A_563 = arith.addf %add3A_539, %get3A_562 : vector<16xf32>
        %get3A_564 = arith.index_cast %add3A_553 : i32 to index
        %get3A_565 = arith.constant 32 : index
        %get3A_566 = tpu.vector_load %arg8[%get3A_564, %get3A_565] {strides = array<i32>} : memref<104x64xf32, #tpu.memory_space<vmem>>, vector<1x16xf32>,
        %get3A_567 = vector.shape_cast %get3A_566 : vector<1x16xf32> to vector<16xf32>
        %add3A_568 = arith.addf %add3A_544, %get3A_567 : vector<16xf32>
        %get3A_569 = arith.index_cast %add3A_553 : i32 to index
        %get3A_570 = arith.constant 48 : index
        %get3A_571 = tpu.vector_load %arg8[%get3A_569, %get3A_570] {strides = array<i32>} : memref<104x64xf32, #tpu.memory_space<vmem>>, vector<1x16xf32>,
        %get3A_572 = vector.shape_cast %get3A_571 : vector<1x16xf32> to vector<16xf32>
        %add3A_573 = arith.addf %add3A_549, %get3A_572 : vector<16xf32>
        %scan3A_574 = arith.constant 9 : i32
        %scan3A_575 = arith.addi %scan3A_356, %scan3A_574 : i32
        %add3A_576 = arith.constant 52 : i32
        %add3A_577 = arith.addi %add3A_576, %scan3A_575 : i32
        %get3A_578 = arith.index_cast %add3A_577 : i32 to index
        %get3A_579 = arith.constant 0 : index
        %get3A_580 = tpu.vector_load %arg8[%get3A_578, %get3A_579] {strides = array<i32>} : memref<104x64xf32, #tpu.memory_space<vmem>>, vector<1x16xf32>,
        %get3A_581 = vector.shape_cast %get3A_580 : vector<1x16xf32> to vector<16xf32>
        %add3A_582 = arith.addf %add3A_558, %get3A_581 : vector<16xf32>
        %get3A_583 = arith.index_cast %add3A_577 : i32 to index
        %get3A_584 = arith.constant 16 : index
        %get3A_585 = tpu.vector_load %arg8[%get3A_583, %get3A_584] {strides = array<i32>} : memref<104x64xf32, #tpu.memory_space<vmem>>, vector<1x16xf32>,
        %get3A_586 = vector.shape_cast %get3A_585 : vector<1x16xf32> to vector<16xf32>
        %add3A_587 = arith.addf %add3A_563, %get3A_586 : vector<16xf32>
        %get3A_588 = arith.index_cast %add3A_577 : i32 to index
        %get3A_589 = arith.constant 32 : index
        %get3A_590 = tpu.vector_load %arg8[%get3A_588, %get3A_589] {strides = array<i32>} : memref<104x64xf32, #tpu.memory_space<vmem>>, vector<1x16xf32>,
        %get3A_591 = vector.shape_cast %get3A_590 : vector<1x16xf32> to vector<16xf32>
        %add3A_592 = arith.addf %add3A_568, %get3A_591 : vector<16xf32>
        %get3A_593 = arith.index_cast %add3A_577 : i32 to index
        %get3A_594 = arith.constant 48 : index
        %get3A_595 = tpu.vector_load %arg8[%get3A_593, %get3A_594] {strides = array<i32>} : memref<104x64xf32, #tpu.memory_space<vmem>>, vector<1x16xf32>,
        %get3A_596 = vector.shape_cast %get3A_595 : vector<1x16xf32> to vector<16xf32>
        %add3A_597 = arith.addf %add3A_573, %get3A_596 : vector<16xf32>
        scf.yield %add3A_582, %add3A_587, %add3A_592, %add3A_597 : vector<16xf32>, vector<16xf32>, vector<16xf32>, vector<16xf32>
      }
      %scan3A_243 = arith.constant 50 : i32
      %mul3A_244 = arith.constant 2 : i32
      %mul3A_245 = arith.muli %mul3A_244, %add3A_197 : i32
      %add3A_246 = arith.constant 1 : i32
      %add3A_247 = arith.addi %mul3A_245, %add3A_246 : i32
      %swap3A_248 = arith.index_cast %add3A_247 : i32 to index
      %swap3A_249 = arith.constant 0 : index
      %swap3A_250 = tpu.vector_load %arg10[%swap3A_248, %swap3A_249] {strides = array<i32>} : memref<128x64xf32, #tpu.memory_space<vmem>>, vector<1x16xf32>,
      %swap3A_251 = vector.shape_cast %swap3A_250 : vector<1x16xf32> to vector<16xf32>
      %swap3A_252 = vector.shape_cast %scan3A_242#0 : vector<16xf32> to vector<1x16xf32>
      tpu.vector_store %arg10[%swap3A_248, %swap3A_249], %swap3A_252 {strides = array<i32>} : memref<128x64xf32, #tpu.memory_space<vmem>>, vector<1x16xf32>,
      %swap3A_253 = arith.index_cast %add3A_247 : i32 to index
      %swap3A_254 = arith.constant 16 : index
      %swap3A_255 = tpu.vector_load %arg10[%swap3A_253, %swap3A_254] {strides = array<i32>} : memref<128x64xf32, #tpu.memory_space<vmem>>, vector<1x16xf32>,
      %swap3A_256 = vector.shape_cast %swap3A_255 : vector<1x16xf32> to vector<16xf32>
      %swap3A_257 = vector.shape_cast %scan3A_242#1 : vector<16xf32> to vector<1x16xf32>
      tpu.vector_store %arg10[%swap3A_253, %swap3A_254], %swap3A_257 {strides = array<i32>} : memref<128x64xf32, #tpu.memory_space<vmem>>, vector<1x16xf32>,
      %swap3A_258 = arith.index_cast %add3A_247 : i32 to index
      %swap3A_259 = arith.constant 32 : index
      %swap3A_260 = tpu.vector_load %arg10[%swap3A_258, %swap3A_259] {strides = array<i32>} : memref<128x64xf32, #tpu.memory_space<vmem>>, vector<1x16xf32>,
      %swap3A_261 = vector.shape_cast %swap3A_260 : vector<1x16xf32> to vector<16xf32>
      %swap3A_262 = vector.shape_cast %scan3A_242#2 : vector<16xf32> to vector<1x16xf32>
      tpu.vector_store %arg10[%swap3A_258, %swap3A_259], %swap3A_262 {strides = array<i32>} : memref<128x64xf32, #tpu.memory_space<vmem>>, vector<1x16xf32>,
      %swap3A_263 = arith.index_cast %add3A_247 : i32 to index
      %swap3A_264 = arith.constant 48 : index
      %swap3A_265 = tpu.vector_load %arg10[%swap3A_263, %swap3A_264] {strides = array<i32>} : memref<128x64xf32, #tpu.memory_space<vmem>>, vector<1x16xf32>,
      %swap3A_266 = vector.shape_cast %swap3A_265 : vector<1x16xf32> to vector<16xf32>
      %swap3A_267 = vector.shape_cast %scan3A_242#3 : vector<16xf32> to vector<1x16xf32>
      tpu.vector_store %arg10[%swap3A_263, %swap3A_264], %swap3A_267 {strides = array<i32>} : memref<128x64xf32, #tpu.memory_space<vmem>>, vector<1x16xf32>,
      %add3A_268 = arith.constant 4 : i32
      %add3A_269 = arith.addi %add3A_197, %add3A_268 : i32
      %lt3A_270 = arith.constant 64 : i32
      %lt3A_271 = arith.cmpi slt, %add3A_269, %lt3A_270 : i32
      %convert_element_type3A_272 = arith.extui %lt3A_271 : i1 to i32
      %cond3A_273 = arith.constant 0 : i32
      %cond3A_274 = arith.cmpi ne, %convert_element_type3A_272, %cond3A_273 : i32
      scf.if %cond3A_274 {
        %add3A_356 = arith.constant 4 : i32
        %add3A_357 = arith.addi %add3A_197, %add3A_356 : i32
        %dma_start3A_358 = arith.constant 0 : i32
        %dma_start3A_359 = tpu.memref_slice %arg5[%add3A_357, %dma_start3A_358] : memref<64x104xi32, #tpu.memory_space<vmem>> -> memref<1x104xi32, #tpu.memory_space<vmem>>
        %dma_start3A_360 = tpu.memref_squeeze %dma_start3A_359 : memref<1x104xi32, #tpu.memory_space<vmem>> -> memref<104xi32, #tpu.memory_space<vmem>>
        %dma_start3A_361 = arith.constant 0 : i32
        %dma_start3A_362 = arith.constant 0 : i32
        %dma_start3A_363 = tpu.memref_slice %arg2[%dma_start3A_361, %dma_start3A_362] : memref<100000x64xf32, #tpu.memory_space<hbm>> -> memref<100000x64xf32, #tpu.memory_space<hbm>>
        tpu.enqueue_indirect_dma source(%dma_start3A_363 : memref<100000x64xf32, #tpu.memory_space<hbm>>) target(%arg8 : memref<104x64xf32, #tpu.memory_space<vmem>>) offsets(%dma_start3A_360 : memref<104xi32, #tpu.memory_space<vmem>>) semaphore(%arg13 : memref<!tpu.dma_semaphore, #tpu.memory_space<semaphore_mem>>)
      } else {
      }
      %mul3A_275 = arith.constant 4 : i32
      %mul3A_276 = arith.muli %scan3A_37, %mul3A_275 : i32
      %add3A_277 = arith.constant 3 : i32
      %add3A_278 = arith.addi %mul3A_276, %add3A_277 : i32
      %dma_wait3A_279 = arith.constant 0 : i32
      %dma_wait3A_280 = tpu.memref_slice %arg5[%add3A_278, %dma_wait3A_279] : memref<64x104xi32, #tpu.memory_space<vmem>> -> memref<1x104xi32, #tpu.memory_space<vmem>>
      %dma_wait3A_281 = tpu.memref_squeeze %dma_wait3A_280 : memref<1x104xi32, #tpu.memory_space<vmem>> -> memref<104xi32, #tpu.memory_space<vmem>>
      %dma_wait3A_282 = arith.constant 0 : i32
      %dma_wait3A_283 = arith.constant 0 : i32
      %dma_wait3A_284 = tpu.memref_slice %arg2[%dma_wait3A_282, %dma_wait3A_283] : memref<100000x64xf32, #tpu.memory_space<hbm>> -> memref<100000x64xf32, #tpu.memory_space<hbm>>
      tpu.wait_indirect_dma semaphore(%arg14 : memref<!tpu.dma_semaphore, #tpu.memory_space<semaphore_mem>>) src(%dma_wait3A_284 : memref<100000x64xf32, #tpu.memory_space<hbm>>) dst(%arg9 : memref<104x64xf32, #tpu.memory_space<vmem>>)
      %broadcast_in_dim3A_285 = arith.constant 0.000000e+00 : f32
      %broadcast_in_dim3A_286 = vector.broadcast %broadcast_in_dim3A_285 : f32 to vector<16xf32>
      %scan3A_287 = arith.constant 0 : i32
      %scan3A_288 = arith.constant 50 : i32
      %scan3A_289 = arith.addi %scan3A_287, %scan3A_288 : i32
      %scan3A_290 = arith.constant 10 : i32
      %scan3A_291:4 = scf.for %scan3A_356 = %scan3A_287 to %scan3A_289 step %scan3A_290 iter_args(%scan3A_357 = %broadcast_in_dim3A_286, %scan3A_358 = %broadcast_in_dim3A_286, %scan3A_359 = %broadcast_in_dim3A_286, %scan3A_360 = %broadcast_in_dim3A_286) -> (vector<16xf32>, vector<16xf32>, vector<16xf32>, vector<16xf32>)  : i32 {
        %add3A_361 = arith.constant 0 : i32
        %add3A_362 = arith.addi %add3A_361, %scan3A_356 : i32
        %get3A = arith.index_cast %add3A_362 : i32 to index
        %get3A_363 = arith.constant 0 : index
        %get3A_364 = tpu.vector_load %arg9[%get3A, %get3A_363] {strides = array<i32>} : memref<104x64xf32, #tpu.memory_space<vmem>>, vector<1x16xf32>,
        %get3A_365 = vector.shape_cast %get3A_364 : vector<1x16xf32> to vector<16xf32>
        %add3A_366 = arith.addf %scan3A_357, %get3A_365 : vector<16xf32>
        %get3A_367 = arith.index_cast %add3A_362 : i32 to index
        %get3A_368 = arith.constant 16 : index
        %get3A_369 = tpu.vector_load %arg9[%get3A_367, %get3A_368] {strides = array<i32>} : memref<104x64xf32, #tpu.memory_space<vmem>>, vector<1x16xf32>,
        %get3A_370 = vector.shape_cast %get3A_369 : vector<1x16xf32> to vector<16xf32>
        %add3A_371 = arith.addf %scan3A_358, %get3A_370 : vector<16xf32>
        %get3A_372 = arith.index_cast %add3A_362 : i32 to index
        %get3A_373 = arith.constant 32 : index
        %get3A_374 = tpu.vector_load %arg9[%get3A_372, %get3A_373] {strides = array<i32>} : memref<104x64xf32, #tpu.memory_space<vmem>>, vector<1x16xf32>,
        %get3A_375 = vector.shape_cast %get3A_374 : vector<1x16xf32> to vector<16xf32>
        %add3A_376 = arith.addf %scan3A_359, %get3A_375 : vector<16xf32>
        %get3A_377 = arith.index_cast %add3A_362 : i32 to index
        %get3A_378 = arith.constant 48 : index
        %get3A_379 = tpu.vector_load %arg9[%get3A_377, %get3A_378] {strides = array<i32>} : memref<104x64xf32, #tpu.memory_space<vmem>>, vector<1x16xf32>,
        %get3A_380 = vector.shape_cast %get3A_379 : vector<1x16xf32> to vector<16xf32>
        %add3A_381 = arith.addf %scan3A_360, %get3A_380 : vector<16xf32>
        %scan3A_382 = arith.constant 1 : i32
        %scan3A_383 = arith.addi %scan3A_356, %scan3A_382 : i32
        %add3A_384 = arith.constant 0 : i32
        %add3A_385 = arith.addi %add3A_384, %scan3A_383 : i32
        %get3A_386 = arith.index_cast %add3A_385 : i32 to index
        %get3A_387 = arith.constant 0 : index
        %get3A_388 = tpu.vector_load %arg9[%get3A_386, %get3A_387] {strides = array<i32>} : memref<104x64xf32, #tpu.memory_space<vmem>>, vector<1x16xf32>,
        %get3A_389 = vector.shape_cast %get3A_388 : vector<1x16xf32> to vector<16xf32>
        %add3A_390 = arith.addf %add3A_366, %get3A_389 : vector<16xf32>
        %get3A_391 = arith.index_cast %add3A_385 : i32 to index
        %get3A_392 = arith.constant 16 : index
        %get3A_393 = tpu.vector_load %arg9[%get3A_391, %get3A_392] {strides = array<i32>} : memref<104x64xf32, #tpu.memory_space<vmem>>, vector<1x16xf32>,
        %get3A_394 = vector.shape_cast %get3A_393 : vector<1x16xf32> to vector<16xf32>
        %add3A_395 = arith.addf %add3A_371, %get3A_394 : vector<16xf32>
        %get3A_396 = arith.index_cast %add3A_385 : i32 to index
        %get3A_397 = arith.constant 32 : index
        %get3A_398 = tpu.vector_load %arg9[%get3A_396, %get3A_397] {strides = array<i32>} : memref<104x64xf32, #tpu.memory_space<vmem>>, vector<1x16xf32>,
        %get3A_399 = vector.shape_cast %get3A_398 : vector<1x16xf32> to vector<16xf32>
        %add3A_400 = arith.addf %add3A_376, %get3A_399 : vector<16xf32>
        %get3A_401 = arith.index_cast %add3A_385 : i32 to index
        %get3A_402 = arith.constant 48 : index
        %get3A_403 = tpu.vector_load %arg9[%get3A_401, %get3A_402] {strides = array<i32>} : memref<104x64xf32, #tpu.memory_space<vmem>>, vector<1x16xf32>,
        %get3A_404 = vector.shape_cast %get3A_403 : vector<1x16xf32> to vector<16xf32>
        %add3A_405 = arith.addf %add3A_381, %get3A_404 : vector<16xf32>
        %scan3A_406 = arith.constant 2 : i32
        %scan3A_407 = arith.addi %scan3A_356, %scan3A_406 : i32
        %add3A_408 = arith.constant 0 : i32
        %add3A_409 = arith.addi %add3A_408, %scan3A_407 : i32
        %get3A_410 = arith.index_cast %add3A_409 : i32 to index
        %get3A_411 = arith.constant 0 : index
        %get3A_412 = tpu.vector_load %arg9[%get3A_410, %get3A_411] {strides = array<i32>} : memref<104x64xf32, #tpu.memory_space<vmem>>, vector<1x16xf32>,
        %get3A_413 = vector.shape_cast %get3A_412 : vector<1x16xf32> to vector<16xf32>
        %add3A_414 = arith.addf %add3A_390, %get3A_413 : vector<16xf32>
        %get3A_415 = arith.index_cast %add3A_409 : i32 to index
        %get3A_416 = arith.constant 16 : index
        %get3A_417 = tpu.vector_load %arg9[%get3A_415, %get3A_416] {strides = array<i32>} : memref<104x64xf32, #tpu.memory_space<vmem>>, vector<1x16xf32>,
        %get3A_418 = vector.shape_cast %get3A_417 : vector<1x16xf32> to vector<16xf32>
        %add3A_419 = arith.addf %add3A_395, %get3A_418 : vector<16xf32>
        %get3A_420 = arith.index_cast %add3A_409 : i32 to index
        %get3A_421 = arith.constant 32 : index
        %get3A_422 = tpu.vector_load %arg9[%get3A_420, %get3A_421] {strides = array<i32>} : memref<104x64xf32, #tpu.memory_space<vmem>>, vector<1x16xf32>,
        %get3A_423 = vector.shape_cast %get3A_422 : vector<1x16xf32> to vector<16xf32>
        %add3A_424 = arith.addf %add3A_400, %get3A_423 : vector<16xf32>
        %get3A_425 = arith.index_cast %add3A_409 : i32 to index
        %get3A_426 = arith.constant 48 : index
        %get3A_427 = tpu.vector_load %arg9[%get3A_425, %get3A_426] {strides = array<i32>} : memref<104x64xf32, #tpu.memory_space<vmem>>, vector<1x16xf32>,
        %get3A_428 = vector.shape_cast %get3A_427 : vector<1x16xf32> to vector<16xf32>
        %add3A_429 = arith.addf %add3A_405, %get3A_428 : vector<16xf32>
        %scan3A_430 = arith.constant 3 : i32
        %scan3A_431 = arith.addi %scan3A_356, %scan3A_430 : i32
        %add3A_432 = arith.constant 0 : i32
        %add3A_433 = arith.addi %add3A_432, %scan3A_431 : i32
        %get3A_434 = arith.index_cast %add3A_433 : i32 to index
        %get3A_435 = arith.constant 0 : index
        %get3A_436 = tpu.vector_load %arg9[%get3A_434, %get3A_435] {strides = array<i32>} : memref<104x64xf32, #tpu.memory_space<vmem>>, vector<1x16xf32>,
        %get3A_437 = vector.shape_cast %get3A_436 : vector<1x16xf32> to vector<16xf32>
        %add3A_438 = arith.addf %add3A_414, %get3A_437 : vector<16xf32>
        %get3A_439 = arith.index_cast %add3A_433 : i32 to index
        %get3A_440 = arith.constant 16 : index
        %get3A_441 = tpu.vector_load %arg9[%get3A_439, %get3A_440] {strides = array<i32>} : memref<104x64xf32, #tpu.memory_space<vmem>>, vector<1x16xf32>,
        %get3A_442 = vector.shape_cast %get3A_441 : vector<1x16xf32> to vector<16xf32>
        %add3A_443 = arith.addf %add3A_419, %get3A_442 : vector<16xf32>
        %get3A_444 = arith.index_cast %add3A_433 : i32 to index
        %get3A_445 = arith.constant 32 : index
        %get3A_446 = tpu.vector_load %arg9[%get3A_444, %get3A_445] {strides = array<i32>} : memref<104x64xf32, #tpu.memory_space<vmem>>, vector<1x16xf32>,
        %get3A_447 = vector.shape_cast %get3A_446 : vector<1x16xf32> to vector<16xf32>
        %add3A_448 = arith.addf %add3A_424, %get3A_447 : vector<16xf32>
        %get3A_449 = arith.index_cast %add3A_433 : i32 to index
        %get3A_450 = arith.constant 48 : index
        %get3A_451 = tpu.vector_load %arg9[%get3A_449, %get3A_450] {strides = array<i32>} : memref<104x64xf32, #tpu.memory_space<vmem>>, vector<1x16xf32>,
        %get3A_452 = vector.shape_cast %get3A_451 : vector<1x16xf32> to vector<16xf32>
        %add3A_453 = arith.addf %add3A_429, %get3A_452 : vector<16xf32>
        %scan3A_454 = arith.constant 4 : i32
        %scan3A_455 = arith.addi %scan3A_356, %scan3A_454 : i32
        %add3A_456 = arith.constant 0 : i32
        %add3A_457 = arith.addi %add3A_456, %scan3A_455 : i32
        %get3A_458 = arith.index_cast %add3A_457 : i32 to index
        %get3A_459 = arith.constant 0 : index
        %get3A_460 = tpu.vector_load %arg9[%get3A_458, %get3A_459] {strides = array<i32>} : memref<104x64xf32, #tpu.memory_space<vmem>>, vector<1x16xf32>,
        %get3A_461 = vector.shape_cast %get3A_460 : vector<1x16xf32> to vector<16xf32>
        %add3A_462 = arith.addf %add3A_438, %get3A_461 : vector<16xf32>
        %get3A_463 = arith.index_cast %add3A_457 : i32 to index
        %get3A_464 = arith.constant 16 : index
        %get3A_465 = tpu.vector_load %arg9[%get3A_463, %get3A_464] {strides = array<i32>} : memref<104x64xf32, #tpu.memory_space<vmem>>, vector<1x16xf32>,
        %get3A_466 = vector.shape_cast %get3A_465 : vector<1x16xf32> to vector<16xf32>
        %add3A_467 = arith.addf %add3A_443, %get3A_466 : vector<16xf32>
        %get3A_468 = arith.index_cast %add3A_457 : i32 to index
        %get3A_469 = arith.constant 32 : index
        %get3A_470 = tpu.vector_load %arg9[%get3A_468, %get3A_469] {strides = array<i32>} : memref<104x64xf32, #tpu.memory_space<vmem>>, vector<1x16xf32>,
        %get3A_471 = vector.shape_cast %get3A_470 : vector<1x16xf32> to vector<16xf32>
        %add3A_472 = arith.addf %add3A_448, %get3A_471 : vector<16xf32>
        %get3A_473 = arith.index_cast %add3A_457 : i32 to index
        %get3A_474 = arith.constant 48 : index
        %get3A_475 = tpu.vector_load %arg9[%get3A_473, %get3A_474] {strides = array<i32>} : memref<104x64xf32, #tpu.memory_space<vmem>>, vector<1x16xf32>,
        %get3A_476 = vector.shape_cast %get3A_475 : vector<1x16xf32> to vector<16xf32>
        %add3A_477 = arith.addf %add3A_453, %get3A_476 : vector<16xf32>
        %scan3A_478 = arith.constant 5 : i32
        %scan3A_479 = arith.addi %scan3A_356, %scan3A_478 : i32
        %add3A_480 = arith.constant 0 : i32
        %add3A_481 = arith.addi %add3A_480, %scan3A_479 : i32
        %get3A_482 = arith.index_cast %add3A_481 : i32 to index
        %get3A_483 = arith.constant 0 : index
        %get3A_484 = tpu.vector_load %arg9[%get3A_482, %get3A_483] {strides = array<i32>} : memref<104x64xf32, #tpu.memory_space<vmem>>, vector<1x16xf32>,
        %get3A_485 = vector.shape_cast %get3A_484 : vector<1x16xf32> to vector<16xf32>
        %add3A_486 = arith.addf %add3A_462, %get3A_485 : vector<16xf32>
        %get3A_487 = arith.index_cast %add3A_481 : i32 to index
        %get3A_488 = arith.constant 16 : index
        %get3A_489 = tpu.vector_load %arg9[%get3A_487, %get3A_488] {strides = array<i32>} : memref<104x64xf32, #tpu.memory_space<vmem>>, vector<1x16xf32>,
        %get3A_490 = vector.shape_cast %get3A_489 : vector<1x16xf32> to vector<16xf32>
        %add3A_491 = arith.addf %add3A_467, %get3A_490 : vector<16xf32>
        %get3A_492 = arith.index_cast %add3A_481 : i32 to index
        %get3A_493 = arith.constant 32 : index
        %get3A_494 = tpu.vector_load %arg9[%get3A_492, %get3A_493] {strides = array<i32>} : memref<104x64xf32, #tpu.memory_space<vmem>>, vector<1x16xf32>,
        %get3A_495 = vector.shape_cast %get3A_494 : vector<1x16xf32> to vector<16xf32>
        %add3A_496 = arith.addf %add3A_472, %get3A_495 : vector<16xf32>
        %get3A_497 = arith.index_cast %add3A_481 : i32 to index
        %get3A_498 = arith.constant 48 : index
        %get3A_499 = tpu.vector_load %arg9[%get3A_497, %get3A_498] {strides = array<i32>} : memref<104x64xf32, #tpu.memory_space<vmem>>, vector<1x16xf32>,
        %get3A_500 = vector.shape_cast %get3A_499 : vector<1x16xf32> to vector<16xf32>
        %add3A_501 = arith.addf %add3A_477, %get3A_500 : vector<16xf32>
        %scan3A_502 = arith.constant 6 : i32
        %scan3A_503 = arith.addi %scan3A_356, %scan3A_502 : i32
        %add3A_504 = arith.constant 0 : i32
        %add3A_505 = arith.addi %add3A_504, %scan3A_503 : i32
        %get3A_506 = arith.index_cast %add3A_505 : i32 to index
        %get3A_507 = arith.constant 0 : index
        %get3A_508 = tpu.vector_load %arg9[%get3A_506, %get3A_507] {strides = array<i32>} : memref<104x64xf32, #tpu.memory_space<vmem>>, vector<1x16xf32>,
        %get3A_509 = vector.shape_cast %get3A_508 : vector<1x16xf32> to vector<16xf32>
        %add3A_510 = arith.addf %add3A_486, %get3A_509 : vector<16xf32>
        %get3A_511 = arith.index_cast %add3A_505 : i32 to index
        %get3A_512 = arith.constant 16 : index
        %get3A_513 = tpu.vector_load %arg9[%get3A_511, %get3A_512] {strides = array<i32>} : memref<104x64xf32, #tpu.memory_space<vmem>>, vector<1x16xf32>,
        %get3A_514 = vector.shape_cast %get3A_513 : vector<1x16xf32> to vector<16xf32>
        %add3A_515 = arith.addf %add3A_491, %get3A_514 : vector<16xf32>
        %get3A_516 = arith.index_cast %add3A_505 : i32 to index
        %get3A_517 = arith.constant 32 : index
        %get3A_518 = tpu.vector_load %arg9[%get3A_516, %get3A_517] {strides = array<i32>} : memref<104x64xf32, #tpu.memory_space<vmem>>, vector<1x16xf32>,
        %get3A_519 = vector.shape_cast %get3A_518 : vector<1x16xf32> to vector<16xf32>
        %add3A_520 = arith.addf %add3A_496, %get3A_519 : vector<16xf32>
        %get3A_521 = arith.index_cast %add3A_505 : i32 to index
        %get3A_522 = arith.constant 48 : index
        %get3A_523 = tpu.vector_load %arg9[%get3A_521, %get3A_522] {strides = array<i32>} : memref<104x64xf32, #tpu.memory_space<vmem>>, vector<1x16xf32>,
        %get3A_524 = vector.shape_cast %get3A_523 : vector<1x16xf32> to vector<16xf32>
        %add3A_525 = arith.addf %add3A_501, %get3A_524 : vector<16xf32>
        %scan3A_526 = arith.constant 7 : i32
        %scan3A_527 = arith.addi %scan3A_356, %scan3A_526 : i32
        %add3A_528 = arith.constant 0 : i32
        %add3A_529 = arith.addi %add3A_528, %scan3A_527 : i32
        %get3A_530 = arith.index_cast %add3A_529 : i32 to index
        %get3A_531 = arith.constant 0 : index
        %get3A_532 = tpu.vector_load %arg9[%get3A_530, %get3A_531] {strides = array<i32>} : memref<104x64xf32, #tpu.memory_space<vmem>>, vector<1x16xf32>,
        %get3A_533 = vector.shape_cast %get3A_532 : vector<1x16xf32> to vector<16xf32>
        %add3A_534 = arith.addf %add3A_510, %get3A_533 : vector<16xf32>
        %get3A_535 = arith.index_cast %add3A_529 : i32 to index
        %get3A_536 = arith.constant 16 : index
        %get3A_537 = tpu.vector_load %arg9[%get3A_535, %get3A_536] {strides = array<i32>} : memref<104x64xf32, #tpu.memory_space<vmem>>, vector<1x16xf32>,
        %get3A_538 = vector.shape_cast %get3A_537 : vector<1x16xf32> to vector<16xf32>
        %add3A_539 = arith.addf %add3A_515, %get3A_538 : vector<16xf32>
        %get3A_540 = arith.index_cast %add3A_529 : i32 to index
        %get3A_541 = arith.constant 32 : index
        %get3A_542 = tpu.vector_load %arg9[%get3A_540, %get3A_541] {strides = array<i32>} : memref<104x64xf32, #tpu.memory_space<vmem>>, vector<1x16xf32>,
        %get3A_543 = vector.shape_cast %get3A_542 : vector<1x16xf32> to vector<16xf32>
        %add3A_544 = arith.addf %add3A_520, %get3A_543 : vector<16xf32>
        %get3A_545 = arith.index_cast %add3A_529 : i32 to index
        %get3A_546 = arith.constant 48 : index
        %get3A_547 = tpu.vector_load %arg9[%get3A_545, %get3A_546] {strides = array<i32>} : memref<104x64xf32, #tpu.memory_space<vmem>>, vector<1x16xf32>,
        %get3A_548 = vector.shape_cast %get3A_547 : vector<1x16xf32> to vector<16xf32>
        %add3A_549 = arith.addf %add3A_525, %get3A_548 : vector<16xf32>
        %scan3A_550 = arith.constant 8 : i32
        %scan3A_551 = arith.addi %scan3A_356, %scan3A_550 : i32
        %add3A_552 = arith.constant 0 : i32
        %add3A_553 = arith.addi %add3A_552, %scan3A_551 : i32
        %get3A_554 = arith.index_cast %add3A_553 : i32 to index
        %get3A_555 = arith.constant 0 : index
        %get3A_556 = tpu.vector_load %arg9[%get3A_554, %get3A_555] {strides = array<i32>} : memref<104x64xf32, #tpu.memory_space<vmem>>, vector<1x16xf32>,
        %get3A_557 = vector.shape_cast %get3A_556 : vector<1x16xf32> to vector<16xf32>
        %add3A_558 = arith.addf %add3A_534, %get3A_557 : vector<16xf32>
        %get3A_559 = arith.index_cast %add3A_553 : i32 to index
        %get3A_560 = arith.constant 16 : index
        %get3A_561 = tpu.vector_load %arg9[%get3A_559, %get3A_560] {strides = array<i32>} : memref<104x64xf32, #tpu.memory_space<vmem>>, vector<1x16xf32>,
        %get3A_562 = vector.shape_cast %get3A_561 : vector<1x16xf32> to vector<16xf32>
        %add3A_563 = arith.addf %add3A_539, %get3A_562 : vector<16xf32>
        %get3A_564 = arith.index_cast %add3A_553 : i32 to index
        %get3A_565 = arith.constant 32 : index
        %get3A_566 = tpu.vector_load %arg9[%get3A_564, %get3A_565] {strides = array<i32>} : memref<104x64xf32, #tpu.memory_space<vmem>>, vector<1x16xf32>,
        %get3A_567 = vector.shape_cast %get3A_566 : vector<1x16xf32> to vector<16xf32>
        %add3A_568 = arith.addf %add3A_544, %get3A_567 : vector<16xf32>
        %get3A_569 = arith.index_cast %add3A_553 : i32 to index
        %get3A_570 = arith.constant 48 : index
        %get3A_571 = tpu.vector_load %arg9[%get3A_569, %get3A_570] {strides = array<i32>} : memref<104x64xf32, #tpu.memory_space<vmem>>, vector<1x16xf32>,
        %get3A_572 = vector.shape_cast %get3A_571 : vector<1x16xf32> to vector<16xf32>
        %add3A_573 = arith.addf %add3A_549, %get3A_572 : vector<16xf32>
        %scan3A_574 = arith.constant 9 : i32
        %scan3A_575 = arith.addi %scan3A_356, %scan3A_574 : i32
        %add3A_576 = arith.constant 0 : i32
        %add3A_577 = arith.addi %add3A_576, %scan3A_575 : i32
        %get3A_578 = arith.index_cast %add3A_577 : i32 to index
        %get3A_579 = arith.constant 0 : index
        %get3A_580 = tpu.vector_load %arg9[%get3A_578, %get3A_579] {strides = array<i32>} : memref<104x64xf32, #tpu.memory_space<vmem>>, vector<1x16xf32>,
        %get3A_581 = vector.shape_cast %get3A_580 : vector<1x16xf32> to vector<16xf32>
        %add3A_582 = arith.addf %add3A_558, %get3A_581 : vector<16xf32>
        %get3A_583 = arith.index_cast %add3A_577 : i32 to index
        %get3A_584 = arith.constant 16 : index
        %get3A_585 = tpu.vector_load %arg9[%get3A_583, %get3A_584] {strides = array<i32>} : memref<104x64xf32, #tpu.memory_space<vmem>>, vector<1x16xf32>,
        %get3A_586 = vector.shape_cast %get3A_585 : vector<1x16xf32> to vector<16xf32>
        %add3A_587 = arith.addf %add3A_563, %get3A_586 : vector<16xf32>
        %get3A_588 = arith.index_cast %add3A_577 : i32 to index
        %get3A_589 = arith.constant 32 : index
        %get3A_590 = tpu.vector_load %arg9[%get3A_588, %get3A_589] {strides = array<i32>} : memref<104x64xf32, #tpu.memory_space<vmem>>, vector<1x16xf32>,
        %get3A_591 = vector.shape_cast %get3A_590 : vector<1x16xf32> to vector<16xf32>
        %add3A_592 = arith.addf %add3A_568, %get3A_591 : vector<16xf32>
        %get3A_593 = arith.index_cast %add3A_577 : i32 to index
        %get3A_594 = arith.constant 48 : index
        %get3A_595 = tpu.vector_load %arg9[%get3A_593, %get3A_594] {strides = array<i32>} : memref<104x64xf32, #tpu.memory_space<vmem>>, vector<1x16xf32>,
        %get3A_596 = vector.shape_cast %get3A_595 : vector<1x16xf32> to vector<16xf32>
        %add3A_597 = arith.addf %add3A_573, %get3A_596 : vector<16xf32>
        scf.yield %add3A_582, %add3A_587, %add3A_592, %add3A_597 : vector<16xf32>, vector<16xf32>, vector<16xf32>, vector<16xf32>
      }
      %scan3A_292 = arith.constant 50 : i32
      %mul3A_293 = arith.constant 2 : i32
      %mul3A_294 = arith.muli %mul3A_293, %add3A_278 : i32
      %add3A_295 = arith.constant 0 : i32
      %add3A_296 = arith.addi %mul3A_294, %add3A_295 : i32
      %swap3A_297 = arith.index_cast %add3A_296 : i32 to index
      %swap3A_298 = arith.constant 0 : index
      %swap3A_299 = tpu.vector_load %arg10[%swap3A_297, %swap3A_298] {strides = array<i32>} : memref<128x64xf32, #tpu.memory_space<vmem>>, vector<1x16xf32>,
      %swap3A_300 = vector.shape_cast %swap3A_299 : vector<1x16xf32> to vector<16xf32>
      %swap3A_301 = vector.shape_cast %scan3A_291#0 : vector<16xf32> to vector<1x16xf32>
      tpu.vector_store %arg10[%swap3A_297, %swap3A_298], %swap3A_301 {strides = array<i32>} : memref<128x64xf32, #tpu.memory_space<vmem>>, vector<1x16xf32>,
      %swap3A_302 = arith.index_cast %add3A_296 : i32 to index
      %swap3A_303 = arith.constant 16 : index
      %swap3A_304 = tpu.vector_load %arg10[%swap3A_302, %swap3A_303] {strides = array<i32>} : memref<128x64xf32, #tpu.memory_space<vmem>>, vector<1x16xf32>,
      %swap3A_305 = vector.shape_cast %swap3A_304 : vector<1x16xf32> to vector<16xf32>
      %swap3A_306 = vector.shape_cast %scan3A_291#1 : vector<16xf32> to vector<1x16xf32>
      tpu.vector_store %arg10[%swap3A_302, %swap3A_303], %swap3A_306 {strides = array<i32>} : memref<128x64xf32, #tpu.memory_space<vmem>>, vector<1x16xf32>,
      %swap3A_307 = arith.index_cast %add3A_296 : i32 to index
      %swap3A_308 = arith.constant 32 : index
      %swap3A_309 = tpu.vector_load %arg10[%swap3A_307, %swap3A_308] {strides = array<i32>} : memref<128x64xf32, #tpu.memory_space<vmem>>, vector<1x16xf32>,
      %swap3A_310 = vector.shape_cast %swap3A_309 : vector<1x16xf32> to vector<16xf32>
      %swap3A_311 = vector.shape_cast %scan3A_291#2 : vector<16xf32> to vector<1x16xf32>
      tpu.vector_store %arg10[%swap3A_307, %swap3A_308], %swap3A_311 {strides = array<i32>} : memref<128x64xf32, #tpu.memory_space<vmem>>, vector<1x16xf32>,
      %swap3A_312 = arith.index_cast %add3A_296 : i32 to index
      %swap3A_313 = arith.constant 48 : index
      %swap3A_314 = tpu.vector_load %arg10[%swap3A_312, %swap3A_313] {strides = array<i32>} : memref<128x64xf32, #tpu.memory_space<vmem>>, vector<1x16xf32>,
      %swap3A_315 = vector.shape_cast %swap3A_314 : vector<1x16xf32> to vector<16xf32>
      %swap3A_316 = vector.shape_cast %scan3A_291#3 : vector<16xf32> to vector<1x16xf32>
      tpu.vector_store %arg10[%swap3A_312, %swap3A_313], %swap3A_316 {strides = array<i32>} : memref<128x64xf32, #tpu.memory_space<vmem>>, vector<1x16xf32>,
      %broadcast_in_dim3A_317 = arith.constant 0.000000e+00 : f32
      %broadcast_in_dim3A_318 = vector.broadcast %broadcast_in_dim3A_317 : f32 to vector<16xf32>
      %scan3A_319 = arith.constant 0 : i32
      %scan3A_320 = arith.constant 50 : i32
      %scan3A_321 = arith.addi %scan3A_319, %scan3A_320 : i32
      %scan3A_322 = arith.constant 10 : i32
      %scan3A_323:4 = scf.for %scan3A_356 = %scan3A_319 to %scan3A_321 step %scan3A_322 iter_args(%scan3A_357 = %broadcast_in_dim3A_318, %scan3A_358 = %broadcast_in_dim3A_318, %scan3A_359 = %broadcast_in_dim3A_318, %scan3A_360 = %broadcast_in_dim3A_318) -> (vector<16xf32>, vector<16xf32>, vector<16xf32>, vector<16xf32>)  : i32 {
        %add3A_361 = arith.constant 52 : i32
        %add3A_362 = arith.addi %add3A_361, %scan3A_356 : i32
        %get3A = arith.index_cast %add3A_362 : i32 to index
        %get3A_363 = arith.constant 0 : index
        %get3A_364 = tpu.vector_load %arg9[%get3A, %get3A_363] {strides = array<i32>} : memref<104x64xf32, #tpu.memory_space<vmem>>, vector<1x16xf32>,
        %get3A_365 = vector.shape_cast %get3A_364 : vector<1x16xf32> to vector<16xf32>
        %add3A_366 = arith.addf %scan3A_357, %get3A_365 : vector<16xf32>
        %get3A_367 = arith.index_cast %add3A_362 : i32 to index
        %get3A_368 = arith.constant 16 : index
        %get3A_369 = tpu.vector_load %arg9[%get3A_367, %get3A_368] {strides = array<i32>} : memref<104x64xf32, #tpu.memory_space<vmem>>, vector<1x16xf32>,
        %get3A_370 = vector.shape_cast %get3A_369 : vector<1x16xf32> to vector<16xf32>
        %add3A_371 = arith.addf %scan3A_358, %get3A_370 : vector<16xf32>
        %get3A_372 = arith.index_cast %add3A_362 : i32 to index
        %get3A_373 = arith.constant 32 : index
        %get3A_374 = tpu.vector_load %arg9[%get3A_372, %get3A_373] {strides = array<i32>} : memref<104x64xf32, #tpu.memory_space<vmem>>, vector<1x16xf32>,
        %get3A_375 = vector.shape_cast %get3A_374 : vector<1x16xf32> to vector<16xf32>
        %add3A_376 = arith.addf %scan3A_359, %get3A_375 : vector<16xf32>
        %get3A_377 = arith.index_cast %add3A_362 : i32 to index
        %get3A_378 = arith.constant 48 : index
        %get3A_379 = tpu.vector_load %arg9[%get3A_377, %get3A_378] {strides = array<i32>} : memref<104x64xf32, #tpu.memory_space<vmem>>, vector<1x16xf32>,
        %get3A_380 = vector.shape_cast %get3A_379 : vector<1x16xf32> to vector<16xf32>
        %add3A_381 = arith.addf %scan3A_360, %get3A_380 : vector<16xf32>
        %scan3A_382 = arith.constant 1 : i32
        %scan3A_383 = arith.addi %scan3A_356, %scan3A_382 : i32
        %add3A_384 = arith.constant 52 : i32
        %add3A_385 = arith.addi %add3A_384, %scan3A_383 : i32
        %get3A_386 = arith.index_cast %add3A_385 : i32 to index
        %get3A_387 = arith.constant 0 : index
        %get3A_388 = tpu.vector_load %arg9[%get3A_386, %get3A_387] {strides = array<i32>} : memref<104x64xf32, #tpu.memory_space<vmem>>, vector<1x16xf32>,
        %get3A_389 = vector.shape_cast %get3A_388 : vector<1x16xf32> to vector<16xf32>
        %add3A_390 = arith.addf %add3A_366, %get3A_389 : vector<16xf32>
        %get3A_391 = arith.index_cast %add3A_385 : i32 to index
        %get3A_392 = arith.constant 16 : index
        %get3A_393 = tpu.vector_load %arg9[%get3A_391, %get3A_392] {strides = array<i32>} : memref<104x64xf32, #tpu.memory_space<vmem>>, vector<1x16xf32>,
        %get3A_394 = vector.shape_cast %get3A_393 : vector<1x16xf32> to vector<16xf32>
        %add3A_395 = arith.addf %add3A_371, %get3A_394 : vector<16xf32>
        %get3A_396 = arith.index_cast %add3A_385 : i32 to index
        %get3A_397 = arith.constant 32 : index
        %get3A_398 = tpu.vector_load %arg9[%get3A_396, %get3A_397] {strides = array<i32>} : memref<104x64xf32, #tpu.memory_space<vmem>>, vector<1x16xf32>,
        %get3A_399 = vector.shape_cast %get3A_398 : vector<1x16xf32> to vector<16xf32>
        %add3A_400 = arith.addf %add3A_376, %get3A_399 : vector<16xf32>
        %get3A_401 = arith.index_cast %add3A_385 : i32 to index
        %get3A_402 = arith.constant 48 : index
        %get3A_403 = tpu.vector_load %arg9[%get3A_401, %get3A_402] {strides = array<i32>} : memref<104x64xf32, #tpu.memory_space<vmem>>, vector<1x16xf32>,
        %get3A_404 = vector.shape_cast %get3A_403 : vector<1x16xf32> to vector<16xf32>
        %add3A_405 = arith.addf %add3A_381, %get3A_404 : vector<16xf32>
        %scan3A_406 = arith.constant 2 : i32
        %scan3A_407 = arith.addi %scan3A_356, %scan3A_406 : i32
        %add3A_408 = arith.constant 52 : i32
        %add3A_409 = arith.addi %add3A_408, %scan3A_407 : i32
        %get3A_410 = arith.index_cast %add3A_409 : i32 to index
        %get3A_411 = arith.constant 0 : index
        %get3A_412 = tpu.vector_load %arg9[%get3A_410, %get3A_411] {strides = array<i32>} : memref<104x64xf32, #tpu.memory_space<vmem>>, vector<1x16xf32>,
        %get3A_413 = vector.shape_cast %get3A_412 : vector<1x16xf32> to vector<16xf32>
        %add3A_414 = arith.addf %add3A_390, %get3A_413 : vector<16xf32>
        %get3A_415 = arith.index_cast %add3A_409 : i32 to index
        %get3A_416 = arith.constant 16 : index
        %get3A_417 = tpu.vector_load %arg9[%get3A_415, %get3A_416] {strides = array<i32>} : memref<104x64xf32, #tpu.memory_space<vmem>>, vector<1x16xf32>,
        %get3A_418 = vector.shape_cast %get3A_417 : vector<1x16xf32> to vector<16xf32>
        %add3A_419 = arith.addf %add3A_395, %get3A_418 : vector<16xf32>
        %get3A_420 = arith.index_cast %add3A_409 : i32 to index
        %get3A_421 = arith.constant 32 : index
        %get3A_422 = tpu.vector_load %arg9[%get3A_420, %get3A_421] {strides = array<i32>} : memref<104x64xf32, #tpu.memory_space<vmem>>, vector<1x16xf32>,
        %get3A_423 = vector.shape_cast %get3A_422 : vector<1x16xf32> to vector<16xf32>
        %add3A_424 = arith.addf %add3A_400, %get3A_423 : vector<16xf32>
        %get3A_425 = arith.index_cast %add3A_409 : i32 to index
        %get3A_426 = arith.constant 48 : index
        %get3A_427 = tpu.vector_load %arg9[%get3A_425, %get3A_426] {strides = array<i32>} : memref<104x64xf32, #tpu.memory_space<vmem>>, vector<1x16xf32>,
        %get3A_428 = vector.shape_cast %get3A_427 : vector<1x16xf32> to vector<16xf32>
        %add3A_429 = arith.addf %add3A_405, %get3A_428 : vector<16xf32>
        %scan3A_430 = arith.constant 3 : i32
        %scan3A_431 = arith.addi %scan3A_356, %scan3A_430 : i32
        %add3A_432 = arith.constant 52 : i32
        %add3A_433 = arith.addi %add3A_432, %scan3A_431 : i32
        %get3A_434 = arith.index_cast %add3A_433 : i32 to index
        %get3A_435 = arith.constant 0 : index
        %get3A_436 = tpu.vector_load %arg9[%get3A_434, %get3A_435] {strides = array<i32>} : memref<104x64xf32, #tpu.memory_space<vmem>>, vector<1x16xf32>,
        %get3A_437 = vector.shape_cast %get3A_436 : vector<1x16xf32> to vector<16xf32>
        %add3A_438 = arith.addf %add3A_414, %get3A_437 : vector<16xf32>
        %get3A_439 = arith.index_cast %add3A_433 : i32 to index
        %get3A_440 = arith.constant 16 : index
        %get3A_441 = tpu.vector_load %arg9[%get3A_439, %get3A_440] {strides = array<i32>} : memref<104x64xf32, #tpu.memory_space<vmem>>, vector<1x16xf32>,
        %get3A_442 = vector.shape_cast %get3A_441 : vector<1x16xf32> to vector<16xf32>
        %add3A_443 = arith.addf %add3A_419, %get3A_442 : vector<16xf32>
        %get3A_444 = arith.index_cast %add3A_433 : i32 to index
        %get3A_445 = arith.constant 32 : index
        %get3A_446 = tpu.vector_load %arg9[%get3A_444, %get3A_445] {strides = array<i32>} : memref<104x64xf32, #tpu.memory_space<vmem>>, vector<1x16xf32>,
        %get3A_447 = vector.shape_cast %get3A_446 : vector<1x16xf32> to vector<16xf32>
        %add3A_448 = arith.addf %add3A_424, %get3A_447 : vector<16xf32>
        %get3A_449 = arith.index_cast %add3A_433 : i32 to index
        %get3A_450 = arith.constant 48 : index
        %get3A_451 = tpu.vector_load %arg9[%get3A_449, %get3A_450] {strides = array<i32>} : memref<104x64xf32, #tpu.memory_space<vmem>>, vector<1x16xf32>,
        %get3A_452 = vector.shape_cast %get3A_451 : vector<1x16xf32> to vector<16xf32>
        %add3A_453 = arith.addf %add3A_429, %get3A_452 : vector<16xf32>
        %scan3A_454 = arith.constant 4 : i32
        %scan3A_455 = arith.addi %scan3A_356, %scan3A_454 : i32
        %add3A_456 = arith.constant 52 : i32
        %add3A_457 = arith.addi %add3A_456, %scan3A_455 : i32
        %get3A_458 = arith.index_cast %add3A_457 : i32 to index
        %get3A_459 = arith.constant 0 : index
        %get3A_460 = tpu.vector_load %arg9[%get3A_458, %get3A_459] {strides = array<i32>} : memref<104x64xf32, #tpu.memory_space<vmem>>, vector<1x16xf32>,
        %get3A_461 = vector.shape_cast %get3A_460 : vector<1x16xf32> to vector<16xf32>
        %add3A_462 = arith.addf %add3A_438, %get3A_461 : vector<16xf32>
        %get3A_463 = arith.index_cast %add3A_457 : i32 to index
        %get3A_464 = arith.constant 16 : index
        %get3A_465 = tpu.vector_load %arg9[%get3A_463, %get3A_464] {strides = array<i32>} : memref<104x64xf32, #tpu.memory_space<vmem>>, vector<1x16xf32>,
        %get3A_466 = vector.shape_cast %get3A_465 : vector<1x16xf32> to vector<16xf32>
        %add3A_467 = arith.addf %add3A_443, %get3A_466 : vector<16xf32>
        %get3A_468 = arith.index_cast %add3A_457 : i32 to index
        %get3A_469 = arith.constant 32 : index
        %get3A_470 = tpu.vector_load %arg9[%get3A_468, %get3A_469] {strides = array<i32>} : memref<104x64xf32, #tpu.memory_space<vmem>>, vector<1x16xf32>,
        %get3A_471 = vector.shape_cast %get3A_470 : vector<1x16xf32> to vector<16xf32>
        %add3A_472 = arith.addf %add3A_448, %get3A_471 : vector<16xf32>
        %get3A_473 = arith.index_cast %add3A_457 : i32 to index
        %get3A_474 = arith.constant 48 : index
        %get3A_475 = tpu.vector_load %arg9[%get3A_473, %get3A_474] {strides = array<i32>} : memref<104x64xf32, #tpu.memory_space<vmem>>, vector<1x16xf32>,
        %get3A_476 = vector.shape_cast %get3A_475 : vector<1x16xf32> to vector<16xf32>
        %add3A_477 = arith.addf %add3A_453, %get3A_476 : vector<16xf32>
        %scan3A_478 = arith.constant 5 : i32
        %scan3A_479 = arith.addi %scan3A_356, %scan3A_478 : i32
        %add3A_480 = arith.constant 52 : i32
        %add3A_481 = arith.addi %add3A_480, %scan3A_479 : i32
        %get3A_482 = arith.index_cast %add3A_481 : i32 to index
        %get3A_483 = arith.constant 0 : index
        %get3A_484 = tpu.vector_load %arg9[%get3A_482, %get3A_483] {strides = array<i32>} : memref<104x64xf32, #tpu.memory_space<vmem>>, vector<1x16xf32>,
        %get3A_485 = vector.shape_cast %get3A_484 : vector<1x16xf32> to vector<16xf32>
        %add3A_486 = arith.addf %add3A_462, %get3A_485 : vector<16xf32>
        %get3A_487 = arith.index_cast %add3A_481 : i32 to index
        %get3A_488 = arith.constant 16 : index
        %get3A_489 = tpu.vector_load %arg9[%get3A_487, %get3A_488] {strides = array<i32>} : memref<104x64xf32, #tpu.memory_space<vmem>>, vector<1x16xf32>,
        %get3A_490 = vector.shape_cast %get3A_489 : vector<1x16xf32> to vector<16xf32>
        %add3A_491 = arith.addf %add3A_467, %get3A_490 : vector<16xf32>
        %get3A_492 = arith.index_cast %add3A_481 : i32 to index
        %get3A_493 = arith.constant 32 : index
        %get3A_494 = tpu.vector_load %arg9[%get3A_492, %get3A_493] {strides = array<i32>} : memref<104x64xf32, #tpu.memory_space<vmem>>, vector<1x16xf32>,
        %get3A_495 = vector.shape_cast %get3A_494 : vector<1x16xf32> to vector<16xf32>
        %add3A_496 = arith.addf %add3A_472, %get3A_495 : vector<16xf32>
        %get3A_497 = arith.index_cast %add3A_481 : i32 to index
        %get3A_498 = arith.constant 48 : index
        %get3A_499 = tpu.vector_load %arg9[%get3A_497, %get3A_498] {strides = array<i32>} : memref<104x64xf32, #tpu.memory_space<vmem>>, vector<1x16xf32>,
        %get3A_500 = vector.shape_cast %get3A_499 : vector<1x16xf32> to vector<16xf32>
        %add3A_501 = arith.addf %add3A_477, %get3A_500 : vector<16xf32>
        %scan3A_502 = arith.constant 6 : i32
        %scan3A_503 = arith.addi %scan3A_356, %scan3A_502 : i32
        %add3A_504 = arith.constant 52 : i32
        %add3A_505 = arith.addi %add3A_504, %scan3A_503 : i32
        %get3A_506 = arith.index_cast %add3A_505 : i32 to index
        %get3A_507 = arith.constant 0 : index
        %get3A_508 = tpu.vector_load %arg9[%get3A_506, %get3A_507] {strides = array<i32>} : memref<104x64xf32, #tpu.memory_space<vmem>>, vector<1x16xf32>,
        %get3A_509 = vector.shape_cast %get3A_508 : vector<1x16xf32> to vector<16xf32>
        %add3A_510 = arith.addf %add3A_486, %get3A_509 : vector<16xf32>
        %get3A_511 = arith.index_cast %add3A_505 : i32 to index
        %get3A_512 = arith.constant 16 : index
        %get3A_513 = tpu.vector_load %arg9[%get3A_511, %get3A_512] {strides = array<i32>} : memref<104x64xf32, #tpu.memory_space<vmem>>, vector<1x16xf32>,
        %get3A_514 = vector.shape_cast %get3A_513 : vector<1x16xf32> to vector<16xf32>
        %add3A_515 = arith.addf %add3A_491, %get3A_514 : vector<16xf32>
        %get3A_516 = arith.index_cast %add3A_505 : i32 to index
        %get3A_517 = arith.constant 32 : index
        %get3A_518 = tpu.vector_load %arg9[%get3A_516, %get3A_517] {strides = array<i32>} : memref<104x64xf32, #tpu.memory_space<vmem>>, vector<1x16xf32>,
        %get3A_519 = vector.shape_cast %get3A_518 : vector<1x16xf32> to vector<16xf32>
        %add3A_520 = arith.addf %add3A_496, %get3A_519 : vector<16xf32>
        %get3A_521 = arith.index_cast %add3A_505 : i32 to index
        %get3A_522 = arith.constant 48 : index
        %get3A_523 = tpu.vector_load %arg9[%get3A_521, %get3A_522] {strides = array<i32>} : memref<104x64xf32, #tpu.memory_space<vmem>>, vector<1x16xf32>,
        %get3A_524 = vector.shape_cast %get3A_523 : vector<1x16xf32> to vector<16xf32>
        %add3A_525 = arith.addf %add3A_501, %get3A_524 : vector<16xf32>
        %scan3A_526 = arith.constant 7 : i32
        %scan3A_527 = arith.addi %scan3A_356, %scan3A_526 : i32
        %add3A_528 = arith.constant 52 : i32
        %add3A_529 = arith.addi %add3A_528, %scan3A_527 : i32
        %get3A_530 = arith.index_cast %add3A_529 : i32 to index
        %get3A_531 = arith.constant 0 : index
        %get3A_532 = tpu.vector_load %arg9[%get3A_530, %get3A_531] {strides = array<i32>} : memref<104x64xf32, #tpu.memory_space<vmem>>, vector<1x16xf32>,
        %get3A_533 = vector.shape_cast %get3A_532 : vector<1x16xf32> to vector<16xf32>
        %add3A_534 = arith.addf %add3A_510, %get3A_533 : vector<16xf32>
        %get3A_535 = arith.index_cast %add3A_529 : i32 to index
        %get3A_536 = arith.constant 16 : index
        %get3A_537 = tpu.vector_load %arg9[%get3A_535, %get3A_536] {strides = array<i32>} : memref<104x64xf32, #tpu.memory_space<vmem>>, vector<1x16xf32>,
        %get3A_538 = vector.shape_cast %get3A_537 : vector<1x16xf32> to vector<16xf32>
        %add3A_539 = arith.addf %add3A_515, %get3A_538 : vector<16xf32>
        %get3A_540 = arith.index_cast %add3A_529 : i32 to index
        %get3A_541 = arith.constant 32 : index
        %get3A_542 = tpu.vector_load %arg9[%get3A_540, %get3A_541] {strides = array<i32>} : memref<104x64xf32, #tpu.memory_space<vmem>>, vector<1x16xf32>,
        %get3A_543 = vector.shape_cast %get3A_542 : vector<1x16xf32> to vector<16xf32>
        %add3A_544 = arith.addf %add3A_520, %get3A_543 : vector<16xf32>
        %get3A_545 = arith.index_cast %add3A_529 : i32 to index
        %get3A_546 = arith.constant 48 : index
        %get3A_547 = tpu.vector_load %arg9[%get3A_545, %get3A_546] {strides = array<i32>} : memref<104x64xf32, #tpu.memory_space<vmem>>, vector<1x16xf32>,
        %get3A_548 = vector.shape_cast %get3A_547 : vector<1x16xf32> to vector<16xf32>
        %add3A_549 = arith.addf %add3A_525, %get3A_548 : vector<16xf32>
        %scan3A_550 = arith.constant 8 : i32
        %scan3A_551 = arith.addi %scan3A_356, %scan3A_550 : i32
        %add3A_552 = arith.constant 52 : i32
        %add3A_553 = arith.addi %add3A_552, %scan3A_551 : i32
        %get3A_554 = arith.index_cast %add3A_553 : i32 to index
        %get3A_555 = arith.constant 0 : index
        %get3A_556 = tpu.vector_load %arg9[%get3A_554, %get3A_555] {strides = array<i32>} : memref<104x64xf32, #tpu.memory_space<vmem>>, vector<1x16xf32>,
        %get3A_557 = vector.shape_cast %get3A_556 : vector<1x16xf32> to vector<16xf32>
        %add3A_558 = arith.addf %add3A_534, %get3A_557 : vector<16xf32>
        %get3A_559 = arith.index_cast %add3A_553 : i32 to index
        %get3A_560 = arith.constant 16 : index
        %get3A_561 = tpu.vector_load %arg9[%get3A_559, %get3A_560] {strides = array<i32>} : memref<104x64xf32, #tpu.memory_space<vmem>>, vector<1x16xf32>,
        %get3A_562 = vector.shape_cast %get3A_561 : vector<1x16xf32> to vector<16xf32>
        %add3A_563 = arith.addf %add3A_539, %get3A_562 : vector<16xf32>
        %get3A_564 = arith.index_cast %add3A_553 : i32 to index
        %get3A_565 = arith.constant 32 : index
        %get3A_566 = tpu.vector_load %arg9[%get3A_564, %get3A_565] {strides = array<i32>} : memref<104x64xf32, #tpu.memory_space<vmem>>, vector<1x16xf32>,
        %get3A_567 = vector.shape_cast %get3A_566 : vector<1x16xf32> to vector<16xf32>
        %add3A_568 = arith.addf %add3A_544, %get3A_567 : vector<16xf32>
        %get3A_569 = arith.index_cast %add3A_553 : i32 to index
        %get3A_570 = arith.constant 48 : index
        %get3A_571 = tpu.vector_load %arg9[%get3A_569, %get3A_570] {strides = array<i32>} : memref<104x64xf32, #tpu.memory_space<vmem>>, vector<1x16xf32>,
        %get3A_572 = vector.shape_cast %get3A_571 : vector<1x16xf32> to vector<16xf32>
        %add3A_573 = arith.addf %add3A_549, %get3A_572 : vector<16xf32>
        %scan3A_574 = arith.constant 9 : i32
        %scan3A_575 = arith.addi %scan3A_356, %scan3A_574 : i32
        %add3A_576 = arith.constant 52 : i32
        %add3A_577 = arith.addi %add3A_576, %scan3A_575 : i32
        %get3A_578 = arith.index_cast %add3A_577 : i32 to index
        %get3A_579 = arith.constant 0 : index
        %get3A_580 = tpu.vector_load %arg9[%get3A_578, %get3A_579] {strides = array<i32>} : memref<104x64xf32, #tpu.memory_space<vmem>>, vector<1x16xf32>,
        %get3A_581 = vector.shape_cast %get3A_580 : vector<1x16xf32> to vector<16xf32>
        %add3A_582 = arith.addf %add3A_558, %get3A_581 : vector<16xf32>
        %get3A_583 = arith.index_cast %add3A_577 : i32 to index
        %get3A_584 = arith.constant 16 : index
        %get3A_585 = tpu.vector_load %arg9[%get3A_583, %get3A_584] {strides = array<i32>} : memref<104x64xf32, #tpu.memory_space<vmem>>, vector<1x16xf32>,
        %get3A_586 = vector.shape_cast %get3A_585 : vector<1x16xf32> to vector<16xf32>
        %add3A_587 = arith.addf %add3A_563, %get3A_586 : vector<16xf32>
        %get3A_588 = arith.index_cast %add3A_577 : i32 to index
        %get3A_589 = arith.constant 32 : index
        %get3A_590 = tpu.vector_load %arg9[%get3A_588, %get3A_589] {strides = array<i32>} : memref<104x64xf32, #tpu.memory_space<vmem>>, vector<1x16xf32>,
        %get3A_591 = vector.shape_cast %get3A_590 : vector<1x16xf32> to vector<16xf32>
        %add3A_592 = arith.addf %add3A_568, %get3A_591 : vector<16xf32>
        %get3A_593 = arith.index_cast %add3A_577 : i32 to index
        %get3A_594 = arith.constant 48 : index
        %get3A_595 = tpu.vector_load %arg9[%get3A_593, %get3A_594] {strides = array<i32>} : memref<104x64xf32, #tpu.memory_space<vmem>>, vector<1x16xf32>,
        %get3A_596 = vector.shape_cast %get3A_595 : vector<1x16xf32> to vector<16xf32>
        %add3A_597 = arith.addf %add3A_573, %get3A_596 : vector<16xf32>
        scf.yield %add3A_582, %add3A_587, %add3A_592, %add3A_597 : vector<16xf32>, vector<16xf32>, vector<16xf32>, vector<16xf32>
      }
      %scan3A_324 = arith.constant 50 : i32
      %mul3A_325 = arith.constant 2 : i32
      %mul3A_326 = arith.muli %mul3A_325, %add3A_278 : i32
      %add3A_327 = arith.constant 1 : i32
      %add3A_328 = arith.addi %mul3A_326, %add3A_327 : i32
      %swap3A_329 = arith.index_cast %add3A_328 : i32 to index
      %swap3A_330 = arith.constant 0 : index
      %swap3A_331 = tpu.vector_load %arg10[%swap3A_329, %swap3A_330] {strides = array<i32>} : memref<128x64xf32, #tpu.memory_space<vmem>>, vector<1x16xf32>,
      %swap3A_332 = vector.shape_cast %swap3A_331 : vector<1x16xf32> to vector<16xf32>
      %swap3A_333 = vector.shape_cast %scan3A_323#0 : vector<16xf32> to vector<1x16xf32>
      tpu.vector_store %arg10[%swap3A_329, %swap3A_330], %swap3A_333 {strides = array<i32>} : memref<128x64xf32, #tpu.memory_space<vmem>>, vector<1x16xf32>,
      %swap3A_334 = arith.index_cast %add3A_328 : i32 to index
      %swap3A_335 = arith.constant 16 : index
      %swap3A_336 = tpu.vector_load %arg10[%swap3A_334, %swap3A_335] {strides = array<i32>} : memref<128x64xf32, #tpu.memory_space<vmem>>, vector<1x16xf32>,
      %swap3A_337 = vector.shape_cast %swap3A_336 : vector<1x16xf32> to vector<16xf32>
      %swap3A_338 = vector.shape_cast %scan3A_323#1 : vector<16xf32> to vector<1x16xf32>
      tpu.vector_store %arg10[%swap3A_334, %swap3A_335], %swap3A_338 {strides = array<i32>} : memref<128x64xf32, #tpu.memory_space<vmem>>, vector<1x16xf32>,
      %swap3A_339 = arith.index_cast %add3A_328 : i32 to index
      %swap3A_340 = arith.constant 32 : index
      %swap3A_341 = tpu.vector_load %arg10[%swap3A_339, %swap3A_340] {strides = array<i32>} : memref<128x64xf32, #tpu.memory_space<vmem>>, vector<1x16xf32>,
      %swap3A_342 = vector.shape_cast %swap3A_341 : vector<1x16xf32> to vector<16xf32>
      %swap3A_343 = vector.shape_cast %scan3A_323#2 : vector<16xf32> to vector<1x16xf32>
      tpu.vector_store %arg10[%swap3A_339, %swap3A_340], %swap3A_343 {strides = array<i32>} : memref<128x64xf32, #tpu.memory_space<vmem>>, vector<1x16xf32>,
      %swap3A_344 = arith.index_cast %add3A_328 : i32 to index
      %swap3A_345 = arith.constant 48 : index
      %swap3A_346 = tpu.vector_load %arg10[%swap3A_344, %swap3A_345] {strides = array<i32>} : memref<128x64xf32, #tpu.memory_space<vmem>>, vector<1x16xf32>,
      %swap3A_347 = vector.shape_cast %swap3A_346 : vector<1x16xf32> to vector<16xf32>
      %swap3A_348 = vector.shape_cast %scan3A_323#3 : vector<16xf32> to vector<1x16xf32>
      tpu.vector_store %arg10[%swap3A_344, %swap3A_345], %swap3A_348 {strides = array<i32>} : memref<128x64xf32, #tpu.memory_space<vmem>>, vector<1x16xf32>,
      %add3A_349 = arith.constant 4 : i32
      %add3A_350 = arith.addi %add3A_278, %add3A_349 : i32
      %lt3A_351 = arith.constant 64 : i32
      %lt3A_352 = arith.cmpi slt, %add3A_350, %lt3A_351 : i32
      %convert_element_type3A_353 = arith.extui %lt3A_352 : i1 to i32
      %cond3A_354 = arith.constant 0 : i32
      %cond3A_355 = arith.cmpi ne, %convert_element_type3A_353, %cond3A_354 : i32
      scf.if %cond3A_355 {
        %add3A_356 = arith.constant 4 : i32
        %add3A_357 = arith.addi %add3A_278, %add3A_356 : i32
        %dma_start3A_358 = arith.constant 0 : i32
        %dma_start3A_359 = tpu.memref_slice %arg5[%add3A_357, %dma_start3A_358] : memref<64x104xi32, #tpu.memory_space<vmem>> -> memref<1x104xi32, #tpu.memory_space<vmem>>
        %dma_start3A_360 = tpu.memref_squeeze %dma_start3A_359 : memref<1x104xi32, #tpu.memory_space<vmem>> -> memref<104xi32, #tpu.memory_space<vmem>>
        %dma_start3A_361 = arith.constant 0 : i32
        %dma_start3A_362 = arith.constant 0 : i32
        %dma_start3A_363 = tpu.memref_slice %arg2[%dma_start3A_361, %dma_start3A_362] : memref<100000x64xf32, #tpu.memory_space<hbm>> -> memref<100000x64xf32, #tpu.memory_space<hbm>>
        tpu.enqueue_indirect_dma source(%dma_start3A_363 : memref<100000x64xf32, #tpu.memory_space<hbm>>) target(%arg9 : memref<104x64xf32, #tpu.memory_space<vmem>>) offsets(%dma_start3A_360 : memref<104xi32, #tpu.memory_space<vmem>>) semaphore(%arg14 : memref<!tpu.dma_semaphore, #tpu.memory_space<semaphore_mem>>)
      } else {
      }
    }
    %scan3A_36 = arith.constant 16 : i32
    "tpu.region"() ({
      %run_scoped3A = tpu.sem_alloc : memref<!tpu.dma_semaphore, #tpu.memory_space<semaphore_mem>>
      %dma_start3A_37 = arith.constant 0 : i32
      %dma_start3A_38 = tpu.memref_slice %arg4[%mul3A_2, %dma_start3A_37] : memref<4096x64xf32, #tpu.memory_space<hbm>> -> memref<128x64xf32, #tpu.memory_space<hbm>>
      %dma_start3A_39 = arith.constant 0 : i32
      %dma_start3A_40 = tpu.memref_slice %arg4[%mul3A_2, %dma_start3A_39] : memref<4096x64xf32, #tpu.memory_space<hbm>> -> memref<128x64xf32, #tpu.memory_space<hbm>>
      tpu.enqueue_dma source(%arg10 : memref<128x64xf32, #tpu.memory_space<vmem>>) target(%dma_start3A_40 : memref<128x64xf32, #tpu.memory_space<hbm>>) target_semaphore(%run_scoped3A : memref<!tpu.dma_semaphore, #tpu.memory_space<semaphore_mem>>)
      %dma_wait3A = arith.constant 0 : i32
      %dma_wait3A_41 = tpu.memref_slice %arg4[%mul3A_2, %dma_wait3A] : memref<4096x64xf32, #tpu.memory_space<hbm>> -> memref<128x64xf32, #tpu.memory_space<hbm>>
      %dma_wait3A_42 = arith.constant 0 : i32
      %dma_wait3A_43 = tpu.memref_slice %arg4[%mul3A_2, %dma_wait3A_42] : memref<4096x64xf32, #tpu.memory_space<hbm>> -> memref<128x64xf32, #tpu.memory_space<hbm>>
      tpu.wait_dma2 semaphore(%run_scoped3A : memref<!tpu.dma_semaphore, #tpu.memory_space<semaphore_mem>>) src(%arg10 : memref<128x64xf32, #tpu.memory_space<vmem>>) dst(%dma_wait3A_43 : memref<128x64xf32, #tpu.memory_space<hbm>>)
      tpu.yield
    }) : () -> ()
    return
  }
}

module attributes {stable_mosaic.version = 14 : i64} {
  func.func @body(%arg0: memref<4096x64xf32, #tpu.memory_space<vmem>>, %arg1: memref<4096x50xi32, #tpu.memory_space<vmem>>, %arg2: memref<4096x21xf32, #tpu.memory_space<vmem>>, %arg3: memref<4096x21xf32, #tpu.memory_space<vmem>>, %arg4: memref<64x21xf32, #tpu.memory_space<vmem>>, %arg5: memref<1x21xf32, #tpu.memory_space<vmem>>, %arg6: memref<4096x21xf32, #tpu.memory_space<vmem>>, %arg7: memref<1x1xf32, #tpu.memory_space<vmem>>) attributes {dimension_semantics = [], scalar_prefetch = 0 : i64, scratch_operands = 0 : i64, tpu.core_type = #tpu.core_type<tc>} {
    %get3A = arith.constant 0 : index
    %get3A_0 = arith.constant 0 : index
    %get3A_1 = vector.load %arg1[%get3A, %get3A_0] : memref<4096x50xi32, #tpu.memory_space<vmem>>, vector<4096x50xi32>
    %get3A_2 = arith.constant dense<0> : vector<4096x50xi32>
    %get3A_3 = arith.cmpi ne, %get3A_1, %get3A_2 : vector<4096x50xi32>
    %convert_element_type3A = arith.extui %get3A_3 : vector<4096x50xi1> to vector<4096x50xi32>
    %convert_element_type3A_4 = arith.sitofp %convert_element_type3A : vector<4096x50xi32> to vector<4096x50xf32>
    %reduce_sum3A = arith.constant dense<0.000000e+00> : vector<4096xf32>
    %reduce_sum3A_5 = vector.multi_reduction <add>, %convert_element_type3A_4, %reduce_sum3A [1] : vector<4096x50xf32> to vector<4096xf32>
    %broadcast_in_dim3A = vector.shape_cast %reduce_sum3A_5 : vector<4096xf32> to vector<4096x1xf32>
    %get3A_6 = arith.constant 0 : index
    %get3A_7 = arith.constant 0 : index
    %get3A_8 = vector.load %arg0[%get3A_6, %get3A_7] : memref<4096x64xf32, #tpu.memory_space<vmem>>, vector<4096x64xf32>
    %div3A = vector.broadcast %broadcast_in_dim3A : vector<4096x1xf32> to vector<4096x64xf32>
    %div3A_9 = arith.divf %get3A_8, %div3A : vector<4096x64xf32>
    %get3A_10 = arith.constant 0 : index
    %get3A_11 = arith.constant 0 : index
    %get3A_12 = vector.load %arg4[%get3A_10, %get3A_11] : memref<64x21xf32, #tpu.memory_space<vmem>>, vector<64x21xf32>
    %dot_general3A = arith.constant dense<0.000000e+00> : vector<4096x21xf32>
    %dot_general3A_13 = tpu.matmul %div3A_9, %get3A_12, %dot_general3A {dimension_numbers = #tpu.dot_dimension_numbers<[1], [0], [0], [1], [0, 0, 1, 1], [], []>, transpose_lhs_hint = false} : vector<4096x64xf32>, vector<64x21xf32>, vector<4096x21xf32> -> vector<4096x21xf32>
    %get3A_14 = arith.constant 0 : index
    %get3A_15 = arith.constant 0 : index
    %get3A_16 = vector.load %arg5[%get3A_14, %get3A_15] : memref<1x21xf32, #tpu.memory_space<vmem>>, vector<1x21xf32>
    %add3A = vector.broadcast %get3A_16 : vector<1x21xf32> to vector<4096x21xf32>
    %add3A_17 = arith.addf %dot_general3A_13, %add3A : vector<4096x21xf32>
    %get3A_18 = arith.constant 0 : index
    %get3A_19 = arith.constant 0 : index
    %get3A_20 = vector.load %arg3[%get3A_18, %get3A_19] : memref<4096x21xf32, #tpu.memory_space<vmem>>, vector<4096x21xf32>
    %mul3A = arith.mulf %add3A_17, %get3A_20 : vector<4096x21xf32>
    %swap3A = arith.constant 0 : index
    %swap3A_21 = arith.constant 0 : index
    %swap3A_22 = vector.load %arg6[%swap3A, %swap3A_21] : memref<4096x21xf32, #tpu.memory_space<vmem>>, vector<4096x21xf32>
    tpu.vector_store %arg6[%swap3A, %swap3A_21], %mul3A {strides = array<i32>} : memref<4096x21xf32, #tpu.memory_space<vmem>>, vector<4096x21xf32>,
    %slice3A = vector.extract_strided_slice %mul3A {offsets = [0, 0], sizes = [4096, 2], strides = [1, 1]} : vector<4096x21xf32> to vector<4096x2xf32>
    %reduce_max3A = arith.constant dense<0xFF800000> : vector<4096xf32>
    %reduce_max3A_23 = vector.multi_reduction <maximumf>, %slice3A, %reduce_max3A [1] : vector<4096x2xf32> to vector<4096xf32>
    %broadcast_in_dim3A_24 = vector.shape_cast %reduce_max3A_23 : vector<4096xf32> to vector<4096x1xf32>
    %sub3A = vector.broadcast %broadcast_in_dim3A_24 : vector<4096x1xf32> to vector<4096x2xf32>
    %sub3A_25 = arith.subf %slice3A, %sub3A : vector<4096x2xf32>
    %exp3A = math.exp %sub3A_25 : vector<4096x2xf32>
    %reduce_sum3A_26 = arith.constant dense<0.000000e+00> : vector<4096xf32>
    %reduce_sum3A_27 = vector.multi_reduction <add>, %exp3A, %reduce_sum3A_26 [1] : vector<4096x2xf32> to vector<4096xf32>
    %broadcast_in_dim3A_28 = vector.shape_cast %reduce_sum3A_27 : vector<4096xf32> to vector<4096x1xf32>
    %log3A = math.log %broadcast_in_dim3A_28 : vector<4096x1xf32>
    %add3A_29 = arith.addf %log3A, %broadcast_in_dim3A_24 : vector<4096x1xf32>
    %sub3A_30 = vector.broadcast %add3A_29 : vector<4096x1xf32> to vector<4096x2xf32>
    %sub3A_31 = arith.subf %slice3A, %sub3A_30 : vector<4096x2xf32>
    %get3A_32 = arith.constant 0 : index
    %get3A_33 = arith.constant 0 : index
    %get3A_34 = vector.load %arg2[%get3A_32, %get3A_33] : memref<4096x21xf32, #tpu.memory_space<vmem>>, vector<4096x2xf32>
    %mul3A_35 = arith.mulf %get3A_34, %sub3A_31 : vector<4096x2xf32>
    %reduce_sum3A_36 = vector.shape_cast %mul3A_35 : vector<4096x2xf32> to vector<1x4096x2xf32>
    %reduce_sum3A_37 = arith.constant dense<0.000000e+00> : vector<1xf32>
    %reduce_sum3A_38 = vector.multi_reduction <add>, %reduce_sum3A_36, %reduce_sum3A_37 [1, 2] : vector<1x4096x2xf32> to vector<1xf32>
    %reduce_sum3A_39 = vector.shape_cast %reduce_sum3A_38 : vector<1xf32> to vector<1x1x1xf32>
    %reduce_sum3A_40 = vector.extract %reduce_sum3A_39[0, 0, 0] : f32 from vector<1x1x1xf32>
    %div3A_41 = arith.constant 4.096000e+03 : f32
    %div3A_42 = arith.divf %reduce_sum3A_40, %div3A_41 : f32
    %sub3A_43 = arith.constant 0.000000e+00 : f32
    %sub3A_44 = arith.subf %sub3A_43, %div3A_42 : f32
    %slice3A_45 = vector.extract_strided_slice %mul3A {offsets = [0, 2], sizes = [4096, 8], strides = [1, 1]} : vector<4096x21xf32> to vector<4096x8xf32>
    %reduce_max3A_46 = arith.constant dense<0xFF800000> : vector<4096xf32>
    %reduce_max3A_47 = vector.multi_reduction <maximumf>, %slice3A_45, %reduce_max3A_46 [1] : vector<4096x8xf32> to vector<4096xf32>
    %broadcast_in_dim3A_48 = vector.shape_cast %reduce_max3A_47 : vector<4096xf32> to vector<4096x1xf32>
    %sub3A_49 = vector.broadcast %broadcast_in_dim3A_48 : vector<4096x1xf32> to vector<4096x8xf32>
    %sub3A_50 = arith.subf %slice3A_45, %sub3A_49 : vector<4096x8xf32>
    %exp3A_51 = math.exp %sub3A_50 : vector<4096x8xf32>
    %reduce_sum3A_52 = arith.constant dense<0.000000e+00> : vector<4096xf32>
    %reduce_sum3A_53 = vector.multi_reduction <add>, %exp3A_51, %reduce_sum3A_52 [1] : vector<4096x8xf32> to vector<4096xf32>
    %broadcast_in_dim3A_54 = vector.shape_cast %reduce_sum3A_53 : vector<4096xf32> to vector<4096x1xf32>
    %log3A_55 = math.log %broadcast_in_dim3A_54 : vector<4096x1xf32>
    %add3A_56 = arith.addf %log3A_55, %broadcast_in_dim3A_48 : vector<4096x1xf32>
    %sub3A_57 = vector.broadcast %add3A_56 : vector<4096x1xf32> to vector<4096x8xf32>
    %sub3A_58 = arith.subf %slice3A_45, %sub3A_57 : vector<4096x8xf32>
    %get3A_59 = arith.constant 0 : index
    %get3A_60 = arith.constant 2 : index
    %get3A_61 = vector.load %arg2[%get3A_59, %get3A_60] : memref<4096x21xf32, #tpu.memory_space<vmem>>, vector<4096x8xf32>
    %mul3A_62 = arith.mulf %get3A_61, %sub3A_58 : vector<4096x8xf32>
    %reduce_sum3A_63 = vector.shape_cast %mul3A_62 : vector<4096x8xf32> to vector<1x4096x8xf32>
    %reduce_sum3A_64 = arith.constant dense<0.000000e+00> : vector<1xf32>
    %reduce_sum3A_65 = vector.multi_reduction <add>, %reduce_sum3A_63, %reduce_sum3A_64 [1, 2] : vector<1x4096x8xf32> to vector<1xf32>
    %reduce_sum3A_66 = vector.shape_cast %reduce_sum3A_65 : vector<1xf32> to vector<1x1x1xf32>
    %reduce_sum3A_67 = vector.extract %reduce_sum3A_66[0, 0, 0] : f32 from vector<1x1x1xf32>
    %div3A_68 = arith.constant 4.096000e+03 : f32
    %div3A_69 = arith.divf %reduce_sum3A_67, %div3A_68 : f32
    %sub3A_70 = arith.subf %sub3A_44, %div3A_69 : f32
    %slice3A_71 = vector.extract_strided_slice %mul3A {offsets = [0, 10], sizes = [4096, 11], strides = [1, 1]} : vector<4096x21xf32> to vector<4096x11xf32>
    %reduce_max3A_72 = arith.constant dense<0xFF800000> : vector<4096xf32>
    %reduce_max3A_73 = vector.multi_reduction <maximumf>, %slice3A_71, %reduce_max3A_72 [1] : vector<4096x11xf32> to vector<4096xf32>
    %broadcast_in_dim3A_74 = vector.shape_cast %reduce_max3A_73 : vector<4096xf32> to vector<4096x1xf32>
    %sub3A_75 = vector.broadcast %broadcast_in_dim3A_74 : vector<4096x1xf32> to vector<4096x11xf32>
    %sub3A_76 = arith.subf %slice3A_71, %sub3A_75 : vector<4096x11xf32>
    %exp3A_77 = math.exp %sub3A_76 : vector<4096x11xf32>
    %reduce_sum3A_78 = arith.constant dense<0.000000e+00> : vector<4096xf32>
    %reduce_sum3A_79 = vector.multi_reduction <add>, %exp3A_77, %reduce_sum3A_78 [1] : vector<4096x11xf32> to vector<4096xf32>
    %broadcast_in_dim3A_80 = vector.shape_cast %reduce_sum3A_79 : vector<4096xf32> to vector<4096x1xf32>
    %log3A_81 = math.log %broadcast_in_dim3A_80 : vector<4096x1xf32>
    %add3A_82 = arith.addf %log3A_81, %broadcast_in_dim3A_74 : vector<4096x1xf32>
    %sub3A_83 = vector.broadcast %add3A_82 : vector<4096x1xf32> to vector<4096x11xf32>
    %sub3A_84 = arith.subf %slice3A_71, %sub3A_83 : vector<4096x11xf32>
    %get3A_85 = arith.constant 0 : index
    %get3A_86 = arith.constant 10 : index
    %get3A_87 = vector.load %arg2[%get3A_85, %get3A_86] : memref<4096x21xf32, #tpu.memory_space<vmem>>, vector<4096x11xf32>
    %mul3A_88 = arith.mulf %get3A_87, %sub3A_84 : vector<4096x11xf32>
    %reduce_sum3A_89 = vector.shape_cast %mul3A_88 : vector<4096x11xf32> to vector<1x4096x11xf32>
    %reduce_sum3A_90 = arith.constant dense<0.000000e+00> : vector<1xf32>
    %reduce_sum3A_91 = vector.multi_reduction <add>, %reduce_sum3A_89, %reduce_sum3A_90 [1, 2] : vector<1x4096x11xf32> to vector<1xf32>
    %reduce_sum3A_92 = vector.shape_cast %reduce_sum3A_91 : vector<1xf32> to vector<1x1x1xf32>
    %reduce_sum3A_93 = vector.extract %reduce_sum3A_92[0, 0, 0] : f32 from vector<1x1x1xf32>
    %div3A_94 = arith.constant 4.096000e+03 : f32
    %div3A_95 = arith.divf %reduce_sum3A_93, %div3A_94 : f32
    %sub3A_96 = arith.subf %sub3A_70, %div3A_95 : f32
    %reshape3A = vector.broadcast %sub3A_96 : f32 to vector<1x1xf32>
    %swap3A_97 = arith.constant 0 : index
    %swap3A_98 = arith.constant 0 : index
    %swap3A_99 = vector.load %arg7[%swap3A_97, %swap3A_98] : memref<1x1xf32, #tpu.memory_space<vmem>>, vector<1x1xf32>
    tpu.vector_store %arg7[%swap3A_97, %swap3A_98], %reshape3A {strides = array<i32>} : memref<1x1xf32, #tpu.memory_space<vmem>>, vector<1x1xf32>,
    return
  }
}

</mosaic_0001>

<sc_bundles>
// kernel: kernel.4.cloned.1.call-start
scs
__scs_entry_jumppad:
0x0: {  	(pc) =	sbr.rel $0x88, $3  }
0x1: {  	(tag) =	ssettag $0x0;
	lr =	simm.s32 $0x1  }
0x2: {  	[smem:$0x3F96] =	sst lr;
	_ =	strace $0xD0000000  }
0x3: {  	_ = 	snop  }
0x4: {  	_ = 	snop  }
0x5: {  	_ = 	snop  }
0x6: {  	_ = 	snop  }
0x7: {  	_ = 	snop  }
__scs_overlays_trampoline_lowered:
0x8: {  	[smem:$0x3FA5] =	sst s0  }
0x9: {  	[smem:$0x3FA6] =	sst s1  }
0xa: {  	[smem:$0x3FA7] =	sst s2  }
0xb: {  	[smem:$0x3FA8] =	sst s3  }
0xc: {  	[smem:$0x3FA9] =	sst s4  }
0xd: {  	[smem:$0x3FAA] =	sst s5  }
0xe: {  	[smem:$0x3FAB] =	sst s6  }
0xf: {  	[smem:$0x3FAC] =	sst s7  }
0x10: {  	[smem:$0x3FAD] =	sst s8  }
0x11: {  	[smem:$0x3FAE] =	sst s9;
	s0 =	simm.s32 @!p0 $0x0  }
0x12: {  	s1 =	sld [smem:$0x3F94];
	s0 =	simm.s32 @p0 $0x1  }
0x13: {  	[smem:$0x3FAF] =	sst s0;
	s0 =	simm.s32 @!p1 $0x0  }
0x14: {  	s2 =	sld [smem:$0x3F93];
	s0 =	simm.s32 @p1 $0x1  }
0x15: {  	[smem:$0x3FB0] =	sst s0;
	s0 =	simm.s32 @!p2 $0x0  }
0x16: {  	s3 =	sld [smem:$0x3FDB];
	s0 =	simm.s32 @p2 $0x1  }
0x17: {  	s4 =	simm.s32 $0x1BF5;
	[smem:$0x3FB2] =	sst s0  }
0x18: {  	s0 =	sld [smem:$0x3F95];
	_ =	swait.ge [sflag:s4], $0x0  }
0x19: {  	s7 =	sld [smem:$0x3F96]  }
0x1a: {  	s8 =	sadd.s32 $0xFFFFE003, lr  }
0x1b: {  	s9 =	sadd.s32 $0xFFFFFEF7, lr;
	s5 =	simm.s32 $0xFFFFFFFF;
	p2 =	slt.u32 s8, $0xFFFFF086  }
0x1c: {  	p1 =	slt.u32 s9, $0xF7A;
	s5 =	simm.s32 @!p2 $0x0  }
0x1d: {  	s5 =	simm.s32 @p1 $0x1;
	p0 =	seq.s32 s7, s2  }
0x1e: {  	s7 =	smul.u32 @!p0 $0xF7A, s2;
	p2 =	seq.s32 @!p0 s5, $0x0  }
0x1f: {  	s9 =	smul.u32 $0xF7A, s1;
	s8 =	simm.s32 @!p0 $0x1BF5;
	p2 =	por !p2, p0  }
0x20: {  	[sflag:s8] =	ssyncset.s32 @!p0 $0xFFFFF086;
	s6 =	sadd.s32 @!p0 s3, s7;
	s7 =	simm.s32 @!p0 $0x108  }
0x21: {  	s3 =	sadd.s32 s3, s9;
	s6 =	sadd.s32 @!p0 $0x88, s6;
	s7 =	simm.s32 @p2 $0x1082  }
0x22: {  	[simem:s7], [sflag:s8] =	dma.local @!p0 [hbm:s6], $0xF7A  }
0x23: {  	s9 =	sor.u32 $0xD0000000, s2;
	s6 =	simm.s32 $0x108;
	_ =	swait.ge @!p0 [sflag:s8], $0x0  }
0x24: {  	s3 =	sadd.s32 $0x88, s3;
	s6 =	simm.s32 @!p1 $0x1082;
	[sflag:s4] =	ssyncset.s32 $0xFFFFF086  }
0x25: {  	[simem:s6], [sflag:s4] =	dma.local [hbm:s3], $0xF7A  }
0x26: {  	[smem:$0x3F96] =	sst s1;
	(tag) =	ssettag s2;
	_ =	strace s9  }
0x27: {  	s1 =	sld [smem:$0x3FA6]  }
0x28: {  	s2 =	sld [smem:$0x3FA7]  }
0x29: {  	s4 =	sld [smem:$0x3FA9]  }
0x2a: {  	p0 =	seq.s32 s5, $0x0;
	s5 =	sld [smem:$0x3FAA]  }
0x2b: {  	s6 =	sld [smem:$0x3FAB]  }
0x2c: {  	s7 =	sld [smem:$0x3FAC]  }
0x2d: {  	s3 =	simm.s32 $0x108;
	s8 =	sld [smem:$0x3FAD]  }
0x2e: {  	s3 =	simm.s32 @!p0 $0x1082;
	s9 =	sld [smem:$0x3FAE]  }
0x2f: {  	lr =	sadd.s32 s0, s3;
	s0 =	sld [smem:$0x3FA5]  }
0x30: {  	s3 =	sld [smem:$0x3FA8]  }
0x31: {  	[smem:$0x3FB1] =	sst s10  }
0x32: {  	s10 =	sld [smem:$0x3FAF];
	_ =	sdelay $0x3  }
0x33: {  	p0 =	seq.s32 s10, $0x1;
	s10 =	sld [smem:$0x3FB1];
	_ =	sdelay $0x3  }
0x34: {  	[smem:$0x3FB1] =	sst s10  }
0x35: {  	s10 =	sld [smem:$0x3FB0];
	_ =	sdelay $0x3  }
0x36: {  	p1 =	seq.s32 s10, $0x1;
	s10 =	sld [smem:$0x3FB1];
	_ =	sdelay $0x3  }
0x37: {  	[smem:$0x3FB1] =	sst s10  }
0x38: {  	s10 =	sld [smem:$0x3FB2]  }
0x39: {  	_ = 	snop;
	(pc) =	sbr.ind lr, $3  }
0x3a: {  	_ = 	snop  }
0x3b: {  	_ = 	snop  }
0x3c: {  	p2 =	seq.s32 s10, $0x1;
	s10 =	sld [smem:$0x3FB1]  }
0x3d: {  	_ =	shalt  }
0x3e: {  	_ =	shalt  }
0x3f: {  	_ =	shalt  }
0x40: {  	_ =	shalt  }
0x41: {  	_ =	shalt  }
0x42: {  	_ =	shalt  }
0x43: {  	_ =	shalt  }
0x44: {  	_ =	shalt  }
0x45: {  	_ =	shalt  }
0x46: {  	_ =	shalt  }
0x47: {  	_ =	shalt  }
0x48: {  	_ =	shalt  }
0x49: {  	_ =	shalt  }
0x4a: {  	_ =	shalt  }
0x4b: {  	_ =	shalt  }
0x4c: {  	_ =	shalt  }
0x4d: {  	_ =	shalt  }
0x4e: {  	_ =	shalt  }
0x4f: {  	_ =	shalt  }
0x50: {  	_ =	shalt  }
0x51: {  	_ =	shalt  }
0x52: {  	_ =	shalt  }
0x53: {  	_ =	shalt  }
0x54: {  	_ =	shalt  }
0x55: {  	_ =	shalt  }
0x56: {  	_ =	shalt  }
0x57: {  	_ =	shalt  }
0x58: {  	_ =	shalt  }
0x59: {  	_ =	shalt  }
0x5a: {  	_ =	shalt  }
0x5b: {  	_ =	shalt  }
0x5c: {  	_ =	shalt  }
0x5d: {  	_ =	shalt  }
0x5e: {  	_ =	shalt  }
0x5f: {  	_ =	shalt  }
0x60: {  	_ =	shalt  }
0x61: {  	_ =	shalt  }
0x62: {  	_ =	shalt  }
0x63: {  	_ =	shalt  }
0x64: {  	_ =	shalt  }
0x65: {  	_ =	shalt  }
0x66: {  	_ =	shalt  }
0x67: {  	_ =	shalt  }
0x68: {  	_ =	shalt  }
0x69: {  	_ =	shalt  }
0x6a: {  	_ =	shalt  }
0x6b: {  	_ =	shalt  }
0x6c: {  	_ =	shalt  }
0x6d: {  	_ =	shalt  }
0x6e: {  	_ =	shalt  }
0x6f: {  	_ =	shalt  }
0x70: {  	_ =	shalt  }
0x71: {  	_ =	shalt  }
0x72: {  	_ =	shalt  }
0x73: {  	_ =	shalt  }
0x74: {  	_ =	shalt  }
0x75: {  	_ =	shalt  }
0x76: {  	_ =	shalt  }
0x77: {  	_ =	shalt  }
0x78: {  	_ =	shalt  }
0x79: {  	_ =	shalt  }
0x7a: {  	_ =	shalt  }
0x7b: {  	_ =	shalt  }
0x7c: {  	_ =	shalt  }
0x7d: {  	_ =	shalt  }
0x7e: {  	_ =	shalt  }
0x7f: {  	_ =	shalt  }
0x80: {  	_ =	shalt  }
0x81: {  	_ =	shalt  }
0x82: {  	_ =	shalt  }
0x83: {  	_ =	shalt  }
0x84: {  	_ =	shalt  }
0x85: {  	_ =	shalt  }
0x86: {  	_ =	shalt  }
0x87: {  	_ =	shalt  }
.Lfunc_end0:
.L_simem_size_0:
called_computation_lowered:
.L_overlay_start_0:
0x88: {  	s2 =	sld [smem:$0x3FD9]  }
0x89: {  	s3 =	sld [smem:$0x3FFE];
	_ =	sdelay $0x1  }
0x8a: {  	s1 =	srdreg.scid  }
0x8b: {  	s0 =	sand.u32 $0x1, s1  }
0x8c: {  	s16 =	sshll.u32 s0, $0xA;
	s2 =	sadd.s32 s3, s2  }
0x8d: {  	s2 =	sadd.s32 s2, s16  }
0x8e: {  	[smem:$0x3FBD] =	sst s2  }
0x8f: {  	_ = 	snop  }
0x90: {  	(tm) =	ssettm $0x1  }
0x91: {  	s17 =	sld [smem:$0x3FFB];
	_ =	sdelay $0x3  }
0x92: {  	_ =	strace s17  }
0x93: {  	s2 =	sld [smem:$0x3FFC];
	_ =	sdelay $0x3  }
0x94: {  	_ =	strace s2  }
0x95: {  	s2 =	sld [smem:$0x3FFD];
	_ =	sdelay $0x3  }
0x96: {  	_ =	strace s2  }
0x97: {  	_ =	strace $0x8FFFFFFF  }
0x98: {  	s18 =	sld [smem:$0x3FDB];
	_ =	sdelay $0x1  }
0x99: {  	s19 =	simm.s32 $_scs_section_size  }
0x9a: {  	s4 =	simm.s32 $_size__tile_overlayer_lowered;
	s5 =	simm.s32 $_tile_overlayer_lowered  }
0x9b: {  	s22 =	simm.s32 $0x1BFF;
	s21 =	sshll.u32 s5, $0x1;
	s2 =	sadd.s32 s19, s18  }
0x9c: {  	s6 =	simm.s32 $0x0;
	s20 =	sshll.u32 s4, $0x1;
	s4 =	sadd.s32 s21, s2  }
0x9d: {  	[timem:s6], [sflag:s22] =	dma.local [hbm:s4], s20  }
0x9e: {  	_ =	swait.ge [sflag:s22], s20  }
0x9f: {  	s3 =	ssub.s32 $0x0, s20;
	[sflag:s22] =	ssyncset.done $0x0  }
0xa0: {  	[sflag:s22] =	ssyncadd.s32 s3;
	_ =	sdelay $0x1  }
0xa1: {  	s23 =	simm.s32 $0x1B8B  }
0xa2: {  	_ =	swait.ge [sflag:s23], $0x1  }
0xa3: {  	[sflag:s23] =	ssyncset.done $0x0  }
0xa4: {  	s25 =	simm.s32 $0x1B8E;
	s24 =	sld [smem:$0x3FFE];
	[sflag:s23] =	ssyncadd.s32 $0xFFFFFFFF  }
0xa5: {  	s26 =	simm.s32 $execute0_lowered;
	[smem:$0x3FD2] =	sst s25  }
0xa6: {  	s4 =	sshll.u32 s26, $0x1;
	_ =	strace $0x80000046;
	[dreg:$0x1] =	wrdreg $0xFFFFFFFF  }
0xa7: {  	s28 =	simm.s32 $_size_execute0_lowered;
	s2 =	sadd.s32 s2, s4;
	[dreg:$0x0] =	wrdreg $0x0  }
0xa8: {  	s4 =	sshll.u32 s28, $0x1;
	[dreg:$0x2] =	wrdreg s2  }
0xa9: {  	[dreg:$0x3] =	wrdreg s4  }
0xaa: {  	[dreg:$0x4] =	wrdreg $0xC0  }
0xab: {  	_ =	task [dreg:s6], $0x5FFFF  }
0xac: {  	[dreg:$0x1] =	wrdreg $0xFFFFFFFF  }
0xad: {  	[dreg:$0x0] =	wrdreg $0x60  }
0xae: {  	[dreg:$0x2] =	wrdreg s24  }
0xaf: {  	[dreg:$0x3] =	wrdreg $0x9  }
0xb0: {  	_ =	task.clear_ibuf [dreg:s6], $0x4FFFF;
	_ =	strace $0x90000046  }
0xb1: {  	s29 =	simm.s32 $0x9;
	_ =	strace $0x80000048  }
0xb2: {  	_ =	swait.ge [sflag:s29], $0x1  }
0xb3: {  	[sflag:s29] =	ssyncadd.s32 $0xFFFFFFFF  }
0xb4: {  	_ =	strace $0x90000048  }
0xb5: {  	_ =	sfence  }
0xb6: {  	s30 =	sld [smem:$0x0];
	_ =	sdelay $0x2  }
0xb7: {  	s31 =	sshll.u32 s1, $0xD;
	s1 =	sshrl.u32 s1, $0x2  }
0xb8: {  	s3 =	sand.u32 $0x4000, s31;
	s1 =	sadd.s32 s1, s30  }
0xb9: {  	s0 =	sor.u32 s3, s0;
	s1 =	sshll.u32 s1, $0x11  }
0xba: {  	s0 =	sor.u32 s1, s0  }
0xbb: {  	s0 =	sadd.s32 $0x8F2B, s0  }
0xbc: {  	[sflag:s0] =	ssyncadd.remote.s32 $0x1  }
0xbd: {  	_ =	sfence.sel $0xFFFF  }
0xbe: {  	[dreg:$0x0] =	wrdreg $0xFFFFFFFF;
	(pc) =	sbr.abs _section_cstart, $3  }
0xbf: {  	[dreg:$0x1] =	wrdreg $0xFFFFFFFF  }
0xc0: {  	_ =	task.clear_ibuf [dreg:s6], $0x2FFFF;
	_ =	strace $0x9FFFFFFF  }
0xc1: {  	(tm) =	ssettm $0x7FFFFFFF  }
tec
execute0_lowered:
.L_overlay_start_1:
0x0: {  	(tag) =	ssettag $0x1  }
0x1: {  	s4 =	rddreg [dreg:$0x0]  }
0x2: {  	s0 =	rddreg [dreg:$0x1];
	s3 =	srdreg.scid  }
0x3: {  	s1 =	stileid.u32;
	s2 =	simm.s32 $0x0;
	s9 =	simm.s32 $0x1A00  }
0x4: {  	s10 =	simm.s32 $0x3400;
	s11 =	simm.s32 $0xD0;
	s12 =	simm.s32 $0x4E00  }
0x5: {  	s13 =	simm.s32 $0x138;
	s14 =	simm.s32 $0x6800;
	s15 =	simm.s32 $0x1  }
0x6: {  	s16 =	simm.s32 $0x2;
	s17 =	simm.s32 $0x3;
	s18 =	simm.s32 $0x4  }
0x7: {  	s19 =	simm.s32 $0x8200;
	s20 =	simm.s32 $0x0;
	s5 =	sand.u32 $0x1, s3  }
0x8: {  	s30 =	sshll.u32 s1, $0x1;
	[smem:$0x7FF] =	sst s2;
	s3 =	sadd.s32 $0x188800, s4  }
.Ltmp0:
0x9: {  	s6 =	sor.u32 s5, s30;
	s5 =	ssub.s32 $0x2, s5;
	(pc) =	sbr.rel .LBB2_1-.Ltmp0, $4  }
0xa: {  	s7 =	smul.u32 $0x340, s6;
	s6 =	sshll.u32 s6, $0xA;
	s31 =	sshrl.u32 s5, $0x1  }
0xb: {  	_ =	strace $0x80000047;
	s6 =	sadd.s32 s6, s4;
	s8 =	ssub.s32 s5, s31  }
0xc: {  	s7 =	sadd.s32 s7, s4;
	s5 =	sadd.s32 $0x8600, s6;
	s6 =	smax.u32 s8, $0x1  }
0xd: {  	s8 =	simm.s32 $0x68;
	s4 =	sadd.s32 $0x1E00, s7;
	s7 =	simm.s32 $0x5  }
.LBB2_20:
0xe: {  	s20 =	sadd.s32 $0x1, s20  }
0xf: {  	p0 =	sne.s32 s20, s6  }
.Ltmp1:
0x10: {  	_ = 	snop;
	(pc) =	sbr.rel @!p0 .LBB2_21-.Ltmp1, $4  }
0x11: {  	[hbm4b:s5+s2] =	stream.linear.scatter [tilespmem:s19], [sflag:$0x5], $0x2000, $0x38;
	[tilespmem:$0xA200] =	vst v63  }
0x12: {  	_ =	swait.ge [sflag:s7], $0x2000  }
0x13: {  	[sflag:s7] =	ssyncset.done $0x0  }
0x14: {  	[sflag:s7] =	ssyncadd.s32 $0xFFFFE000  }
.LBB2_1:
0x15: {  	[tilespmem:s2], [sflag:$0x5] =	stream.linear.gather [hbm4b:s4+s2], $0x1A00, $0x38;
	[tilespmem:$0xA200] =	vst v63  }
0x16: {  	_ =	swait.ge [sflag:s7], $0x1A00  }
0x17: {  	[sflag:s7] =	ssyncset.done $0x0  }
0x18: {  	[sflag:s7] =	ssyncadd.s32 $0xFFFFE600  }
0x19: {  	[tilespmem:s9], [sflag:$0x1] =	stream.indirect.gather [hbm4b:s3+s8], $0x40, s2, s8, $0xb8;
	[tilespmem:$0xA200] =	vst v63  }
0x1a: {  	_ = 	snop  }
0x1b: {  	[tilespmem:s10], [sflag:$0x2] =	stream.indirect.gather [hbm4b:s3+s8], $0x40, s8, s8, $0xb8;
	[tilespmem:$0xA200] =	vst v63  }
0x1c: {  	_ = 	snop  }
0x1d: {  	[tilespmem:s12], [sflag:$0x3] =	stream.indirect.gather [hbm4b:s3+s8], $0x40, s11, s8, $0xb8;
	[tilespmem:$0xA200] =	vst v63  }
0x1e: {  	s21 =	simm.s32 $0x0  }
0x1f: {  	[tilespmem:s14], [sflag:$0x4] =	stream.indirect.gather [hbm4b:s3+s8], $0x40, s13, s8, $0xb8;
	[tilespmem:$0xA200] =	vst v63  }
.LBB2_2:
0x20: {  	_ =	swait.ge [sflag:s15], $0x1A00  }
0x21: {  	[sflag:s15] =	ssyncset.done $0x0  }
0x22: {  	s23 =	simm.s32 $0x1B40;
	[sflag:s15] =	ssyncadd.s32 $0xFFFFE600  }
0x23: {  	v0 =	vld [tilespmem:s23+$0x100]  }
0x24: {  	v1 =	vld [tilespmem:s23+$0x110]  }
0x25: {  	v2 =	vld [tilespmem:s23+$0xC0]  }
0x26: {  	v3 =	vld [tilespmem:s23+$0xD0]  }
0x27: {  	v9 =	vld [tilespmem:s23+$0x80]  }
0x28: {  	v12 =	vld [tilespmem:s23+$0x90]  }
0x29: {  	v6 =	vld [tilespmem:s23+$0x40]  }
0x2a: {  	v8 =	vld [tilespmem:s23+$0x50]  }
0x2b: {  	v5 =	vld [tilespmem:s23+$0x0]  }
0x2c: {  	v7 =	vld [tilespmem:s23+$0x10]  }
0x2d: {  	v4 =	vld [tilespmem:s23+$0xFFFFFFC0]  }
0x2e: {  	v10 =	vld [tilespmem:s23+$0xFFFFFFD0]  }
0x2f: {  	v11 =	vld [tilespmem:s23+$0xFFFFFF80]  }
0x30: {  	v13 =	vld [tilespmem:s23+$0xFFFFFF90]  }
0x31: {  	v14 =	vld [tilespmem:s23+$0xFFFFFF40]  }
0x32: {  	v15 =	vld [tilespmem:s23+$0xFFFFFF50]  }
0x33: {  	v16 =	vld [tilespmem:s23+$0xFFFFFF00]  }
0x34: {  	v17 =	vld [tilespmem:s23+$0xFFFFFF10]  }
0x35: {  	v18 =	vld [tilespmem:s23+$0xFFFFFEC0]  }
0x36: {  	v19 =	vld [tilespmem:s23+$0xFFFFFED0]  }
0x37: {  	v20 =	vld [tilespmem:s23+$0xFFFFFEE0]  }
0x38: {  	v21 =	vld [tilespmem:s23+$0xFFFFFEF0]  }
0x39: {  	v22 =	vld [tilespmem:s23+$0xFFFFFF20]  }
0x3a: {  	v23 =	vld [tilespmem:s23+$0xFFFFFF30]  }
0x3b: {  	v24 =	vimm.f32 $0.0e+00;
	v25 =	vld [tilespmem:s23+$0xFFFFFF60]  }
0x3c: {  	v26 =	vld [tilespmem:s23+$0xFFFFFF70];
	v18 =	vadd.f32 v18, v24;
	v19 =	vadd.f32 v19, v24  }
0x3d: {  	v51 =	vld [tilespmem:s23+$0xFFFFFFA0];
	v20 =	vadd.f32 v20, v24;
	v21 =	vadd.f32 v21, v24  }
0x3e: {  	v52 =	vld [tilespmem:s23+$0xFFFFFFB0];
	v16 =	vadd.f32 v16, v18;
	v17 =	vadd.f32 v17, v19  }
0x3f: {  	v55 =	vld [tilespmem:s23+$0xFFFFFFE0];
	v53 =	vadd.f32 v22, v20;
	v54 =	vadd.f32 v23, v21  }
0x40: {  	v56 =	vld [tilespmem:s23+$0xFFFFFFF0];
	v14 =	vadd.f32 v14, v16;
	v15 =	vadd.f32 v15, v17  }
0x41: {  	v59 =	vld [tilespmem:s23+$0x20];
	v57 =	vadd.f32 v25, v53;
	v58 =	vadd.f32 v26, v54  }
0x42: {  	v11 =	vadd.f32 v11, v14;
	v13 =	vadd.f32 v13, v15;
	v14 =	vld [tilespmem:s23+$0x30]  }
0x43: {  	v61 =	vld [tilespmem:s23+$0x60];
	v15 =	vadd.f32 v51, v57;
	v60 =	vadd.f32 v52, v58  }
0x44: {  	v11 =	vadd.f32 v4, v11;
	v10 =	vadd.f32 v10, v13;
	v13 =	vld [tilespmem:s23+$0x70]  }
0x45: {  	v15 =	vadd.f32 v55, v15;
	v16 =	vadd.f32 v56, v60;
	v4 =	vld [tilespmem:s23+$0xA0]  }
0x46: {  	v11 =	vadd.f32 v5, v11;
	v10 =	vadd.f32 v7, v10;
	v7 =	vld [tilespmem:s23+$0xB0]  }
0x47: {  	v15 =	vadd.f32 v59, v15;
	v5 =	vld [tilespmem:s23+$0xE0];
	v14 =	vadd.f32 v14, v16  }
0x48: {  	v62 =	vadd.f32 v6, v11;
	v63 =	vadd.f32 v8, v10;
	v8 =	vld [tilespmem:s23+$0xF0]  }
0x49: {  	v11 =	vadd.f32 v61, v15;
	v6 =	vld [tilespmem:s23+$0x120];
	v10 =	vadd.f32 v13, v14  }
0x4a: {  	s22 =	simm.s32 $0x0;
	v13 =	vadd.f32 v9, v62;
	v12 =	vadd.f32 v12, v63;
	v9 =	vld [tilespmem:s23+$0x130];
	s23 =	simm.s32 $0x1DC0  }
.LBB2_3:
0x4b: {  	v14 =	vld [tilespmem:s23+$0x100];
	v4 =	vadd.f32 v4, v11;
	v7 =	vadd.f32 v7, v10  }
0x4c: {  	v10 =	vld [tilespmem:s23+$0x110];
	v11 =	vadd.f32 v2, v13;
	v12 =	vadd.f32 v3, v12  }
0x4d: {  	v2 =	vld [tilespmem:s23+$0xC0];
	v4 =	vadd.f32 v5, v4;
	v5 =	vadd.f32 v8, v7  }
0x4e: {  	v3 =	vld [tilespmem:s23+$0xD0];
	v7 =	vadd.f32 v0, v11;
	v8 =	vadd.f32 v1, v12  }
0x4f: {  	v12 =	vld [tilespmem:s23+$0x80];
	v4 =	vadd.f32 v6, v4;
	v5 =	vadd.f32 v9, v5  }
0x50: {  	v9 =	vld [tilespmem:s23+$0x90];
	v0 =	vmov v14  }
0x51: {  	v6 =	vld [tilespmem:s23+$0x40];
	v1 =	vmov v10  }
0x52: {  	v10 =	vld [tilespmem:s23+$0x50]  }
0x53: {  	v11 =	vld [tilespmem:s23+$0x0]  }
0x54: {  	v13 =	vld [tilespmem:s23+$0x10]  }
0x55: {  	v14 =	vld [tilespmem:s23+$0xFFFFFFC0]  }
0x56: {  	v15 =	vld [tilespmem:s23+$0xFFFFFFD0]  }
0x57: {  	v16 =	vld [tilespmem:s23+$0xFFFFFF80]  }
0x58: {  	v17 =	vld [tilespmem:s23+$0xFFFFFF90]  }
0x59: {  	v18 =	vld [tilespmem:s23+$0xFFFFFF40]  }
0x5a: {  	v19 =	vld [tilespmem:s23+$0xFFFFFF50]  }
0x5b: {  	v20 =	vld [tilespmem:s23+$0xFFFFFF00]  }
0x5c: {  	v21 =	vld [tilespmem:s23+$0xFFFFFF10]  }
0x5d: {  	v22 =	vld [tilespmem:s23+$0xFFFFFEC0]  }
0x5e: {  	v23 =	vld [tilespmem:s23+$0xFFFFFED0]  }
0x5f: {  	v24 =	vld [tilespmem:s23+$0xFFFFFEE0]  }
0x60: {  	s22 =	sadd.s32 $0xA, s22;
	v25 =	vld [tilespmem:s23+$0xFFFFFEF0]  }
0x61: {  	p0 =	slt.u32 s22, $0x28;
	v26 =	vld [tilespmem:s23+$0xFFFFFF20]  }
0x62: {  	v27 =	vld [tilespmem:s23+$0xFFFFFF30]  }
0x63: {  	v28 =	vld [tilespmem:s23+$0xFFFFFF60]  }
0x64: {  	v7 =	vadd.f32 v22, v7;
	v8 =	vadd.f32 v23, v8;
	v22 =	vld [tilespmem:s23+$0xFFFFFF70]  }
0x65: {  	v4 =	vadd.f32 v24, v4;
	v5 =	vadd.f32 v25, v5;
	v23 =	vld [tilespmem:s23+$0xFFFFFFA0]  }
0x66: {  	v7 =	vadd.f32 v20, v7;
	v8 =	vadd.f32 v21, v8;
	v20 =	vld [tilespmem:s23+$0xFFFFFFB0]  }
0x67: {  	v4 =	vadd.f32 v26, v4;
	v5 =	vadd.f32 v27, v5;
	v21 =	vld [tilespmem:s23+$0xFFFFFFE0]  }
0x68: {  	v7 =	vadd.f32 v18, v7;
	v8 =	vadd.f32 v19, v8;
	v18 =	vld [tilespmem:s23+$0xFFFFFFF0]  }
0x69: {  	v4 =	vadd.f32 v28, v4;
	v5 =	vadd.f32 v22, v5;
	v19 =	vld [tilespmem:s23+$0x20]  }
0x6a: {  	v7 =	vadd.f32 v16, v7;
	v8 =	vadd.f32 v17, v8;
	v16 =	vld [tilespmem:s23+$0x30]  }
0x6b: {  	v4 =	vadd.f32 v23, v4;
	v5 =	vadd.f32 v20, v5;
	v17 =	vld [tilespmem:s23+$0x60]  }
0x6c: {  	v7 =	vadd.f32 v14, v7;
	v8 =	vadd.f32 v15, v8;
	v14 =	vld [tilespmem:s23+$0x70]  }
0x6d: {  	v15 =	vadd.f32 v21, v4;
	v5 =	vadd.f32 v18, v5;
	v4 =	vld [tilespmem:s23+$0xA0]  }
.Ltmp2:
0x6e: {  	v11 =	vadd.f32 v11, v7;
	v8 =	vadd.f32 v13, v8;
	v7 =	vld [tilespmem:s23+$0xB0];
	(pc) =	sbr.rel @p0 .LBB2_3-.Ltmp2, $4  }
0x6f: {  	v13 =	vadd.f32 v19, v15;
	v15 =	vadd.f32 v16, v5;
	v5 =	vld [tilespmem:s23+$0xE0]  }
0x70: {  	v16 =	vadd.f32 v6, v11;
	v18 =	vadd.f32 v10, v8;
	v8 =	vld [tilespmem:s23+$0xF0]  }
0x71: {  	v11 =	vadd.f32 v17, v13;
	v10 =	vadd.f32 v14, v15;
	v6 =	vld [tilespmem:s23+$0x120]  }
0x72: {  	v13 =	vadd.f32 v12, v16;
	v12 =	vadd.f32 v9, v18;
	v9 =	vld [tilespmem:s23+$0x130];
	s23 =	sadd.s32 $0x280, s23  }
0x73: {  	_ = 	snop  }
0x74: {  	v4 =	vadd.f32 v4, v11;
	v2 =	vadd.f32 v2, v13  }
0x75: {  	v7 =	vadd.f32 v7, v10;
	v3 =	vadd.f32 v3, v12  }
0x76: {  	s22 =	sshll.u32 s21, $0xB;
	v4 =	vadd.f32 v5, v4;
	v0 =	vadd.f32 v0, v2  }
0x77: {  	s22 =	sshra.s32 s22, $0x2;
	v2 =	vadd.f32 v8, v7;
	v1 =	vadd.f32 v1, v3  }
0x78: {  	v3 =	vadd.f32 v6, v4;
	[tilespmem:s22+$0x8200] =	vst v0  }
0x79: {  	v0 =	vadd.f32 v9, v2;
	[tilespmem:s22+$0x8210] =	vst v1  }
0x7a: {  	[tilespmem:s22+$0x8220] =	vst v3  }
0x7b: {  	s24 =	simm.s32 $0x2970;
	[tilespmem:s22+$0x8230] =	vst v0  }
0x7c: {  	v0 =	vld [tilespmem:s24+$0xFFFFFFD0]  }
0x7d: {  	v1 =	vld [tilespmem:s24+$0xFFFFFFE0]  }
0x7e: {  	v2 =	vld [tilespmem:s24+$0xFFFFFF90]  }
0x7f: {  	v3 =	vld [tilespmem:s24+$0xFFFFFFA0]  }
0x80: {  	v9 =	vld [tilespmem:s24+$0xFFFFFF50]  }
0x81: {  	v12 =	vld [tilespmem:s24+$0xFFFFFF60]  }
0x82: {  	v6 =	vld [tilespmem:s24+$0xFFFFFF10]  }
0x83: {  	v8 =	vld [tilespmem:s24+$0xFFFFFF20]  }
0x84: {  	v5 =	vld [tilespmem:s24+$0xFFFFFED0]  }
0x85: {  	v7 =	vld [tilespmem:s24+$0xFFFFFEE0]  }
0x86: {  	v4 =	vld [tilespmem:s24+$0xFFFFFE90]  }
0x87: {  	v10 =	vld [tilespmem:s24+$0xFFFFFEA0]  }
0x88: {  	v11 =	vld [tilespmem:s24+$0xFFFFFE50]  }
0x89: {  	v13 =	vld [tilespmem:s24+$0xFFFFFE60]  }
0x8a: {  	v14 =	vld [tilespmem:s24+$0xFFFFFE10]  }
0x8b: {  	v15 =	vld [tilespmem:s24+$0xFFFFFE20]  }
0x8c: {  	v16 =	vld [tilespmem:s24+$0xFFFFFDD0]  }
0x8d: {  	v17 =	vld [tilespmem:s24+$0xFFFFFDE0]  }
0x8e: {  	v18 =	vld [tilespmem:s24+$0xFFFFFD90]  }
0x8f: {  	v19 =	vld [tilespmem:s24+$0xFFFFFDA0]  }
0x90: {  	v20 =	vld [tilespmem:s24+$0xFFFFFDB0]  }
0x91: {  	v21 =	vld [tilespmem:s24+$0xFFFFFDC0]  }
0x92: {  	v22 =	vld [tilespmem:s24+$0xFFFFFDF0]  }
0x93: {  	v23 =	vld [tilespmem:s24+$0xFFFFFE00]  }
0x94: {  	v24 =	vimm.f32 $0.0e+00;
	v25 =	vld [tilespmem:s24+$0xFFFFFE30]  }
0x95: {  	v26 =	vld [tilespmem:s24+$0xFFFFFE40];
	v18 =	vadd.f32 v18, v24;
	v19 =	vadd.f32 v19, v24  }
0x96: {  	v51 =	vld [tilespmem:s24+$0xFFFFFE70];
	v20 =	vadd.f32 v20, v24;
	v21 =	vadd.f32 v21, v24  }
0x97: {  	v52 =	vld [tilespmem:s24+$0xFFFFFE80];
	v16 =	vadd.f32 v16, v18;
	v17 =	vadd.f32 v17, v19  }
0x98: {  	v55 =	vld [tilespmem:s24+$0xFFFFFEB0];
	v53 =	vadd.f32 v22, v20;
	v54 =	vadd.f32 v23, v21  }
0x99: {  	v56 =	vld [tilespmem:s24+$0xFFFFFEC0];
	v14 =	vadd.f32 v14, v16;
	v15 =	vadd.f32 v15, v17  }
0x9a: {  	v59 =	vld [tilespmem:s24+$0xFFFFFEF0];
	v57 =	vadd.f32 v25, v53;
	v58 =	vadd.f32 v26, v54  }
0x9b: {  	v11 =	vadd.f32 v11, v14;
	v13 =	vadd.f32 v13, v15;
	v14 =	vld [tilespmem:s24+$0xFFFFFF00]  }
0x9c: {  	v61 =	vld [tilespmem:s24+$0xFFFFFF30];
	v15 =	vadd.f32 v51, v57;
	v60 =	vadd.f32 v52, v58  }
0x9d: {  	v11 =	vadd.f32 v4, v11;
	v10 =	vadd.f32 v10, v13;
	v13 =	vld [tilespmem:s24+$0xFFFFFF40]  }
0x9e: {  	v15 =	vadd.f32 v55, v15;
	v16 =	vadd.f32 v56, v60;
	v4 =	vld [tilespmem:s24+$0xFFFFFF70]  }
0x9f: {  	v11 =	vadd.f32 v5, v11;
	v10 =	vadd.f32 v7, v10;
	v7 =	vld [tilespmem:s24+$0xFFFFFF80]  }
0xa0: {  	v15 =	vadd.f32 v59, v15;
	v5 =	vld [tilespmem:s24+$0xFFFFFFB0];
	v14 =	vadd.f32 v14, v16  }
0xa1: {  	v62 =	vadd.f32 v6, v11;
	v63 =	vadd.f32 v8, v10;
	v8 =	vld [tilespmem:s24+$0xFFFFFFC0]  }
0xa2: {  	v11 =	vadd.f32 v61, v15;
	v6 =	vld [tilespmem:s24+$0xFFFFFFF0];
	v10 =	vadd.f32 v13, v14  }
0xa3: {  	s23 =	simm.s32 $0x0;
	v13 =	vadd.f32 v9, v62;
	v12 =	vadd.f32 v12, v63;
	v9 =	vld [tilespmem:s24+$0x0];
	s24 =	simm.s32 $0x2BF0  }
.LBB2_5:
0xa4: {  	v14 =	vld [tilespmem:s24+$0xFFFFFFD0];
	v4 =	vadd.f32 v4, v11;
	v7 =	vadd.f32 v7, v10  }
0xa5: {  	v10 =	vld [tilespmem:s24+$0xFFFFFFE0];
	v11 =	vadd.f32 v2, v13;
	v12 =	vadd.f32 v3, v12  }
0xa6: {  	v2 =	vld [tilespmem:s24+$0xFFFFFF90];
	v4 =	vadd.f32 v5, v4;
	v5 =	vadd.f32 v8, v7  }
0xa7: {  	v3 =	vld [tilespmem:s24+$0xFFFFFFA0];
	v7 =	vadd.f32 v0, v11;
	v8 =	vadd.f32 v1, v12  }
0xa8: {  	v12 =	vld [tilespmem:s24+$0xFFFFFF50];
	v4 =	vadd.f32 v6, v4;
	v5 =	vadd.f32 v9, v5  }
0xa9: {  	v9 =	vld [tilespmem:s24+$0xFFFFFF60];
	v0 =	vmov v14  }
0xaa: {  	v6 =	vld [tilespmem:s24+$0xFFFFFF10];
	v1 =	vmov v10  }
0xab: {  	v10 =	vld [tilespmem:s24+$0xFFFFFF20]  }
0xac: {  	v11 =	vld [tilespmem:s24+$0xFFFFFED0]  }
0xad: {  	v13 =	vld [tilespmem:s24+$0xFFFFFEE0]  }
0xae: {  	v14 =	vld [tilespmem:s24+$0xFFFFFE90]  }
0xaf: {  	v15 =	vld [tilespmem:s24+$0xFFFFFEA0]  }
0xb0: {  	v16 =	vld [tilespmem:s24+$0xFFFFFE50]  }
0xb1: {  	v17 =	vld [tilespmem:s24+$0xFFFFFE60]  }
0xb2: {  	v18 =	vld [tilespmem:s24+$0xFFFFFE10]  }
0xb3: {  	v19 =	vld [tilespmem:s24+$0xFFFFFE20]  }
0xb4: {  	v20 =	vld [tilespmem:s24+$0xFFFFFDD0]  }
0xb5: {  	v21 =	vld [tilespmem:s24+$0xFFFFFDE0]  }
0xb6: {  	v22 =	vld [tilespmem:s24+$0xFFFFFD90]  }
0xb7: {  	v23 =	vld [tilespmem:s24+$0xFFFFFDA0]  }
0xb8: {  	v24 =	vld [tilespmem:s24+$0xFFFFFDB0]  }
0xb9: {  	s23 =	sadd.s32 $0xA, s23;
	v25 =	vld [tilespmem:s24+$0xFFFFFDC0]  }
0xba: {  	p0 =	slt.u32 s23, $0x28;
	v26 =	vld [tilespmem:s24+$0xFFFFFDF0]  }
0xbb: {  	v27 =	vld [tilespmem:s24+$0xFFFFFE00]  }
0xbc: {  	v28 =	vld [tilespmem:s24+$0xFFFFFE30]  }
0xbd: {  	v7 =	vadd.f32 v22, v7;
	v8 =	vadd.f32 v23, v8;
	v22 =	vld [tilespmem:s24+$0xFFFFFE40]  }
0xbe: {  	v4 =	vadd.f32 v24, v4;
	v5 =	vadd.f32 v25, v5;
	v23 =	vld [tilespmem:s24+$0xFFFFFE70]  }
0xbf: {  	v7 =	vadd.f32 v20, v7;
	v8 =	vadd.f32 v21, v8;
	v20 =	vld [tilespmem:s24+$0xFFFFFE80]  }
0xc0: {  	v4 =	vadd.f32 v26, v4;
	v5 =	vadd.f32 v27, v5;
	v21 =	vld [tilespmem:s24+$0xFFFFFEB0]  }
0xc1: {  	v7 =	vadd.f32 v18, v7;
	v8 =	vadd.f32 v19, v8;
	v18 =	vld [tilespmem:s24+$0xFFFFFEC0]  }
0xc2: {  	v4 =	vadd.f32 v28, v4;
	v5 =	vadd.f32 v22, v5;
	v19 =	vld [tilespmem:s24+$0xFFFFFEF0]  }
0xc3: {  	v7 =	vadd.f32 v16, v7;
	v8 =	vadd.f32 v17, v8;
	v16 =	vld [tilespmem:s24+$0xFFFFFF00]  }
0xc4: {  	v4 =	vadd.f32 v23, v4;
	v5 =	vadd.f32 v20, v5;
	v17 =	vld [tilespmem:s24+$0xFFFFFF30]  }
0xc5: {  	v7 =	vadd.f32 v14, v7;
	v8 =	vadd.f32 v15, v8;
	v14 =	vld [tilespmem:s24+$0xFFFFFF40]  }
0xc6: {  	v15 =	vadd.f32 v21, v4;
	v5 =	vadd.f32 v18, v5;
	v4 =	vld [tilespmem:s24+$0xFFFFFF70]  }
.Ltmp3:
0xc7: {  	v11 =	vadd.f32 v11, v7;
	v8 =	vadd.f32 v13, v8;
	v7 =	vld [tilespmem:s24+$0xFFFFFF80];
	(pc) =	sbr.rel @p0 .LBB2_5-.Ltmp3, $4  }
0xc8: {  	v13 =	vadd.f32 v19, v15;
	v15 =	vadd.f32 v16, v5;
	v5 =	vld [tilespmem:s24+$0xFFFFFFB0]  }
0xc9: {  	v16 =	vadd.f32 v6, v11;
	v18 =	vadd.f32 v10, v8;
	v8 =	vld [tilespmem:s24+$0xFFFFFFC0]  }
0xca: {  	v11 =	vadd.f32 v17, v13;
	v10 =	vadd.f32 v14, v15;
	v6 =	vld [tilespmem:s24+$0xFFFFFFF0]  }
0xcb: {  	v13 =	vadd.f32 v12, v16;
	v12 =	vadd.f32 v9, v18;
	v9 =	vld [tilespmem:s24+$0x0];
	s24 =	sadd.s32 $0x280, s24  }
0xcc: {  	_ = 	snop  }
0xcd: {  	v4 =	vadd.f32 v4, v11;
	v2 =	vadd.f32 v2, v13  }
0xce: {  	v7 =	vadd.f32 v7, v10;
	v3 =	vadd.f32 v3, v12  }
0xcf: {  	v4 =	vadd.f32 v5, v4;
	v0 =	vadd.f32 v0, v2  }
0xd0: {  	p0 =	seq.s32 s21, $0xF;
	v2 =	vadd.f32 v8, v7;
	v1 =	vadd.f32 v1, v3  }
0xd1: {  	s23 =	smul.u32 @!p0 $0x680, s21;
	v3 =	vadd.f32 v6, v4;
	[tilespmem:s22+$0x8240] =	vst v0  }
0xd2: {  	v0 =	vadd.f32 v9, v2;
	[tilespmem:s22+$0x8250] =	vst v1  }
0xd3: {  	s23 =	sshra.s32 @!p0 s23, $0x2;
	[tilespmem:s22+$0x8260] =	vst v3  }
0xd4: {  	s25 =	simm.s32 @!p0 $0x68;
	s26 =	simm.s32 @!p0 $0x1A00;
	s24 =	sadd.s32 @!p0 $0x1A0, s23;
	[tilespmem:s22+$0x8270] =	vst v0  }
0xd5: {  	[tilespmem:s26], [sflag:$0x1] =	stream.indirect.gather @!p0 [hbm4b:s3+s25], $0x40, s24, s25, $0xb8;
	[tilespmem:$0xA200] =	vst v63  }
0xd6: {  	_ =	swait.ge [sflag:s16], $0x1A00  }
0xd7: {  	[sflag:s16] =	ssyncset.done $0x0  }
0xd8: {  	s31 =	simm.s32 $0x3540;
	[sflag:s16] =	ssyncadd.s32 $0xFFFFE600  }
0xd9: {  	v0 =	vld [tilespmem:s31+$0x100]  }
0xda: {  	v1 =	vld [tilespmem:s31+$0x110]  }
0xdb: {  	v2 =	vld [tilespmem:s31+$0xC0]  }
0xdc: {  	v3 =	vld [tilespmem:s31+$0xD0]  }
0xdd: {  	v9 =	vld [tilespmem:s31+$0x80]  }
0xde: {  	v12 =	vld [tilespmem:s31+$0x90]  }
0xdf: {  	v7 =	vld [tilespmem:s31+$0x40]  }
0xe0: {  	v8 =	vld [tilespmem:s31+$0x50]  }
0xe1: {  	v5 =	vld [tilespmem:s31+$0x0]  }
0xe2: {  	v6 =	vld [tilespmem:s31+$0x10]  }
0xe3: {  	v4 =	vld [tilespmem:s31+$0xFFFFFFC0]  }
0xe4: {  	v10 =	vld [tilespmem:s31+$0xFFFFFFD0]  }
0xe5: {  	v11 =	vld [tilespmem:s31+$0xFFFFFF80]  }
0xe6: {  	v13 =	vld [tilespmem:s31+$0xFFFFFF90]  }
0xe7: {  	v14 =	vld [tilespmem:s31+$0xFFFFFF40]  }
0xe8: {  	v15 =	vld [tilespmem:s31+$0xFFFFFF50]  }
0xe9: {  	v16 =	vld [tilespmem:s31+$0xFFFFFF00]  }
0xea: {  	v17 =	vld [tilespmem:s31+$0xFFFFFF10]  }
0xeb: {  	v18 =	vld [tilespmem:s31+$0xFFFFFEC0]  }
0xec: {  	v19 =	vld [tilespmem:s31+$0xFFFFFED0]  }
0xed: {  	v20 =	vld [tilespmem:s31+$0xFFFFFEE0]  }
0xee: {  	v21 =	vld [tilespmem:s31+$0xFFFFFEF0]  }
0xef: {  	v22 =	vld [tilespmem:s31+$0xFFFFFF20]  }
0xf0: {  	v23 =	vld [tilespmem:s31+$0xFFFFFF30]  }
0xf1: {  	v24 =	vimm.f32 $0.0e+00;
	v25 =	vld [tilespmem:s31+$0xFFFFFF60]  }
0xf2: {  	v26 =	vld [tilespmem:s31+$0xFFFFFF70];
	v18 =	vadd.f32 v18, v24;
	v19 =	vadd.f32 v19, v24  }
0xf3: {  	v51 =	vld [tilespmem:s31+$0xFFFFFFA0];
	v20 =	vadd.f32 v20, v24;
	v21 =	vadd.f32 v21, v24  }
0xf4: {  	v52 =	vld [tilespmem:s31+$0xFFFFFFB0];
	v16 =	vadd.f32 v16, v18;
	v17 =	vadd.f32 v17, v19  }
0xf5: {  	v55 =	vld [tilespmem:s31+$0xFFFFFFE0];
	v53 =	vadd.f32 v22, v20;
	v54 =	vadd.f32 v23, v21  }
0xf6: {  	v56 =	vld [tilespmem:s31+$0xFFFFFFF0];
	v14 =	vadd.f32 v14, v16;
	v15 =	vadd.f32 v15, v17  }
0xf7: {  	v59 =	vld [tilespmem:s31+$0x20];
	v57 =	vadd.f32 v25, v53;
	v58 =	vadd.f32 v26, v54  }
0xf8: {  	v11 =	vadd.f32 v11, v14;
	v13 =	vadd.f32 v13, v15;
	v14 =	vld [tilespmem:s31+$0x30]  }
0xf9: {  	v61 =	vld [tilespmem:s31+$0x60];
	v15 =	vadd.f32 v51, v57;
	v60 =	vadd.f32 v52, v58  }
0xfa: {  	v11 =	vadd.f32 v4, v11;
	v10 =	vadd.f32 v10, v13;
	v13 =	vld [tilespmem:s31+$0x70]  }
0xfb: {  	v15 =	vadd.f32 v55, v15;
	v16 =	vadd.f32 v56, v60;
	v4 =	vld [tilespmem:s31+$0xA0]  }
0xfc: {  	v11 =	vadd.f32 v5, v11;
	v10 =	vadd.f32 v6, v10;
	v6 =	vld [tilespmem:s31+$0xB0]  }
0xfd: {  	v15 =	vadd.f32 v59, v15;
	v5 =	vld [tilespmem:s31+$0xE0];
	v14 =	vadd.f32 v14, v16  }
0xfe: {  	v62 =	vadd.f32 v7, v11;
	v63 =	vadd.f32 v8, v10;
	v8 =	vld [tilespmem:s31+$0xF0]  }
0xff: {  	v11 =	vadd.f32 v61, v15;
	v7 =	vld [tilespmem:s31+$0x120];
	v10 =	vadd.f32 v13, v14  }
0x100: {  	s24 =	simm.s32 $0x0;
	s25 =	simm.s32 $0x37C0;
	v13 =	vadd.f32 v9, v62;
	v12 =	vadd.f32 v12, v63;
	v9 =	vld [tilespmem:s31+$0x130]  }
.LBB2_7:
0x101: {  	v14 =	vld [tilespmem:s25+$0x100];
	v4 =	vadd.f32 v4, v11;
	v6 =	vadd.f32 v6, v10  }
0x102: {  	v10 =	vld [tilespmem:s25+$0x110];
	v11 =	vadd.f32 v2, v13;
	v12 =	vadd.f32 v3, v12  }
0x103: {  	v2 =	vld [tilespmem:s25+$0xC0];
	v4 =	vadd.f32 v5, v4;
	v5 =	vadd.f32 v8, v6  }
0x104: {  	v3 =	vld [tilespmem:s25+$0xD0];
	v6 =	vadd.f32 v0, v11;
	v8 =	vadd.f32 v1, v12  }
0x105: {  	v12 =	vld [tilespmem:s25+$0x80];
	v4 =	vadd.f32 v7, v4;
	v5 =	vadd.f32 v9, v5  }
0x106: {  	v9 =	vld [tilespmem:s25+$0x90];
	v0 =	vmov v14  }
0x107: {  	v7 =	vld [tilespmem:s25+$0x40];
	v1 =	vmov v10  }
0x108: {  	v10 =	vld [tilespmem:s25+$0x50]  }
0x109: {  	v11 =	vld [tilespmem:s25+$0x0]  }
0x10a: {  	v13 =	vld [tilespmem:s25+$0x10]  }
0x10b: {  	v14 =	vld [tilespmem:s25+$0xFFFFFFC0]  }
0x10c: {  	v15 =	vld [tilespmem:s25+$0xFFFFFFD0]  }
0x10d: {  	v16 =	vld [tilespmem:s25+$0xFFFFFF80]  }
0x10e: {  	v17 =	vld [tilespmem:s25+$0xFFFFFF90]  }
0x10f: {  	v18 =	vld [tilespmem:s25+$0xFFFFFF40]  }
0x110: {  	v19 =	vld [tilespmem:s25+$0xFFFFFF50]  }
0x111: {  	v20 =	vld [tilespmem:s25+$0xFFFFFF00]  }
0x112: {  	v21 =	vld [tilespmem:s25+$0xFFFFFF10]  }
0x113: {  	v22 =	vld [tilespmem:s25+$0xFFFFFEC0]  }
0x114: {  	v23 =	vld [tilespmem:s25+$0xFFFFFED0]  }
0x115: {  	v24 =	vld [tilespmem:s25+$0xFFFFFEE0]  }
0x116: {  	s24 =	sadd.s32 $0xA, s24;
	v25 =	vld [tilespmem:s25+$0xFFFFFEF0]  }
0x117: {  	p1 =	slt.u32 s24, $0x28;
	v26 =	vld [tilespmem:s25+$0xFFFFFF20]  }
0x118: {  	v27 =	vld [tilespmem:s25+$0xFFFFFF30]  }
0x119: {  	v28 =	vld [tilespmem:s25+$0xFFFFFF60]  }
0x11a: {  	v6 =	vadd.f32 v22, v6;
	v8 =	vadd.f32 v23, v8;
	v22 =	vld [tilespmem:s25+$0xFFFFFF70]  }
0x11b: {  	v4 =	vadd.f32 v24, v4;
	v5 =	vadd.f32 v25, v5;
	v23 =	vld [tilespmem:s25+$0xFFFFFFA0]  }
0x11c: {  	v6 =	vadd.f32 v20, v6;
	v8 =	vadd.f32 v21, v8;
	v20 =	vld [tilespmem:s25+$0xFFFFFFB0]  }
0x11d: {  	v4 =	vadd.f32 v26, v4;
	v5 =	vadd.f32 v27, v5;
	v21 =	vld [tilespmem:s25+$0xFFFFFFE0]  }
0x11e: {  	v6 =	vadd.f32 v18, v6;
	v8 =	vadd.f32 v19, v8;
	v18 =	vld [tilespmem:s25+$0xFFFFFFF0]  }
0x11f: {  	v4 =	vadd.f32 v28, v4;
	v5 =	vadd.f32 v22, v5;
	v19 =	vld [tilespmem:s25+$0x20]  }
0x120: {  	v6 =	vadd.f32 v16, v6;
	v8 =	vadd.f32 v17, v8;
	v16 =	vld [tilespmem:s25+$0x30]  }
0x121: {  	v4 =	vadd.f32 v23, v4;
	v5 =	vadd.f32 v20, v5;
	v17 =	vld [tilespmem:s25+$0x60]  }
0x122: {  	v6 =	vadd.f32 v14, v6;
	v8 =	vadd.f32 v15, v8;
	v14 =	vld [tilespmem:s25+$0x70]  }
0x123: {  	v15 =	vadd.f32 v21, v4;
	v5 =	vadd.f32 v18, v5;
	v4 =	vld [tilespmem:s25+$0xA0]  }
.Ltmp4:
0x124: {  	v11 =	vadd.f32 v11, v6;
	v8 =	vadd.f32 v13, v8;
	v6 =	vld [tilespmem:s25+$0xB0];
	(pc) =	sbr.rel @p1 .LBB2_7-.Ltmp4, $4  }
0x125: {  	v13 =	vadd.f32 v19, v15;
	v15 =	vadd.f32 v16, v5;
	v5 =	vld [tilespmem:s25+$0xE0]  }
0x126: {  	v16 =	vadd.f32 v7, v11;
	v18 =	vadd.f32 v10, v8;
	v8 =	vld [tilespmem:s25+$0xF0]  }
0x127: {  	v11 =	vadd.f32 v17, v13;
	v10 =	vadd.f32 v14, v15;
	v7 =	vld [tilespmem:s25+$0x120]  }
0x128: {  	v13 =	vadd.f32 v12, v16;
	v12 =	vadd.f32 v9, v18;
	v9 =	vld [tilespmem:s25+$0x130];
	s25 =	sadd.s32 $0x280, s25  }
0x129: {  	_ = 	snop  }
0x12a: {  	v4 =	vadd.f32 v4, v11;
	v2 =	vadd.f32 v2, v13  }
0x12b: {  	v6 =	vadd.f32 v6, v10;
	v3 =	vadd.f32 v3, v12  }
0x12c: {  	v4 =	vadd.f32 v5, v4;
	v0 =	vadd.f32 v0, v2  }
0x12d: {  	v2 =	vadd.f32 v8, v6;
	v1 =	vadd.f32 v1, v3  }
0x12e: {  	v3 =	vadd.f32 v7, v4;
	[tilespmem:s22+$0x8280] =	vst v0  }
0x12f: {  	v0 =	vadd.f32 v9, v2;
	[tilespmem:s22+$0x8290] =	vst v1  }
0x130: {  	[tilespmem:s22+$0x82A0] =	vst v3  }
0x131: {  	s25 =	simm.s32 $0x4370;
	[tilespmem:s22+$0x82B0] =	vst v0  }
0x132: {  	v0 =	vld [tilespmem:s25+$0xFFFFFFD0]  }
0x133: {  	v1 =	vld [tilespmem:s25+$0xFFFFFFE0]  }
0x134: {  	v2 =	vld [tilespmem:s25+$0xFFFFFF90]  }
0x135: {  	v3 =	vld [tilespmem:s25+$0xFFFFFFA0]  }
0x136: {  	v9 =	vld [tilespmem:s25+$0xFFFFFF50]  }
0x137: {  	v12 =	vld [tilespmem:s25+$0xFFFFFF60]  }
0x138: {  	v7 =	vld [tilespmem:s25+$0xFFFFFF10]  }
0x139: {  	v8 =	vld [tilespmem:s25+$0xFFFFFF20]  }
0x13a: {  	v5 =	vld [tilespmem:s25+$0xFFFFFED0]  }
0x13b: {  	v6 =	vld [tilespmem:s25+$0xFFFFFEE0]  }
0x13c: {  	v4 =	vld [tilespmem:s25+$0xFFFFFE90]  }
0x13d: {  	v10 =	vld [tilespmem:s25+$0xFFFFFEA0]  }
0x13e: {  	v11 =	vld [tilespmem:s25+$0xFFFFFE50]  }
0x13f: {  	v13 =	vld [tilespmem:s25+$0xFFFFFE60]  }
0x140: {  	v14 =	vld [tilespmem:s25+$0xFFFFFE10]  }
0x141: {  	v15 =	vld [tilespmem:s25+$0xFFFFFE20]  }
0x142: {  	v16 =	vld [tilespmem:s25+$0xFFFFFDD0]  }
0x143: {  	v17 =	vld [tilespmem:s25+$0xFFFFFDE0]  }
0x144: {  	v18 =	vld [tilespmem:s25+$0xFFFFFD90]  }
0x145: {  	v19 =	vld [tilespmem:s25+$0xFFFFFDA0]  }
0x146: {  	v20 =	vld [tilespmem:s25+$0xFFFFFDB0]  }
0x147: {  	v21 =	vld [tilespmem:s25+$0xFFFFFDC0]  }
0x148: {  	v22 =	vld [tilespmem:s25+$0xFFFFFDF0]  }
0x149: {  	v23 =	vld [tilespmem:s25+$0xFFFFFE00]  }
0x14a: {  	v24 =	vimm.f32 $0.0e+00;
	v25 =	vld [tilespmem:s25+$0xFFFFFE30]  }
0x14b: {  	v26 =	vld [tilespmem:s25+$0xFFFFFE40];
	v18 =	vadd.f32 v18, v24;
	v19 =	vadd.f32 v19, v24  }
0x14c: {  	v51 =	vld [tilespmem:s25+$0xFFFFFE70];
	v20 =	vadd.f32 v20, v24;
	v21 =	vadd.f32 v21, v24  }
0x14d: {  	v52 =	vld [tilespmem:s25+$0xFFFFFE80];
	v16 =	vadd.f32 v16, v18;
	v17 =	vadd.f32 v17, v19  }
0x14e: {  	v55 =	vld [tilespmem:s25+$0xFFFFFEB0];
	v53 =	vadd.f32 v22, v20;
	v54 =	vadd.f32 v23, v21  }
0x14f: {  	v56 =	vld [tilespmem:s25+$0xFFFFFEC0];
	v14 =	vadd.f32 v14, v16;
	v15 =	vadd.f32 v15, v17  }
0x150: {  	v59 =	vld [tilespmem:s25+$0xFFFFFEF0];
	v57 =	vadd.f32 v25, v53;
	v58 =	vadd.f32 v26, v54  }
0x151: {  	v11 =	vadd.f32 v11, v14;
	v13 =	vadd.f32 v13, v15;
	v14 =	vld [tilespmem:s25+$0xFFFFFF00]  }
0x152: {  	v61 =	vld [tilespmem:s25+$0xFFFFFF30];
	v15 =	vadd.f32 v51, v57;
	v60 =	vadd.f32 v52, v58  }
0x153: {  	v11 =	vadd.f32 v4, v11;
	v10 =	vadd.f32 v10, v13;
	v13 =	vld [tilespmem:s25+$0xFFFFFF40]  }
0x154: {  	v15 =	vadd.f32 v55, v15;
	v16 =	vadd.f32 v56, v60;
	v4 =	vld [tilespmem:s25+$0xFFFFFF70]  }
0x155: {  	v11 =	vadd.f32 v5, v11;
	v10 =	vadd.f32 v6, v10;
	v6 =	vld [tilespmem:s25+$0xFFFFFF80]  }
0x156: {  	v15 =	vadd.f32 v59, v15;
	v5 =	vld [tilespmem:s25+$0xFFFFFFB0];
	v14 =	vadd.f32 v14, v16  }
0x157: {  	v62 =	vadd.f32 v7, v11;
	v63 =	vadd.f32 v8, v10;
	v8 =	vld [tilespmem:s25+$0xFFFFFFC0]  }
0x158: {  	v11 =	vadd.f32 v61, v15;
	v7 =	vld [tilespmem:s25+$0xFFFFFFF0];
	v10 =	vadd.f32 v13, v14  }
0x159: {  	s24 =	simm.s32 $0x0;
	v13 =	vadd.f32 v9, v62;
	v12 =	vadd.f32 v12, v63;
	v9 =	vld [tilespmem:s25+$0x0];
	s25 =	simm.s32 $0x45F0  }
.LBB2_9:
0x15a: {  	v14 =	vld [tilespmem:s25+$0xFFFFFFD0];
	v4 =	vadd.f32 v4, v11;
	v6 =	vadd.f32 v6, v10  }
0x15b: {  	v10 =	vld [tilespmem:s25+$0xFFFFFFE0];
	v11 =	vadd.f32 v2, v13;
	v12 =	vadd.f32 v3, v12  }
0x15c: {  	v2 =	vld [tilespmem:s25+$0xFFFFFF90];
	v4 =	vadd.f32 v5, v4;
	v5 =	vadd.f32 v8, v6  }
0x15d: {  	v3 =	vld [tilespmem:s25+$0xFFFFFFA0];
	v6 =	vadd.f32 v0, v11;
	v8 =	vadd.f32 v1, v12  }
0x15e: {  	v12 =	vld [tilespmem:s25+$0xFFFFFF50];
	v4 =	vadd.f32 v7, v4;
	v5 =	vadd.f32 v9, v5  }
0x15f: {  	v9 =	vld [tilespmem:s25+$0xFFFFFF60];
	v0 =	vmov v14  }
0x160: {  	v7 =	vld [tilespmem:s25+$0xFFFFFF10];
	v1 =	vmov v10  }
0x161: {  	v10 =	vld [tilespmem:s25+$0xFFFFFF20]  }
0x162: {  	v11 =	vld [tilespmem:s25+$0xFFFFFED0]  }
0x163: {  	v13 =	vld [tilespmem:s25+$0xFFFFFEE0]  }
0x164: {  	v14 =	vld [tilespmem:s25+$0xFFFFFE90]  }
0x165: {  	v15 =	vld [tilespmem:s25+$0xFFFFFEA0]  }
0x166: {  	v16 =	vld [tilespmem:s25+$0xFFFFFE50]  }
0x167: {  	v17 =	vld [tilespmem:s25+$0xFFFFFE60]  }
0x168: {  	v18 =	vld [tilespmem:s25+$0xFFFFFE10]  }
0x169: {  	v19 =	vld [tilespmem:s25+$0xFFFFFE20]  }
0x16a: {  	v20 =	vld [tilespmem:s25+$0xFFFFFDD0]  }
0x16b: {  	v21 =	vld [tilespmem:s25+$0xFFFFFDE0]  }
0x16c: {  	v22 =	vld [tilespmem:s25+$0xFFFFFD90]  }
0x16d: {  	v23 =	vld [tilespmem:s25+$0xFFFFFDA0]  }
0x16e: {  	v24 =	vld [tilespmem:s25+$0xFFFFFDB0]  }
0x16f: {  	s24 =	sadd.s32 $0xA, s24;
	v25 =	vld [tilespmem:s25+$0xFFFFFDC0]  }
0x170: {  	p1 =	slt.u32 s24, $0x28;
	v26 =	vld [tilespmem:s25+$0xFFFFFDF0]  }
0x171: {  	v27 =	vld [tilespmem:s25+$0xFFFFFE00]  }
0x172: {  	v28 =	vld [tilespmem:s25+$0xFFFFFE30]  }
0x173: {  	v6 =	vadd.f32 v22, v6;
	v8 =	vadd.f32 v23, v8;
	v22 =	vld [tilespmem:s25+$0xFFFFFE40]  }
0x174: {  	v4 =	vadd.f32 v24, v4;
	v5 =	vadd.f32 v25, v5;
	v23 =	vld [tilespmem:s25+$0xFFFFFE70]  }
0x175: {  	v6 =	vadd.f32 v20, v6;
	v8 =	vadd.f32 v21, v8;
	v20 =	vld [tilespmem:s25+$0xFFFFFE80]  }
0x176: {  	v4 =	vadd.f32 v26, v4;
	v5 =	vadd.f32 v27, v5;
	v21 =	vld [tilespmem:s25+$0xFFFFFEB0]  }
0x177: {  	v6 =	vadd.f32 v18, v6;
	v8 =	vadd.f32 v19, v8;
	v18 =	vld [tilespmem:s25+$0xFFFFFEC0]  }
0x178: {  	v4 =	vadd.f32 v28, v4;
	v5 =	vadd.f32 v22, v5;
	v19 =	vld [tilespmem:s25+$0xFFFFFEF0]  }
0x179: {  	v6 =	vadd.f32 v16, v6;
	v8 =	vadd.f32 v17, v8;
	v16 =	vld [tilespmem:s25+$0xFFFFFF00]  }
0x17a: {  	v4 =	vadd.f32 v23, v4;
	v5 =	vadd.f32 v20, v5;
	v17 =	vld [tilespmem:s25+$0xFFFFFF30]  }
0x17b: {  	v6 =	vadd.f32 v14, v6;
	v8 =	vadd.f32 v15, v8;
	v14 =	vld [tilespmem:s25+$0xFFFFFF40]  }
0x17c: {  	v15 =	vadd.f32 v21, v4;
	v5 =	vadd.f32 v18, v5;
	v4 =	vld [tilespmem:s25+$0xFFFFFF70]  }
.Ltmp5:
0x17d: {  	v11 =	vadd.f32 v11, v6;
	v8 =	vadd.f32 v13, v8;
	v6 =	vld [tilespmem:s25+$0xFFFFFF80];
	(pc) =	sbr.rel @p1 .LBB2_9-.Ltmp5, $4  }
0x17e: {  	v13 =	vadd.f32 v19, v15;
	v15 =	vadd.f32 v16, v5;
	v5 =	vld [tilespmem:s25+$0xFFFFFFB0]  }
0x17f: {  	v16 =	vadd.f32 v7, v11;
	v18 =	vadd.f32 v10, v8;
	v8 =	vld [tilespmem:s25+$0xFFFFFFC0]  }
0x180: {  	v11 =	vadd.f32 v17, v13;
	v10 =	vadd.f32 v14, v15;
	v7 =	vld [tilespmem:s25+$0xFFFFFFF0]  }
0x181: {  	v13 =	vadd.f32 v12, v16;
	v12 =	vadd.f32 v9, v18;
	v9 =	vld [tilespmem:s25+$0x0];
	s25 =	sadd.s32 $0x280, s25  }
0x182: {  	_ = 	snop  }
0x183: {  	v4 =	vadd.f32 v4, v11;
	v2 =	vadd.f32 v2, v13  }
0x184: {  	v6 =	vadd.f32 v6, v10;
	v3 =	vadd.f32 v3, v12  }
0x185: {  	v4 =	vadd.f32 v5, v4;
	v0 =	vadd.f32 v0, v2  }
0x186: {  	v2 =	vadd.f32 v8, v6;
	v1 =	vadd.f32 v1, v3  }
0x187: {  	v3 =	vadd.f32 v7, v4;
	[tilespmem:s22+$0x82C0] =	vst v0  }
0x188: {  	v0 =	vadd.f32 v9, v2;
	[tilespmem:s22+$0x82D0] =	vst v1  }
0x189: {  	[tilespmem:s22+$0x82E0] =	vst v3  }
0x18a: {  	s24 =	sadd.s32 @!p0 $0x208, s23;
	s25 =	simm.s32 @!p0 $0x68;
	s26 =	simm.s32 @!p0 $0x3400;
	[tilespmem:s22+$0x82F0] =	vst v0  }
0x18b: {  	[tilespmem:s26], [sflag:$0x2] =	stream.indirect.gather @!p0 [hbm4b:s3+s25], $0x40, s24, s25, $0xb8;
	[tilespmem:$0xA200] =	vst v63  }
0x18c: {  	_ =	swait.ge [sflag:s17], $0x1A00  }
0x18d: {  	[sflag:s17] =	ssyncset.done $0x0  }
0x18e: {  	s31 =	simm.s32 $0x4F40;
	[sflag:s17] =	ssyncadd.s32 $0xFFFFE600  }
0x18f: {  	v0 =	vld [tilespmem:s31+$0x100]  }
0x190: {  	v1 =	vld [tilespmem:s31+$0x110]  }
0x191: {  	v2 =	vld [tilespmem:s31+$0xC0]  }
0x192: {  	v3 =	vld [tilespmem:s31+$0xD0]  }
0x193: {  	v9 =	vld [tilespmem:s31+$0x80]  }
0x194: {  	v12 =	vld [tilespmem:s31+$0x90]  }
0x195: {  	v7 =	vld [tilespmem:s31+$0x40]  }
0x196: {  	v8 =	vld [tilespmem:s31+$0x50]  }
0x197: {  	v5 =	vld [tilespmem:s31+$0x0]  }
0x198: {  	v6 =	vld [tilespmem:s31+$0x10]  }
0x199: {  	v4 =	vld [tilespmem:s31+$0xFFFFFFC0]  }
0x19a: {  	v10 =	vld [tilespmem:s31+$0xFFFFFFD0]  }
0x19b: {  	v11 =	vld [tilespmem:s31+$0xFFFFFF80]  }
0x19c: {  	v13 =	vld [tilespmem:s31+$0xFFFFFF90]  }
0x19d: {  	v14 =	vld [tilespmem:s31+$0xFFFFFF40]  }
0x19e: {  	v15 =	vld [tilespmem:s31+$0xFFFFFF50]  }
0x19f: {  	v16 =	vld [tilespmem:s31+$0xFFFFFF00]  }
0x1a0: {  	v17 =	vld [tilespmem:s31+$0xFFFFFF10]  }
0x1a1: {  	v18 =	vld [tilespmem:s31+$0xFFFFFEC0]  }
0x1a2: {  	v19 =	vld [tilespmem:s31+$0xFFFFFED0]  }
0x1a3: {  	v20 =	vld [tilespmem:s31+$0xFFFFFEE0]  }
0x1a4: {  	v21 =	vld [tilespmem:s31+$0xFFFFFEF0]  }
0x1a5: {  	v22 =	vld [tilespmem:s31+$0xFFFFFF20]  }
0x1a6: {  	v23 =	vld [tilespmem:s31+$0xFFFFFF30]  }
0x1a7: {  	v24 =	vimm.f32 $0.0e+00;
	v25 =	vld [tilespmem:s31+$0xFFFFFF60]  }
0x1a8: {  	v26 =	vld [tilespmem:s31+$0xFFFFFF70];
	v18 =	vadd.f32 v18, v24;
	v19 =	vadd.f32 v19, v24  }
0x1a9: {  	v51 =	vld [tilespmem:s31+$0xFFFFFFA0];
	v20 =	vadd.f32 v20, v24;
	v21 =	vadd.f32 v21, v24  }
0x1aa: {  	v52 =	vld [tilespmem:s31+$0xFFFFFFB0];
	v16 =	vadd.f32 v16, v18;
	v17 =	vadd.f32 v17, v19  }
0x1ab: {  	v55 =	vld [tilespmem:s31+$0xFFFFFFE0];
	v53 =	vadd.f32 v22, v20;
	v54 =	vadd.f32 v23, v21  }
0x1ac: {  	v56 =	vld [tilespmem:s31+$0xFFFFFFF0];
	v14 =	vadd.f32 v14, v16;
	v15 =	vadd.f32 v15, v17  }
0x1ad: {  	v59 =	vld [tilespmem:s31+$0x20];
	v57 =	vadd.f32 v25, v53;
	v58 =	vadd.f32 v26, v54  }
0x1ae: {  	v11 =	vadd.f32 v11, v14;
	v13 =	vadd.f32 v13, v15;
	v14 =	vld [tilespmem:s31+$0x30]  }
0x1af: {  	v61 =	vld [tilespmem:s31+$0x60];
	v15 =	vadd.f32 v51, v57;
	v60 =	vadd.f32 v52, v58  }
0x1b0: {  	v11 =	vadd.f32 v4, v11;
	v10 =	vadd.f32 v10, v13;
	v13 =	vld [tilespmem:s31+$0x70]  }
0x1b1: {  	v15 =	vadd.f32 v55, v15;
	v16 =	vadd.f32 v56, v60;
	v4 =	vld [tilespmem:s31+$0xA0]  }
0x1b2: {  	v11 =	vadd.f32 v5, v11;
	v10 =	vadd.f32 v6, v10;
	v6 =	vld [tilespmem:s31+$0xB0]  }
0x1b3: {  	v15 =	vadd.f32 v59, v15;
	v5 =	vld [tilespmem:s31+$0xE0];
	v14 =	vadd.f32 v14, v16  }
0x1b4: {  	v62 =	vadd.f32 v7, v11;
	v63 =	vadd.f32 v8, v10;
	v8 =	vld [tilespmem:s31+$0xF0]  }
0x1b5: {  	v11 =	vadd.f32 v61, v15;
	v7 =	vld [tilespmem:s31+$0x120];
	v10 =	vadd.f32 v13, v14  }
0x1b6: {  	s24 =	simm.s32 $0x0;
	s25 =	simm.s32 $0x51C0;
	v13 =	vadd.f32 v9, v62;
	v12 =	vadd.f32 v12, v63;
	v9 =	vld [tilespmem:s31+$0x130]  }
.LBB2_11:
0x1b7: {  	v14 =	vld [tilespmem:s25+$0x100];
	v4 =	vadd.f32 v4, v11;
	v6 =	vadd.f32 v6, v10  }
0x1b8: {  	v10 =	vld [tilespmem:s25+$0x110];
	v11 =	vadd.f32 v2, v13;
	v12 =	vadd.f32 v3, v12  }
0x1b9: {  	v2 =	vld [tilespmem:s25+$0xC0];
	v4 =	vadd.f32 v5, v4;
	v5 =	vadd.f32 v8, v6  }
0x1ba: {  	v3 =	vld [tilespmem:s25+$0xD0];
	v6 =	vadd.f32 v0, v11;
	v8 =	vadd.f32 v1, v12  }
0x1bb: {  	v12 =	vld [tilespmem:s25+$0x80];
	v4 =	vadd.f32 v7, v4;
	v5 =	vadd.f32 v9, v5  }
0x1bc: {  	v9 =	vld [tilespmem:s25+$0x90];
	v0 =	vmov v14  }
0x1bd: {  	v7 =	vld [tilespmem:s25+$0x40];
	v1 =	vmov v10  }
0x1be: {  	v10 =	vld [tilespmem:s25+$0x50]  }
0x1bf: {  	v11 =	vld [tilespmem:s25+$0x0]  }
0x1c0: {  	v13 =	vld [tilespmem:s25+$0x10]  }
0x1c1: {  	v14 =	vld [tilespmem:s25+$0xFFFFFFC0]  }
0x1c2: {  	v15 =	vld [tilespmem:s25+$0xFFFFFFD0]  }
0x1c3: {  	v16 =	vld [tilespmem:s25+$0xFFFFFF80]  }
0x1c4: {  	v17 =	vld [tilespmem:s25+$0xFFFFFF90]  }
0x1c5: {  	v18 =	vld [tilespmem:s25+$0xFFFFFF40]  }
0x1c6: {  	v19 =	vld [tilespmem:s25+$0xFFFFFF50]  }
0x1c7: {  	v20 =	vld [tilespmem:s25+$0xFFFFFF00]  }
0x1c8: {  	v21 =	vld [tilespmem:s25+$0xFFFFFF10]  }
0x1c9: {  	v22 =	vld [tilespmem:s25+$0xFFFFFEC0]  }
0x1ca: {  	v23 =	vld [tilespmem:s25+$0xFFFFFED0]  }
0x1cb: {  	v24 =	vld [tilespmem:s25+$0xFFFFFEE0]  }
0x1cc: {  	s24 =	sadd.s32 $0xA, s24;
	v25 =	vld [tilespmem:s25+$0xFFFFFEF0]  }
0x1cd: {  	p1 =	slt.u32 s24, $0x28;
	v26 =	vld [tilespmem:s25+$0xFFFFFF20]  }
0x1ce: {  	v27 =	vld [tilespmem:s25+$0xFFFFFF30]  }
0x1cf: {  	v28 =	vld [tilespmem:s25+$0xFFFFFF60]  }
0x1d0: {  	v6 =	vadd.f32 v22, v6;
	v8 =	vadd.f32 v23, v8;
	v22 =	vld [tilespmem:s25+$0xFFFFFF70]  }
0x1d1: {  	v4 =	vadd.f32 v24, v4;
	v5 =	vadd.f32 v25, v5;
	v23 =	vld [tilespmem:s25+$0xFFFFFFA0]  }
0x1d2: {  	v6 =	vadd.f32 v20, v6;
	v8 =	vadd.f32 v21, v8;
	v20 =	vld [tilespmem:s25+$0xFFFFFFB0]  }
0x1d3: {  	v4 =	vadd.f32 v26, v4;
	v5 =	vadd.f32 v27, v5;
	v21 =	vld [tilespmem:s25+$0xFFFFFFE0]  }
0x1d4: {  	v6 =	vadd.f32 v18, v6;
	v8 =	vadd.f32 v19, v8;
	v18 =	vld [tilespmem:s25+$0xFFFFFFF0]  }
0x1d5: {  	v4 =	vadd.f32 v28, v4;
	v5 =	vadd.f32 v22, v5;
	v19 =	vld [tilespmem:s25+$0x20]  }
0x1d6: {  	v6 =	vadd.f32 v16, v6;
	v8 =	vadd.f32 v17, v8;
	v16 =	vld [tilespmem:s25+$0x30]  }
0x1d7: {  	v4 =	vadd.f32 v23, v4;
	v5 =	vadd.f32 v20, v5;
	v17 =	vld [tilespmem:s25+$0x60]  }
0x1d8: {  	v6 =	vadd.f32 v14, v6;
	v8 =	vadd.f32 v15, v8;
	v14 =	vld [tilespmem:s25+$0x70]  }
0x1d9: {  	v15 =	vadd.f32 v21, v4;
	v5 =	vadd.f32 v18, v5;
	v4 =	vld [tilespmem:s25+$0xA0]  }
.Ltmp6:
0x1da: {  	v11 =	vadd.f32 v11, v6;
	v8 =	vadd.f32 v13, v8;
	v6 =	vld [tilespmem:s25+$0xB0];
	(pc) =	sbr.rel @p1 .LBB2_11-.Ltmp6, $4  }
0x1db: {  	v13 =	vadd.f32 v19, v15;
	v15 =	vadd.f32 v16, v5;
	v5 =	vld [tilespmem:s25+$0xE0]  }
0x1dc: {  	v16 =	vadd.f32 v7, v11;
	v18 =	vadd.f32 v10, v8;
	v8 =	vld [tilespmem:s25+$0xF0]  }
0x1dd: {  	v11 =	vadd.f32 v17, v13;
	v10 =	vadd.f32 v14, v15;
	v7 =	vld [tilespmem:s25+$0x120]  }
0x1de: {  	v13 =	vadd.f32 v12, v16;
	v12 =	vadd.f32 v9, v18;
	v9 =	vld [tilespmem:s25+$0x130];
	s25 =	sadd.s32 $0x280, s25  }
0x1df: {  	_ = 	snop  }
0x1e0: {  	v4 =	vadd.f32 v4, v11;
	v2 =	vadd.f32 v2, v13  }
0x1e1: {  	v6 =	vadd.f32 v6, v10;
	v3 =	vadd.f32 v3, v12  }
0x1e2: {  	v4 =	vadd.f32 v5, v4;
	v0 =	vadd.f32 v0, v2  }
0x1e3: {  	v2 =	vadd.f32 v8, v6;
	v1 =	vadd.f32 v1, v3  }
0x1e4: {  	v3 =	vadd.f32 v7, v4;
	[tilespmem:s22+$0x8300] =	vst v0  }
0x1e5: {  	v0 =	vadd.f32 v9, v2;
	[tilespmem:s22+$0x8310] =	vst v1  }
0x1e6: {  	[tilespmem:s22+$0x8320] =	vst v3  }
0x1e7: {  	s25 =	simm.s32 $0x5D70;
	[tilespmem:s22+$0x8330] =	vst v0  }
0x1e8: {  	v0 =	vld [tilespmem:s25+$0xFFFFFFD0]  }
0x1e9: {  	v1 =	vld [tilespmem:s25+$0xFFFFFFE0]  }
0x1ea: {  	v2 =	vld [tilespmem:s25+$0xFFFFFF90]  }
0x1eb: {  	v3 =	vld [tilespmem:s25+$0xFFFFFFA0]  }
0x1ec: {  	v9 =	vld [tilespmem:s25+$0xFFFFFF50]  }
0x1ed: {  	v12 =	vld [tilespmem:s25+$0xFFFFFF60]  }
0x1ee: {  	v7 =	vld [tilespmem:s25+$0xFFFFFF10]  }
0x1ef: {  	v8 =	vld [tilespmem:s25+$0xFFFFFF20]  }
0x1f0: {  	v5 =	vld [tilespmem:s25+$0xFFFFFED0]  }
0x1f1: {  	v6 =	vld [tilespmem:s25+$0xFFFFFEE0]  }
0x1f2: {  	v4 =	vld [tilespmem:s25+$0xFFFFFE90]  }
0x1f3: {  	v10 =	vld [tilespmem:s25+$0xFFFFFEA0]  }
0x1f4: {  	v11 =	vld [tilespmem:s25+$0xFFFFFE50]  }
0x1f5: {  	v13 =	vld [tilespmem:s25+$0xFFFFFE60]  }
0x1f6: {  	v14 =	vld [tilespmem:s25+$0xFFFFFE10]  }
0x1f7: {  	v15 =	vld [tilespmem:s25+$0xFFFFFE20]  }
0x1f8: {  	v16 =	vld [tilespmem:s25+$0xFFFFFDD0]  }
0x1f9: {  	v17 =	vld [tilespmem:s25+$0xFFFFFDE0]  }
0x1fa: {  	v18 =	vld [tilespmem:s25+$0xFFFFFD90]  }
0x1fb: {  	v19 =	vld [tilespmem:s25+$0xFFFFFDA0]  }
0x1fc: {  	v20 =	vld [tilespmem:s25+$0xFFFFFDB0]  }
0x1fd: {  	v21 =	vld [tilespmem:s25+$0xFFFFFDC0]  }
0x1fe: {  	v22 =	vld [tilespmem:s25+$0xFFFFFDF0]  }
0x1ff: {  	v23 =	vld [tilespmem:s25+$0xFFFFFE00]  }
0x200: {  	v24 =	vimm.f32 $0.0e+00;
	v25 =	vld [tilespmem:s25+$0xFFFFFE30]  }
0x201: {  	v26 =	vld [tilespmem:s25+$0xFFFFFE40];
	v18 =	vadd.f32 v18, v24;
	v19 =	vadd.f32 v19, v24  }
0x202: {  	v51 =	vld [tilespmem:s25+$0xFFFFFE70];
	v20 =	vadd.f32 v20, v24;
	v21 =	vadd.f32 v21, v24  }
0x203: {  	v52 =	vld [tilespmem:s25+$0xFFFFFE80];
	v16 =	vadd.f32 v16, v18;
	v17 =	vadd.f32 v17, v19  }
0x204: {  	v55 =	vld [tilespmem:s25+$0xFFFFFEB0];
	v53 =	vadd.f32 v22, v20;
	v54 =	vadd.f32 v23, v21  }
0x205: {  	v56 =	vld [tilespmem:s25+$0xFFFFFEC0];
	v14 =	vadd.f32 v14, v16;
	v15 =	vadd.f32 v15, v17  }
0x206: {  	v59 =	vld [tilespmem:s25+$0xFFFFFEF0];
	v57 =	vadd.f32 v25, v53;
	v58 =	vadd.f32 v26, v54  }
0x207: {  	v11 =	vadd.f32 v11, v14;
	v13 =	vadd.f32 v13, v15;
	v14 =	vld [tilespmem:s25+$0xFFFFFF00]  }
0x208: {  	v61 =	vld [tilespmem:s25+$0xFFFFFF30];
	v15 =	vadd.f32 v51, v57;
	v60 =	vadd.f32 v52, v58  }
0x209: {  	v11 =	vadd.f32 v4, v11;
	v10 =	vadd.f32 v10, v13;
	v13 =	vld [tilespmem:s25+$0xFFFFFF40]  }
0x20a: {  	v15 =	vadd.f32 v55, v15;
	v16 =	vadd.f32 v56, v60;
	v4 =	vld [tilespmem:s25+$0xFFFFFF70]  }
0x20b: {  	v11 =	vadd.f32 v5, v11;
	v10 =	vadd.f32 v6, v10;
	v6 =	vld [tilespmem:s25+$0xFFFFFF80]  }
0x20c: {  	v15 =	vadd.f32 v59, v15;
	v5 =	vld [tilespmem:s25+$0xFFFFFFB0];
	v14 =	vadd.f32 v14, v16  }
0x20d: {  	v62 =	vadd.f32 v7, v11;
	v63 =	vadd.f32 v8, v10;
	v8 =	vld [tilespmem:s25+$0xFFFFFFC0]  }
0x20e: {  	v11 =	vadd.f32 v61, v15;
	v7 =	vld [tilespmem:s25+$0xFFFFFFF0];
	v10 =	vadd.f32 v13, v14  }
0x20f: {  	s24 =	simm.s32 $0x0;
	v13 =	vadd.f32 v9, v62;
	v12 =	vadd.f32 v12, v63;
	v9 =	vld [tilespmem:s25+$0x0];
	s25 =	simm.s32 $0x5FF0  }
.LBB2_13:
0x210: {  	v14 =	vld [tilespmem:s25+$0xFFFFFFD0];
	v4 =	vadd.f32 v4, v11;
	v6 =	vadd.f32 v6, v10  }
0x211: {  	v10 =	vld [tilespmem:s25+$0xFFFFFFE0];
	v11 =	vadd.f32 v2, v13;
	v12 =	vadd.f32 v3, v12  }
0x212: {  	v2 =	vld [tilespmem:s25+$0xFFFFFF90];
	v4 =	vadd.f32 v5, v4;
	v5 =	vadd.f32 v8, v6  }
0x213: {  	v3 =	vld [tilespmem:s25+$0xFFFFFFA0];
	v6 =	vadd.f32 v0, v11;
	v8 =	vadd.f32 v1, v12  }
0x214: {  	v12 =	vld [tilespmem:s25+$0xFFFFFF50];
	v4 =	vadd.f32 v7, v4;
	v5 =	vadd.f32 v9, v5  }
0x215: {  	v9 =	vld [tilespmem:s25+$0xFFFFFF60];
	v0 =	vmov v14  }
0x216: {  	v7 =	vld [tilespmem:s25+$0xFFFFFF10];
	v1 =	vmov v10  }
0x217: {  	v10 =	vld [tilespmem:s25+$0xFFFFFF20]  }
0x218: {  	v11 =	vld [tilespmem:s25+$0xFFFFFED0]  }
0x219: {  	v13 =	vld [tilespmem:s25+$0xFFFFFEE0]  }
0x21a: {  	v14 =	vld [tilespmem:s25+$0xFFFFFE90]  }
0x21b: {  	v15 =	vld [tilespmem:s25+$0xFFFFFEA0]  }
0x21c: {  	v16 =	vld [tilespmem:s25+$0xFFFFFE50]  }
0x21d: {  	v17 =	vld [tilespmem:s25+$0xFFFFFE60]  }
0x21e: {  	v18 =	vld [tilespmem:s25+$0xFFFFFE10]  }
0x21f: {  	v19 =	vld [tilespmem:s25+$0xFFFFFE20]  }
0x220: {  	v20 =	vld [tilespmem:s25+$0xFFFFFDD0]  }
0x221: {  	v21 =	vld [tilespmem:s25+$0xFFFFFDE0]  }
0x222: {  	v22 =	vld [tilespmem:s25+$0xFFFFFD90]  }
0x223: {  	v23 =	vld [tilespmem:s25+$0xFFFFFDA0]  }
0x224: {  	v24 =	vld [tilespmem:s25+$0xFFFFFDB0]  }
0x225: {  	s24 =	sadd.s32 $0xA, s24;
	v25 =	vld [tilespmem:s25+$0xFFFFFDC0]  }
0x226: {  	p1 =	slt.u32 s24, $0x28;
	v26 =	vld [tilespmem:s25+$0xFFFFFDF0]  }
0x227: {  	v27 =	vld [tilespmem:s25+$0xFFFFFE00]  }
0x228: {  	v28 =	vld [tilespmem:s25+$0xFFFFFE30]  }
0x229: {  	v6 =	vadd.f32 v22, v6;
	v8 =	vadd.f32 v23, v8;
	v22 =	vld [tilespmem:s25+$0xFFFFFE40]  }
0x22a: {  	v4 =	vadd.f32 v24, v4;
	v5 =	vadd.f32 v25, v5;
	v23 =	vld [tilespmem:s25+$0xFFFFFE70]  }
0x22b: {  	v6 =	vadd.f32 v20, v6;
	v8 =	vadd.f32 v21, v8;
	v20 =	vld [tilespmem:s25+$0xFFFFFE80]  }
0x22c: {  	v4 =	vadd.f32 v26, v4;
	v5 =	vadd.f32 v27, v5;
	v21 =	vld [tilespmem:s25+$0xFFFFFEB0]  }
0x22d: {  	v6 =	vadd.f32 v18, v6;
	v8 =	vadd.f32 v19, v8;
	v18 =	vld [tilespmem:s25+$0xFFFFFEC0]  }
0x22e: {  	v4 =	vadd.f32 v28, v4;
	v5 =	vadd.f32 v22, v5;
	v19 =	vld [tilespmem:s25+$0xFFFFFEF0]  }
0x22f: {  	v6 =	vadd.f32 v16, v6;
	v8 =	vadd.f32 v17, v8;
	v16 =	vld [tilespmem:s25+$0xFFFFFF00]  }
0x230: {  	v4 =	vadd.f32 v23, v4;
	v5 =	vadd.f32 v20, v5;
	v17 =	vld [tilespmem:s25+$0xFFFFFF30]  }
0x231: {  	v6 =	vadd.f32 v14, v6;
	v8 =	vadd.f32 v15, v8;
	v14 =	vld [tilespmem:s25+$0xFFFFFF40]  }
0x232: {  	v15 =	vadd.f32 v21, v4;
	v5 =	vadd.f32 v18, v5;
	v4 =	vld [tilespmem:s25+$0xFFFFFF70]  }
.Ltmp7:
0x233: {  	v11 =	vadd.f32 v11, v6;
	v8 =	vadd.f32 v13, v8;
	v6 =	vld [tilespmem:s25+$0xFFFFFF80];
	(pc) =	sbr.rel @p1 .LBB2_13-.Ltmp7, $4  }
0x234: {  	v13 =	vadd.f32 v19, v15;
	v15 =	vadd.f32 v16, v5;
	v5 =	vld [tilespmem:s25+$0xFFFFFFB0]  }
0x235: {  	v16 =	vadd.f32 v7, v11;
	v18 =	vadd.f32 v10, v8;
	v8 =	vld [tilespmem:s25+$0xFFFFFFC0]  }
0x236: {  	v11 =	vadd.f32 v17, v13;
	v10 =	vadd.f32 v14, v15;
	v7 =	vld [tilespmem:s25+$0xFFFFFFF0]  }
0x237: {  	v13 =	vadd.f32 v12, v16;
	v12 =	vadd.f32 v9, v18;
	v9 =	vld [tilespmem:s25+$0x0];
	s25 =	sadd.s32 $0x280, s25  }
0x238: {  	_ = 	snop  }
0x239: {  	v4 =	vadd.f32 v4, v11;
	v2 =	vadd.f32 v2, v13  }
0x23a: {  	v6 =	vadd.f32 v6, v10;
	v3 =	vadd.f32 v3, v12  }
0x23b: {  	v4 =	vadd.f32 v5, v4;
	v0 =	vadd.f32 v0, v2  }
0x23c: {  	v2 =	vadd.f32 v8, v6;
	v1 =	vadd.f32 v1, v3  }
0x23d: {  	v3 =	vadd.f32 v7, v4;
	[tilespmem:s22+$0x8340] =	vst v0  }
0x23e: {  	v0 =	vadd.f32 v9, v2;
	[tilespmem:s22+$0x8350] =	vst v1  }
0x23f: {  	[tilespmem:s22+$0x8360] =	vst v3  }
0x240: {  	s23 =	sadd.s32 @!p0 $0x270, s23;
	s24 =	simm.s32 @!p0 $0x68;
	s25 =	simm.s32 @!p0 $0x4E00;
	[tilespmem:s22+$0x8370] =	vst v0  }
0x241: {  	[tilespmem:s25], [sflag:$0x3] =	stream.indirect.gather @!p0 [hbm4b:s3+s24], $0x40, s23, s24, $0xb8;
	[tilespmem:$0xA200] =	vst v63  }
0x242: {  	_ =	swait.ge [sflag:s18], $0x1A00  }
0x243: {  	[sflag:s18] =	ssyncset.done $0x0  }
0x244: {  	s31 =	simm.s32 $0x6940;
	[sflag:s18] =	ssyncadd.s32 $0xFFFFE600  }
0x245: {  	v0 =	vld [tilespmem:s31+$0x100]  }
0x246: {  	v1 =	vld [tilespmem:s31+$0x110]  }
0x247: {  	v2 =	vld [tilespmem:s31+$0xC0]  }
0x248: {  	v3 =	vld [tilespmem:s31+$0xD0]  }
0x249: {  	v9 =	vld [tilespmem:s31+$0x80]  }
0x24a: {  	v12 =	vld [tilespmem:s31+$0x90]  }
0x24b: {  	v7 =	vld [tilespmem:s31+$0x40]  }
0x24c: {  	v8 =	vld [tilespmem:s31+$0x50]  }
0x24d: {  	v5 =	vld [tilespmem:s31+$0x0]  }
0x24e: {  	v6 =	vld [tilespmem:s31+$0x10]  }
0x24f: {  	v4 =	vld [tilespmem:s31+$0xFFFFFFC0]  }
0x250: {  	v10 =	vld [tilespmem:s31+$0xFFFFFFD0]  }
0x251: {  	v11 =	vld [tilespmem:s31+$0xFFFFFF80]  }
0x252: {  	v13 =	vld [tilespmem:s31+$0xFFFFFF90]  }
0x253: {  	v14 =	vld [tilespmem:s31+$0xFFFFFF40]  }
0x254: {  	v15 =	vld [tilespmem:s31+$0xFFFFFF50]  }
0x255: {  	v16 =	vld [tilespmem:s31+$0xFFFFFF00]  }
0x256: {  	v17 =	vld [tilespmem:s31+$0xFFFFFF10]  }
0x257: {  	v18 =	vld [tilespmem:s31+$0xFFFFFEC0]  }
0x258: {  	v19 =	vld [tilespmem:s31+$0xFFFFFED0]  }
0x259: {  	v20 =	vld [tilespmem:s31+$0xFFFFFEE0]  }
0x25a: {  	v21 =	vld [tilespmem:s31+$0xFFFFFEF0]  }
0x25b: {  	v22 =	vld [tilespmem:s31+$0xFFFFFF20]  }
0x25c: {  	v23 =	vld [tilespmem:s31+$0xFFFFFF30]  }
0x25d: {  	v24 =	vimm.f32 $0.0e+00;
	v25 =	vld [tilespmem:s31+$0xFFFFFF60]  }
0x25e: {  	v26 =	vld [tilespmem:s31+$0xFFFFFF70];
	v18 =	vadd.f32 v18, v24;
	v19 =	vadd.f32 v19, v24  }
0x25f: {  	v51 =	vld [tilespmem:s31+$0xFFFFFFA0];
	v20 =	vadd.f32 v20, v24;
	v21 =	vadd.f32 v21, v24  }
0x260: {  	v52 =	vld [tilespmem:s31+$0xFFFFFFB0];
	v16 =	vadd.f32 v16, v18;
	v17 =	vadd.f32 v17, v19  }
0x261: {  	v55 =	vld [tilespmem:s31+$0xFFFFFFE0];
	v53 =	vadd.f32 v22, v20;
	v54 =	vadd.f32 v23, v21  }
0x262: {  	v56 =	vld [tilespmem:s31+$0xFFFFFFF0];
	v14 =	vadd.f32 v14, v16;
	v15 =	vadd.f32 v15, v17  }
0x263: {  	v59 =	vld [tilespmem:s31+$0x20];
	v57 =	vadd.f32 v25, v53;
	v58 =	vadd.f32 v26, v54  }
0x264: {  	v11 =	vadd.f32 v11, v14;
	v13 =	vadd.f32 v13, v15;
	v14 =	vld [tilespmem:s31+$0x30]  }
0x265: {  	v61 =	vld [tilespmem:s31+$0x60];
	v15 =	vadd.f32 v51, v57;
	v60 =	vadd.f32 v52, v58  }
0x266: {  	v11 =	vadd.f32 v4, v11;
	v10 =	vadd.f32 v10, v13;
	v13 =	vld [tilespmem:s31+$0x70]  }
0x267: {  	v15 =	vadd.f32 v55, v15;
	v16 =	vadd.f32 v56, v60;
	v4 =	vld [tilespmem:s31+$0xA0]  }
0x268: {  	v11 =	vadd.f32 v5, v11;
	v10 =	vadd.f32 v6, v10;
	v6 =	vld [tilespmem:s31+$0xB0]  }
0x269: {  	v15 =	vadd.f32 v59, v15;
	v5 =	vld [tilespmem:s31+$0xE0];
	v14 =	vadd.f32 v14, v16  }
0x26a: {  	v62 =	vadd.f32 v7, v11;
	v63 =	vadd.f32 v8, v10;
	v8 =	vld [tilespmem:s31+$0xF0]  }
0x26b: {  	v11 =	vadd.f32 v61, v15;
	v7 =	vld [tilespmem:s31+$0x120];
	v10 =	vadd.f32 v13, v14  }
0x26c: {  	s23 =	simm.s32 $0x0;
	s24 =	simm.s32 $0x6BC0;
	v13 =	vadd.f32 v9, v62;
	v12 =	vadd.f32 v12, v63;
	v9 =	vld [tilespmem:s31+$0x130]  }
.LBB2_15:
0x26d: {  	v14 =	vld [tilespmem:s24+$0x100];
	v4 =	vadd.f32 v4, v11;
	v6 =	vadd.f32 v6, v10  }
0x26e: {  	v10 =	vld [tilespmem:s24+$0x110];
	v11 =	vadd.f32 v2, v13;
	v12 =	vadd.f32 v3, v12  }
0x26f: {  	v2 =	vld [tilespmem:s24+$0xC0];
	v4 =	vadd.f32 v5, v4;
	v5 =	vadd.f32 v8, v6  }
0x270: {  	v3 =	vld [tilespmem:s24+$0xD0];
	v6 =	vadd.f32 v0, v11;
	v8 =	vadd.f32 v1, v12  }
0x271: {  	v12 =	vld [tilespmem:s24+$0x80];
	v4 =	vadd.f32 v7, v4;
	v5 =	vadd.f32 v9, v5  }
0x272: {  	v9 =	vld [tilespmem:s24+$0x90];
	v0 =	vmov v14  }
0x273: {  	v7 =	vld [tilespmem:s24+$0x40];
	v1 =	vmov v10  }
0x274: {  	v10 =	vld [tilespmem:s24+$0x50]  }
0x275: {  	v11 =	vld [tilespmem:s24+$0x0]  }
0x276: {  	v13 =	vld [tilespmem:s24+$0x10]  }
0x277: {  	v14 =	vld [tilespmem:s24+$0xFFFFFFC0]  }
0x278: {  	v15 =	vld [tilespmem:s24+$0xFFFFFFD0]  }
0x279: {  	v16 =	vld [tilespmem:s24+$0xFFFFFF80]  }
0x27a: {  	v17 =	vld [tilespmem:s24+$0xFFFFFF90]  }
0x27b: {  	v18 =	vld [tilespmem:s24+$0xFFFFFF40]  }
0x27c: {  	v19 =	vld [tilespmem:s24+$0xFFFFFF50]  }
0x27d: {  	v20 =	vld [tilespmem:s24+$0xFFFFFF00]  }
0x27e: {  	v21 =	vld [tilespmem:s24+$0xFFFFFF10]  }
0x27f: {  	v22 =	vld [tilespmem:s24+$0xFFFFFEC0]  }
0x280: {  	v23 =	vld [tilespmem:s24+$0xFFFFFED0]  }
0x281: {  	v24 =	vld [tilespmem:s24+$0xFFFFFEE0]  }
0x282: {  	s23 =	sadd.s32 $0xA, s23;
	v25 =	vld [tilespmem:s24+$0xFFFFFEF0]  }
0x283: {  	p1 =	slt.u32 s23, $0x28;
	v26 =	vld [tilespmem:s24+$0xFFFFFF20]  }
0x284: {  	v27 =	vld [tilespmem:s24+$0xFFFFFF30]  }
0x285: {  	v28 =	vld [tilespmem:s24+$0xFFFFFF60]  }
0x286: {  	v6 =	vadd.f32 v22, v6;
	v8 =	vadd.f32 v23, v8;
	v22 =	vld [tilespmem:s24+$0xFFFFFF70]  }
0x287: {  	v4 =	vadd.f32 v24, v4;
	v5 =	vadd.f32 v25, v5;
	v23 =	vld [tilespmem:s24+$0xFFFFFFA0]  }
0x288: {  	v6 =	vadd.f32 v20, v6;
	v8 =	vadd.f32 v21, v8;
	v20 =	vld [tilespmem:s24+$0xFFFFFFB0]  }
0x289: {  	v4 =	vadd.f32 v26, v4;
	v5 =	vadd.f32 v27, v5;
	v21 =	vld [tilespmem:s24+$0xFFFFFFE0]  }
0x28a: {  	v6 =	vadd.f32 v18, v6;
	v8 =	vadd.f32 v19, v8;
	v18 =	vld [tilespmem:s24+$0xFFFFFFF0]  }
0x28b: {  	v4 =	vadd.f32 v28, v4;
	v5 =	vadd.f32 v22, v5;
	v19 =	vld [tilespmem:s24+$0x20]  }
0x28c: {  	v6 =	vadd.f32 v16, v6;
	v8 =	vadd.f32 v17, v8;
	v16 =	vld [tilespmem:s24+$0x30]  }
0x28d: {  	v4 =	vadd.f32 v23, v4;
	v5 =	vadd.f32 v20, v5;
	v17 =	vld [tilespmem:s24+$0x60]  }
0x28e: {  	v6 =	vadd.f32 v14, v6;
	v8 =	vadd.f32 v15, v8;
	v14 =	vld [tilespmem:s24+$0x70]  }
0x28f: {  	v15 =	vadd.f32 v21, v4;
	v5 =	vadd.f32 v18, v5;
	v4 =	vld [tilespmem:s24+$0xA0]  }
.Ltmp8:
0x290: {  	v11 =	vadd.f32 v11, v6;
	v8 =	vadd.f32 v13, v8;
	v6 =	vld [tilespmem:s24+$0xB0];
	(pc) =	sbr.rel @p1 .LBB2_15-.Ltmp8, $4  }
0x291: {  	v13 =	vadd.f32 v19, v15;
	v15 =	vadd.f32 v16, v5;
	v5 =	vld [tilespmem:s24+$0xE0]  }
0x292: {  	v16 =	vadd.f32 v7, v11;
	v18 =	vadd.f32 v10, v8;
	v8 =	vld [tilespmem:s24+$0xF0]  }
0x293: {  	v11 =	vadd.f32 v17, v13;
	v10 =	vadd.f32 v14, v15;
	v7 =	vld [tilespmem:s24+$0x120]  }
0x294: {  	v13 =	vadd.f32 v12, v16;
	v12 =	vadd.f32 v9, v18;
	v9 =	vld [tilespmem:s24+$0x130];
	s24 =	sadd.s32 $0x280, s24  }
0x295: {  	_ = 	snop  }
0x296: {  	v4 =	vadd.f32 v4, v11;
	v2 =	vadd.f32 v2, v13  }
0x297: {  	v6 =	vadd.f32 v6, v10;
	v3 =	vadd.f32 v3, v12  }
0x298: {  	v4 =	vadd.f32 v5, v4;
	v0 =	vadd.f32 v0, v2  }
0x299: {  	v2 =	vadd.f32 v8, v6;
	v1 =	vadd.f32 v1, v3  }
0x29a: {  	v3 =	vadd.f32 v7, v4;
	[tilespmem:s22+$0x8380] =	vst v0  }
0x29b: {  	v0 =	vadd.f32 v9, v2;
	[tilespmem:s22+$0x8390] =	vst v1  }
0x29c: {  	[tilespmem:s22+$0x83A0] =	vst v3  }
0x29d: {  	s24 =	simm.s32 $0x7770;
	[tilespmem:s22+$0x83B0] =	vst v0  }
0x29e: {  	v0 =	vld [tilespmem:s24+$0xFFFFFFD0]  }
0x29f: {  	v1 =	vld [tilespmem:s24+$0xFFFFFFE0]  }
0x2a0: {  	v2 =	vld [tilespmem:s24+$0xFFFFFF90]  }
0x2a1: {  	v3 =	vld [tilespmem:s24+$0xFFFFFFA0]  }
0x2a2: {  	v9 =	vld [tilespmem:s24+$0xFFFFFF50]  }
0x2a3: {  	v12 =	vld [tilespmem:s24+$0xFFFFFF60]  }
0x2a4: {  	v7 =	vld [tilespmem:s24+$0xFFFFFF10]  }
0x2a5: {  	v8 =	vld [tilespmem:s24+$0xFFFFFF20]  }
0x2a6: {  	v5 =	vld [tilespmem:s24+$0xFFFFFED0]  }
0x2a7: {  	v6 =	vld [tilespmem:s24+$0xFFFFFEE0]  }
0x2a8: {  	v4 =	vld [tilespmem:s24+$0xFFFFFE90]  }
0x2a9: {  	v10 =	vld [tilespmem:s24+$0xFFFFFEA0]  }
0x2aa: {  	v11 =	vld [tilespmem:s24+$0xFFFFFE50]  }
0x2ab: {  	v13 =	vld [tilespmem:s24+$0xFFFFFE60]  }
0x2ac: {  	v14 =	vld [tilespmem:s24+$0xFFFFFE10]  }
0x2ad: {  	v15 =	vld [tilespmem:s24+$0xFFFFFE20]  }
0x2ae: {  	v16 =	vld [tilespmem:s24+$0xFFFFFDD0]  }
0x2af: {  	v17 =	vld [tilespmem:s24+$0xFFFFFDE0]  }
0x2b0: {  	v18 =	vld [tilespmem:s24+$0xFFFFFD90]  }
0x2b1: {  	v19 =	vld [tilespmem:s24+$0xFFFFFDA0]  }
0x2b2: {  	v20 =	vld [tilespmem:s24+$0xFFFFFDB0]  }
0x2b3: {  	v21 =	vld [tilespmem:s24+$0xFFFFFDC0]  }
0x2b4: {  	v22 =	vld [tilespmem:s24+$0xFFFFFDF0]  }
0x2b5: {  	v23 =	vld [tilespmem:s24+$0xFFFFFE00]  }
0x2b6: {  	v24 =	vimm.f32 $0.0e+00;
	v25 =	vld [tilespmem:s24+$0xFFFFFE30]  }
0x2b7: {  	v26 =	vld [tilespmem:s24+$0xFFFFFE40];
	v18 =	vadd.f32 v18, v24;
	v19 =	vadd.f32 v19, v24  }
0x2b8: {  	v51 =	vld [tilespmem:s24+$0xFFFFFE70];
	v20 =	vadd.f32 v20, v24;
	v21 =	vadd.f32 v21, v24  }
0x2b9: {  	v52 =	vld [tilespmem:s24+$0xFFFFFE80];
	v16 =	vadd.f32 v16, v18;
	v17 =	vadd.f32 v17, v19  }
0x2ba: {  	v55 =	vld [tilespmem:s24+$0xFFFFFEB0];
	v53 =	vadd.f32 v22, v20;
	v54 =	vadd.f32 v23, v21  }
0x2bb: {  	v56 =	vld [tilespmem:s24+$0xFFFFFEC0];
	v14 =	vadd.f32 v14, v16;
	v15 =	vadd.f32 v15, v17  }
0x2bc: {  	v59 =	vld [tilespmem:s24+$0xFFFFFEF0];
	v57 =	vadd.f32 v25, v53;
	v58 =	vadd.f32 v26, v54  }
0x2bd: {  	v11 =	vadd.f32 v11, v14;
	v13 =	vadd.f32 v13, v15;
	v14 =	vld [tilespmem:s24+$0xFFFFFF00]  }
0x2be: {  	v61 =	vld [tilespmem:s24+$0xFFFFFF30];
	v15 =	vadd.f32 v51, v57;
	v60 =	vadd.f32 v52, v58  }
0x2bf: {  	v11 =	vadd.f32 v4, v11;
	v10 =	vadd.f32 v10, v13;
	v13 =	vld [tilespmem:s24+$0xFFFFFF40]  }
0x2c0: {  	v15 =	vadd.f32 v55, v15;
	v16 =	vadd.f32 v56, v60;
	v4 =	vld [tilespmem:s24+$0xFFFFFF70]  }
0x2c1: {  	v11 =	vadd.f32 v5, v11;
	v10 =	vadd.f32 v6, v10;
	v6 =	vld [tilespmem:s24+$0xFFFFFF80]  }
0x2c2: {  	v15 =	vadd.f32 v59, v15;
	v5 =	vld [tilespmem:s24+$0xFFFFFFB0];
	v14 =	vadd.f32 v14, v16  }
0x2c3: {  	v62 =	vadd.f32 v7, v11;
	v63 =	vadd.f32 v8, v10;
	v8 =	vld [tilespmem:s24+$0xFFFFFFC0]  }
0x2c4: {  	v11 =	vadd.f32 v61, v15;
	v7 =	vld [tilespmem:s24+$0xFFFFFFF0];
	v10 =	vadd.f32 v13, v14  }
0x2c5: {  	s23 =	simm.s32 $0x0;
	v13 =	vadd.f32 v9, v62;
	v12 =	vadd.f32 v12, v63;
	v9 =	vld [tilespmem:s24+$0x0];
	s24 =	simm.s32 $0x79F0  }
.LBB2_17:
0x2c6: {  	v14 =	vld [tilespmem:s24+$0xFFFFFFD0];
	v4 =	vadd.f32 v4, v11;
	v6 =	vadd.f32 v6, v10  }
0x2c7: {  	v10 =	vld [tilespmem:s24+$0xFFFFFFE0];
	v11 =	vadd.f32 v2, v13;
	v12 =	vadd.f32 v3, v12  }
0x2c8: {  	v2 =	vld [tilespmem:s24+$0xFFFFFF90];
	v4 =	vadd.f32 v5, v4;
	v5 =	vadd.f32 v8, v6  }
0x2c9: {  	v3 =	vld [tilespmem:s24+$0xFFFFFFA0];
	v6 =	vadd.f32 v0, v11;
	v8 =	vadd.f32 v1, v12  }
0x2ca: {  	v12 =	vld [tilespmem:s24+$0xFFFFFF50];
	v4 =	vadd.f32 v7, v4;
	v5 =	vadd.f32 v9, v5  }
0x2cb: {  	v9 =	vld [tilespmem:s24+$0xFFFFFF60];
	v0 =	vmov v14  }
0x2cc: {  	v7 =	vld [tilespmem:s24+$0xFFFFFF10];
	v1 =	vmov v10  }
0x2cd: {  	v10 =	vld [tilespmem:s24+$0xFFFFFF20]  }
0x2ce: {  	v11 =	vld [tilespmem:s24+$0xFFFFFED0]  }
0x2cf: {  	v13 =	vld [tilespmem:s24+$0xFFFFFEE0]  }
0x2d0: {  	v14 =	vld [tilespmem:s24+$0xFFFFFE90]  }
0x2d1: {  	v15 =	vld [tilespmem:s24+$0xFFFFFEA0]  }
0x2d2: {  	v16 =	vld [tilespmem:s24+$0xFFFFFE50]  }
0x2d3: {  	v17 =	vld [tilespmem:s24+$0xFFFFFE60]  }
0x2d4: {  	v18 =	vld [tilespmem:s24+$0xFFFFFE10]  }
0x2d5: {  	v19 =	vld [tilespmem:s24+$0xFFFFFE20]  }
0x2d6: {  	v20 =	vld [tilespmem:s24+$0xFFFFFDD0]  }
0x2d7: {  	v21 =	vld [tilespmem:s24+$0xFFFFFDE0]  }
0x2d8: {  	v22 =	vld [tilespmem:s24+$0xFFFFFD90]  }
0x2d9: {  	v23 =	vld [tilespmem:s24+$0xFFFFFDA0]  }
0x2da: {  	v24 =	vld [tilespmem:s24+$0xFFFFFDB0]  }
0x2db: {  	s23 =	sadd.s32 $0xA, s23;
	v25 =	vld [tilespmem:s24+$0xFFFFFDC0]  }
0x2dc: {  	p1 =	slt.u32 s23, $0x28;
	v26 =	vld [tilespmem:s24+$0xFFFFFDF0]  }
0x2dd: {  	v27 =	vld [tilespmem:s24+$0xFFFFFE00]  }
0x2de: {  	v28 =	vld [tilespmem:s24+$0xFFFFFE30]  }
0x2df: {  	v6 =	vadd.f32 v22, v6;
	v8 =	vadd.f32 v23, v8;
	v22 =	vld [tilespmem:s24+$0xFFFFFE40]  }
0x2e0: {  	v4 =	vadd.f32 v24, v4;
	v5 =	vadd.f32 v25, v5;
	v23 =	vld [tilespmem:s24+$0xFFFFFE70]  }
0x2e1: {  	v6 =	vadd.f32 v20, v6;
	v8 =	vadd.f32 v21, v8;
	v20 =	vld [tilespmem:s24+$0xFFFFFE80]  }
0x2e2: {  	v4 =	vadd.f32 v26, v4;
	v5 =	vadd.f32 v27, v5;
	v21 =	vld [tilespmem:s24+$0xFFFFFEB0]  }
0x2e3: {  	v6 =	vadd.f32 v18, v6;
	v8 =	vadd.f32 v19, v8;
	v18 =	vld [tilespmem:s24+$0xFFFFFEC0]  }
0x2e4: {  	v4 =	vadd.f32 v28, v4;
	v5 =	vadd.f32 v22, v5;
	v19 =	vld [tilespmem:s24+$0xFFFFFEF0]  }
0x2e5: {  	v6 =	vadd.f32 v16, v6;
	v8 =	vadd.f32 v17, v8;
	v16 =	vld [tilespmem:s24+$0xFFFFFF00]  }
0x2e6: {  	v4 =	vadd.f32 v23, v4;
	v5 =	vadd.f32 v20, v5;
	v17 =	vld [tilespmem:s24+$0xFFFFFF30]  }
0x2e7: {  	v6 =	vadd.f32 v14, v6;
	v8 =	vadd.f32 v15, v8;
	v14 =	vld [tilespmem:s24+$0xFFFFFF40]  }
0x2e8: {  	v15 =	vadd.f32 v21, v4;
	v5 =	vadd.f32 v18, v5;
	v4 =	vld [tilespmem:s24+$0xFFFFFF70]  }
.Ltmp9:
0x2e9: {  	v11 =	vadd.f32 v11, v6;
	v8 =	vadd.f32 v13, v8;
	v6 =	vld [tilespmem:s24+$0xFFFFFF80];
	(pc) =	sbr.rel @p1 .LBB2_17-.Ltmp9, $4  }
0x2ea: {  	v13 =	vadd.f32 v19, v15;
	v15 =	vadd.f32 v16, v5;
	v5 =	vld [tilespmem:s24+$0xFFFFFFB0]  }
0x2eb: {  	v16 =	vadd.f32 v7, v11;
	v18 =	vadd.f32 v10, v8;
	v8 =	vld [tilespmem:s24+$0xFFFFFFC0]  }
0x2ec: {  	v11 =	vadd.f32 v17, v13;
	v10 =	vadd.f32 v14, v15;
	v7 =	vld [tilespmem:s24+$0xFFFFFFF0]  }
0x2ed: {  	v13 =	vadd.f32 v12, v16;
	v12 =	vadd.f32 v9, v18;
	v9 =	vld [tilespmem:s24+$0x0];
	s24 =	sadd.s32 $0x280, s24  }
0x2ee: {  	_ = 	snop  }
0x2ef: {  	v4 =	vadd.f32 v4, v11;
	v2 =	vadd.f32 v2, v13  }
0x2f0: {  	v6 =	vadd.f32 v6, v10;
	v3 =	vadd.f32 v3, v12  }
0x2f1: {  	v4 =	vadd.f32 v5, v4;
	v0 =	vadd.f32 v0, v2  }
.Ltmp10:
0x2f2: {  	v61 =	vadd.f32 v8, v6;
	v1 =	vadd.f32 v1, v3;
	(pc) =	sbr.rel @p0 .LBB2_20-.Ltmp10, $4  }
0x2f3: {  	v62 =	vadd.f32 v7, v4;
	[tilespmem:s22+$0x83C0] =	vst v0  }
0x2f4: {  	v63 =	vadd.f32 v9, v61;
	[tilespmem:s22+$0x83D0] =	vst v1  }
0x2f5: {  	[tilespmem:s22+$0x83E0] =	vst v62  }
0x2f6: {  	[tilespmem:s22+$0x83F0] =	vst v63  }
0x2f7: {  	s22 =	smul.u32 $0x680, s21  }
.Ltmp11:
0x2f8: {  	_ = 	snop;
	(pc) =	sbr.rel .LBB2_2-.Ltmp11, $4  }
0x2f9: {  	_ = 	snop  }
0x2fa: {  	s22 =	sshra.s32 s22, $0x2  }
0x2fb: {  	s21 =	sadd.s32 $0x1, s21;
	s22 =	sadd.s32 $0x2D8, s22  }
0x2fc: {  	[tilespmem:s14], [sflag:$0x4] =	stream.indirect.gather [hbm4b:s3+s8], $0x40, s22, s8, $0xb8;
	[tilespmem:$0xA200] =	vst v63  }
.LBB2_21:
0x2fd: {  	_ =	sfence.sel $0x180000  }
0x2fe: {  	[bflag:$0x0] =	sbarrier.arrive $0xFFFF  }
0x2ff: {  	p0 =	sne.s32 s1, $0x0;
	_ =	strace $0x90000047  }
0x300: {  	s0 =	sadd.s32 @!p0 $0x100000, s0;
	[bflag:$0x2] =	sbarrier.arrive $0xFFFF  }
0x301: {  	[sflag:s0] =	ssyncadd.tile.s32 @!p0 $0x1;
	_ =	shalt  }
.Lfunc_end2:
_tile_overlayer_lowered:
.L_overlay_start_2:
0x302: {  	(tag) =	ssettag $0x2  }
0x303: {  	s0 =	rddreg [dreg:$0x0];
	s2 =	stileid.u32  }
0x304: {  	s1 =	rddreg [dreg:$0x1];
	p0 =	sne.s32 s2, $0x0  }
0x305: {  	s3 =	rddreg [dreg:$0x2];
	[bflag:$0x3] =	sbarrier.arrive $0xFFFF;
	s2 =	simm.s32 @!p0 $0x1C05  }
0x306: {  	[timem:s3], [sflag:s2] =	dma.local @!p0 [hbm:s0], s1  }
0x307: {  	s0 =	simm.s32 @!p0 $0x5  }
0x308: {  	_ =	swait.ge @!p0 [sflag:s0], s1  }
0x309: {  	s1 =	ssub.s32 @!p0 $0x0, s1;
	[sflag:s0] =	ssyncset.done @!p0 $0x0  }
0x30a: {  	[sflag:s0] =	ssyncadd.s32 @!p0 s1  }
0x30b: {  	[bflag:$0x3] =	sbarrier.arrive $0xFFFF  }
0x30c: {  	_ =	shalt  }

</sc_bundles>
